<compile_context>
chip_gen: v7x
topology: tpu7x:2x2x1
jax: 0.10.2.dev20260603
libtpu: 0.0.44.dev20260713+nightly
codegen_flags: <defaults>
</compile_context>

<pallas_src>
import jax
import jax.numpy as jnp
from jax import lax
from jax.experimental import pallas as pl
from jax.experimental.pallas import tpu as pltpu
from jax.experimental.pallas import tpu_sc as plsc

N_NODES = 10000
D_FEAT = 128
N_EDGES = 320000

NC = 2
NS = 16
HALF = D_FEAT // NC
CHUNK = 128
NBUF = 5
PHASES = 8
PEDGES = 2560
NG = PEDGES // CHUNK
EPT = PHASES * PEDGES
BP = NS * EPT
NSCHUNKS = BP // CHUNK
XS_ROWS = 10016
ACC_ROWS = 10240
ZROWS = ACC_ROWS // NS
OROWS = 624
OROWS_LAST = N_NODES - 15 * OROWS


def _sc_body(x0h, x1h, idxjh, idxih, outh, idxj_v, idxi_v, rows_v, zbuf,
             xs, acc, gs0, gs1, gs2, gs3, gs4, ss0, ss1, ss2, ss3, ss4):
    c = lax.axis_index("c")
    s = lax.axis_index("s")
    cbase = c * HALF
    gsem = (gs0, gs1, gs2, gs3, gs4)
    ssem = (ss0, ss1, ss2, ss3, ss4)

    def slot(b, n=CHUNK):
        return rows_v.at[pl.ds(b * CHUNK, n)]

    xr0 = s * 640
    nlast = 400 - 3 * CHUNK

    def stage_issue(blk, n):
        r0 = xr0 + blk * CHUNK

        @pl.when(c == 0)
        def _():
            pltpu.async_copy(x0h.at[pl.ds(r0, n)], slot(blk, n), gsem[blk])

        @pl.when(c != 0)
        def _():
            pltpu.async_copy(x1h.at[pl.ds(r0, n)], slot(blk, n), gsem[blk])

    def stage_push(blk, n):
        r0 = xr0 + blk * CHUNK
        pltpu.make_async_copy(x0h.at[pl.ds(0, n)], slot(blk, n),
                              gsem[blk]).wait()
        pltpu.async_copy(slot(blk, n), xs.at[pl.ds(r0, n)], ssem[blk])

    def stage_drain(blk, n):
        pltpu.make_async_copy(x0h.at[pl.ds(0, n)], slot(blk, n),
                              ssem[blk]).wait()

    @pl.when(s != NS - 1)
    def _():
        for blk in range(5):
            stage_issue(blk, CHUNK)
        for blk in range(5):
            stage_push(blk, CHUNK)
        for blk in range(5):
            stage_drain(blk, CHUNK)

    @pl.when(s == NS - 1)
    def _():
        for blk in range(3):
            stage_issue(blk, CHUNK)
        stage_issue(3, nlast)
        for blk in range(3):
            stage_push(blk, CHUNK)
        stage_push(3, nlast)
        for blk in range(3):
            stage_drain(blk, CHUNK)
        stage_drain(3, nlast)

    zv = jnp.zeros((16,), jnp.float32)
    for r in range(16):
        for q in range(HALF // 16):
            zbuf[r, pl.ds(q * 16, 16)] = zv

    def zbody(i, carry):
        for b in range(NBUF):
            pltpu.async_copy(
                zbuf, acc.at[pl.ds(s * ZROWS + (i * NBUF + b) * 16, 16)],
                ssem[b])
        return carry

    lax.fori_loop(0, ZROWS // (16 * NBUF), zbody, 0)
    for b in range(NBUF):
        pltpu.make_async_copy(x0h.at[pl.ds(0, CHUNK)], slot(b),
                              ssem[b]).wait()
    plsc.subcore_barrier()

    def issue_gather(ch, b):
        pltpu.async_copy(
            xs.at[idxj_v.at[pl.ds(ch * CHUNK, CHUNK)]], slot(b), gsem[b])

    def drain(sem, b):
        pltpu.make_async_copy(x0h.at[pl.ds(0, CHUNK)], slot(b), sem).wait()

    def phase(p, carry):
        pltpu.async_copy(
            idxjh.at[pl.ds(s * EPT + p * PEDGES, PEDGES)], idxj_v, gsem[0])
        pltpu.async_copy(
            idxih.at[pl.ds(s * (EPT // CHUNK) + p * NG, NG)], idxi_v, gsem[1])
        pltpu.make_async_copy(
            idxjh.at[pl.ds(0, PEDGES)], idxj_v, gsem[0]).wait()
        pltpu.make_async_copy(
            idxih.at[pl.ds(0, NG)], idxi_v, gsem[1]).wait()

        for b in range(NBUF):
            issue_gather(b, b)

        def mbody(i, carry2):
            g = i * NBUF
            for b in range(NBUF):
                drain(gsem[b], b)
                pltpu.async_copy(
                    slot(b), acc.at[idxi_v.at[g + b]], ssem[b], add=True)
            for b in range(NBUF):
                drain(ssem[b], b)

                @pl.when(g + b + NBUF < NG)
                def _():
                    issue_gather(g + b + NBUF, b)
            return carry2

        lax.fori_loop(0, NG // NBUF, mbody, 0)
        return carry

    lax.fori_loop(0, PHASES, phase, 0)
    plsc.subcore_barrier()

    r0 = s * OROWS

    @pl.when(s != NS - 1)
    def _():
        pltpu.sync_copy(acc.at[pl.ds(r0, OROWS)],
                        outh.at[pl.ds(r0, OROWS), pl.ds(cbase, HALF)])

    @pl.when(s == NS - 1)
    def _():
        pltpu.sync_copy(acc.at[pl.ds(r0, OROWS_LAST)],
                        outh.at[pl.ds(r0, OROWS_LAST), pl.ds(cbase, HALF)])


@jax.jit
def _sc_call(x0, x1, idxj, idxi):
    mesh = plsc.VectorSubcoreMesh(core_axis_name="c", subcore_axis_name="s")
    return pl.kernel(
        _sc_body,
        out_type=jax.ShapeDtypeStruct((N_NODES, D_FEAT), jnp.float32),
        mesh=mesh,
        compiler_params=pltpu.CompilerParams(use_tc_tiling_on_sc=False),
        scratch_types=[
            pltpu.VMEM((PEDGES,), jnp.int32),
            pltpu.VMEM((NG, CHUNK), jnp.int32),
            pltpu.VMEM((NBUF * CHUNK, HALF), jnp.float32),
            pltpu.VMEM((16, HALF), jnp.float32),
            pltpu.VMEM_SHARED((XS_ROWS, HALF), jnp.float32),
            pltpu.VMEM_SHARED((ACC_ROWS, HALF), jnp.float32),
        ] + [pltpu.SemaphoreType.DMA] * 10,
    )(x0, x1, idxj, idxi)


def kernel(x, a3_indices, e3):
    del e3
    idx_j = a3_indices[:, 1]
    idx_i = a3_indices[:, 2]
    pad = BP - N_EDGES
    idx_j = jnp.concatenate([idx_j, jnp.zeros((pad,), jnp.int32)])
    idx_i = jnp.concatenate(
        [idx_i, jnp.full((pad,), N_NODES, jnp.int32)]).reshape(NSCHUNKS, CHUNK)
    return _sc_call(x[:, :HALF], x[:, HALF:], idx_j, idx_i)

# --- scband reference (transcript-rebuilt; emitter-appended) ---
"""Pipeline reference for scband-message3-passing-30803505447332 (READ-ONLY COPY).

The authoritative reference and input builder live on the scoring server;
editing this copy changes nothing except your own understanding.
"""

import jax, jax.numpy as jnp
import numpy as np

N_NODES = 10000
N_EDGES = 320000
D_FEAT = 128
D_EDGE = 16


def setup_inputs(seed: int = 0) -> dict:
    key = jax.random.key(seed)
    k1, k2, k3 = jax.random.split(key, 3)
    x = jax.random.normal(k1, (N_NODES, D_FEAT), dtype=jnp.float32)
    # Sparse 3rd-order adjacency represented by its COO index rows: [k, j, i]
    a3_indices = jax.random.randint(k2, (N_EDGES, 3), 0, N_NODES, dtype=jnp.int32)
    e3 = jax.random.normal(k3, (N_EDGES, D_EDGE), dtype=jnp.float32)
    return {"x": x, "a3_indices": a3_indices, "e3": e3}


def reference(x, a3_indices, e3):
    # Message3Passing.propagate with default message/aggregate/update:
    #   index_i = a3.indices[:, 2]; index_j = a3.indices[:, 1]
    #   messages   = gather(x, index_j)            (message = get_j)
    #   embeddings = scatter_sum(messages, index_i, n_nodes)  (aggregate='sum')
    #   output     = embeddings                     (update = identity)
    n_nodes = x.shape[0]
    index_i = a3_indices[:, 2]
    index_j = a3_indices[:, 1]
    messages = jnp.take(x, index_j, axis=0)
    embeddings = jax.ops.segment_sum(messages, index_i, num_segments=n_nodes)
    return embeddings

if __name__ == "__main__":
    import jax
    _d = setup_inputs()
    print(jax.jit(kernel)(*tuple(_d.values())))

</pallas_src>

<mosaic_0001>
#map = affine_map<(d0, d1) -> (0, 0)>
#map1 = affine_map<(d0, d1) -> (0)>
module attributes {stable_mosaic.version = 14 : i64} {
  func.func @_sc_body(%arg0: i32, %arg1: i32, %arg2: memref<10000x64xf32, #tpu.memory_space<hbm>>, %arg3: memref<10000x64xf32, #tpu.memory_space<hbm>>, %arg4: memref<327680xi32, #tpu.memory_space<hbm>>, %arg5: memref<2560x128xi32, #tpu.memory_space<hbm>>, %arg6: memref<10000x128xf32, #tpu.memory_space<hbm>>, %arg7: memref<2560xi32, #tpu.memory_space<vmem>>, %arg8: memref<20x128xi32, #tpu.memory_space<vmem>>, %arg9: memref<640x64xf32, #tpu.memory_space<vmem>>, %arg10: memref<16x64xf32, #tpu.memory_space<vmem>>, %arg11: memref<10016x64xf32, #tpu.memory_space<vmem_shared>>, %arg12: memref<10240x64xf32, #tpu.memory_space<vmem_shared>>, %arg13: memref<!tpu.dma_semaphore, #tpu.memory_space<semaphore_mem>>, %arg14: memref<!tpu.dma_semaphore, #tpu.memory_space<semaphore_mem>>, %arg15: memref<!tpu.dma_semaphore, #tpu.memory_space<semaphore_mem>>, %arg16: memref<!tpu.dma_semaphore, #tpu.memory_space<semaphore_mem>>, %arg17: memref<!tpu.dma_semaphore, #tpu.memory_space<semaphore_mem>>, %arg18: memref<!tpu.dma_semaphore, #tpu.memory_space<semaphore_mem>>, %arg19: memref<!tpu.dma_semaphore, #tpu.memory_space<semaphore_mem>>, %arg20: memref<!tpu.dma_semaphore, #tpu.memory_space<semaphore_mem>>, %arg21: memref<!tpu.dma_semaphore, #tpu.memory_space<semaphore_mem>>, %arg22: memref<!tpu.dma_semaphore, #tpu.memory_space<semaphore_mem>>) attributes {dimension_semantics = [#tpu.dimension_semantics<core_parallel>, #tpu.dimension_semantics<subcore_parallel>], iteration_bounds = array<i64: 2, 16>, scalar_prefetch = 0 : i64, scratch_operands = 16 : i64, tpu.core_type = #tpu.core_type<sc_vector_subcore>, window_params = [{transform_indices = #map}, {transform_indices = #map}, {transform_indices = #map1}, {transform_indices = #map}, {transform_indices = #map}]} {
    %mul3A = arith.constant 64 : i32
    %mul3A_0 = arith.muli %arg0, %mul3A : i32
    %mul3A_1 = arith.constant 640 : i32
    %mul3A_2 = arith.muli %arg1, %mul3A_1 : i32
    %ne3A = arith.constant 15 : i32
    %ne3A_3 = arith.cmpi ne, %arg1, %ne3A : i32
    %convert_element_type3A = arith.extui %ne3A_3 : i1 to i32
    %cond3A = arith.constant 0 : i32
    %cond3A_4 = arith.cmpi ne, %convert_element_type3A, %cond3A : i32
    scf.if %cond3A_4 {
      %add3A = arith.constant 0 : i32
      %add3A_476 = arith.addi %mul3A_2, %add3A : i32
      %eq3A_477 = arith.constant 0 : i32
      %eq3A_478 = arith.cmpi eq, %arg0, %eq3A_477 : i32
      %convert_element_type3A_479 = arith.extui %eq3A_478 : i1 to i32
      %cond3A_480 = arith.constant 0 : i32
      %cond3A_481 = arith.cmpi ne, %convert_element_type3A_479, %cond3A_480 : i32
      scf.if %cond3A_481 {
        %dma_start3A_714 = arith.constant 0 : i32
        %dma_start3A_715 = arith.constant 0 : i32
        %dma_start3A_716 = tpu.memref_slice %arg9[%dma_start3A_714, %dma_start3A_715] : memref<640x64xf32, #tpu.memory_space<vmem>> -> memref<128x64xf32, #tpu.memory_space<vmem>>
        %dma_start3A_717 = arith.constant 0 : i32
        %dma_start3A_718 = tpu.memref_slice %arg2[%add3A_476, %dma_start3A_717] : memref<10000x64xf32, #tpu.memory_space<hbm>> -> memref<128x64xf32, #tpu.memory_space<hbm>>
        %dma_start3A_719 = arith.constant 0 : i32
        %dma_start3A_720 = arith.constant 0 : i32
        %dma_start3A_721 = tpu.memref_slice %arg9[%dma_start3A_719, %dma_start3A_720] : memref<640x64xf32, #tpu.memory_space<vmem>> -> memref<128x64xf32, #tpu.memory_space<vmem>>
        %dma_start3A_722 = arith.constant 0 : i32
        %dma_start3A_723 = tpu.memref_slice %arg2[%add3A_476, %dma_start3A_722] : memref<10000x64xf32, #tpu.memory_space<hbm>> -> memref<128x64xf32, #tpu.memory_space<hbm>>
        tpu.enqueue_dma source(%dma_start3A_723 : memref<128x64xf32, #tpu.memory_space<hbm>>) target(%dma_start3A_721 : memref<128x64xf32, #tpu.memory_space<vmem>>) target_semaphore(%arg13 : memref<!tpu.dma_semaphore, #tpu.memory_space<semaphore_mem>>)
      } else {
      }
      %ne3A_482 = arith.constant 0 : i32
      %ne3A_483 = arith.cmpi ne, %arg0, %ne3A_482 : i32
      %convert_element_type3A_484 = arith.extui %ne3A_483 : i1 to i32
      %cond3A_485 = arith.constant 0 : i32
      %cond3A_486 = arith.cmpi ne, %convert_element_type3A_484, %cond3A_485 : i32
      scf.if %cond3A_486 {
        %dma_start3A_714 = arith.constant 0 : i32
        %dma_start3A_715 = arith.constant 0 : i32
        %dma_start3A_716 = tpu.memref_slice %arg9[%dma_start3A_714, %dma_start3A_715] : memref<640x64xf32, #tpu.memory_space<vmem>> -> memref<128x64xf32, #tpu.memory_space<vmem>>
        %dma_start3A_717 = arith.constant 0 : i32
        %dma_start3A_718 = tpu.memref_slice %arg3[%add3A_476, %dma_start3A_717] : memref<10000x64xf32, #tpu.memory_space<hbm>> -> memref<128x64xf32, #tpu.memory_space<hbm>>
        %dma_start3A_719 = arith.constant 0 : i32
        %dma_start3A_720 = arith.constant 0 : i32
        %dma_start3A_721 = tpu.memref_slice %arg9[%dma_start3A_719, %dma_start3A_720] : memref<640x64xf32, #tpu.memory_space<vmem>> -> memref<128x64xf32, #tpu.memory_space<vmem>>
        %dma_start3A_722 = arith.constant 0 : i32
        %dma_start3A_723 = tpu.memref_slice %arg3[%add3A_476, %dma_start3A_722] : memref<10000x64xf32, #tpu.memory_space<hbm>> -> memref<128x64xf32, #tpu.memory_space<hbm>>
        tpu.enqueue_dma source(%dma_start3A_723 : memref<128x64xf32, #tpu.memory_space<hbm>>) target(%dma_start3A_721 : memref<128x64xf32, #tpu.memory_space<vmem>>) target_semaphore(%arg13 : memref<!tpu.dma_semaphore, #tpu.memory_space<semaphore_mem>>)
      } else {
      }
      %add3A_487 = arith.constant 128 : i32
      %add3A_488 = arith.addi %mul3A_2, %add3A_487 : i32
      %eq3A_489 = arith.constant 0 : i32
      %eq3A_490 = arith.cmpi eq, %arg0, %eq3A_489 : i32
      %convert_element_type3A_491 = arith.extui %eq3A_490 : i1 to i32
      %cond3A_492 = arith.constant 0 : i32
      %cond3A_493 = arith.cmpi ne, %convert_element_type3A_491, %cond3A_492 : i32
      scf.if %cond3A_493 {
        %dma_start3A_714 = arith.constant 128 : i32
        %dma_start3A_715 = arith.constant 0 : i32
        %dma_start3A_716 = tpu.memref_slice %arg9[%dma_start3A_714, %dma_start3A_715] : memref<640x64xf32, #tpu.memory_space<vmem>> -> memref<128x64xf32, #tpu.memory_space<vmem>>
        %dma_start3A_717 = arith.constant 0 : i32
        %dma_start3A_718 = tpu.memref_slice %arg2[%add3A_488, %dma_start3A_717] : memref<10000x64xf32, #tpu.memory_space<hbm>> -> memref<128x64xf32, #tpu.memory_space<hbm>>
        %dma_start3A_719 = arith.constant 128 : i32
        %dma_start3A_720 = arith.constant 0 : i32
        %dma_start3A_721 = tpu.memref_slice %arg9[%dma_start3A_719, %dma_start3A_720] : memref<640x64xf32, #tpu.memory_space<vmem>> -> memref<128x64xf32, #tpu.memory_space<vmem>>
        %dma_start3A_722 = arith.constant 0 : i32
        %dma_start3A_723 = tpu.memref_slice %arg2[%add3A_488, %dma_start3A_722] : memref<10000x64xf32, #tpu.memory_space<hbm>> -> memref<128x64xf32, #tpu.memory_space<hbm>>
        tpu.enqueue_dma source(%dma_start3A_723 : memref<128x64xf32, #tpu.memory_space<hbm>>) target(%dma_start3A_721 : memref<128x64xf32, #tpu.memory_space<vmem>>) target_semaphore(%arg14 : memref<!tpu.dma_semaphore, #tpu.memory_space<semaphore_mem>>)
      } else {
      }
      %ne3A_494 = arith.constant 0 : i32
      %ne3A_495 = arith.cmpi ne, %arg0, %ne3A_494 : i32
      %convert_element_type3A_496 = arith.extui %ne3A_495 : i1 to i32
      %cond3A_497 = arith.constant 0 : i32
      %cond3A_498 = arith.cmpi ne, %convert_element_type3A_496, %cond3A_497 : i32
      scf.if %cond3A_498 {
        %dma_start3A_714 = arith.constant 128 : i32
        %dma_start3A_715 = arith.constant 0 : i32
        %dma_start3A_716 = tpu.memref_slice %arg9[%dma_start3A_714, %dma_start3A_715] : memref<640x64xf32, #tpu.memory_space<vmem>> -> memref<128x64xf32, #tpu.memory_space<vmem>>
        %dma_start3A_717 = arith.constant 0 : i32
        %dma_start3A_718 = tpu.memref_slice %arg3[%add3A_488, %dma_start3A_717] : memref<10000x64xf32, #tpu.memory_space<hbm>> -> memref<128x64xf32, #tpu.memory_space<hbm>>
        %dma_start3A_719 = arith.constant 128 : i32
        %dma_start3A_720 = arith.constant 0 : i32
        %dma_start3A_721 = tpu.memref_slice %arg9[%dma_start3A_719, %dma_start3A_720] : memref<640x64xf32, #tpu.memory_space<vmem>> -> memref<128x64xf32, #tpu.memory_space<vmem>>
        %dma_start3A_722 = arith.constant 0 : i32
        %dma_start3A_723 = tpu.memref_slice %arg3[%add3A_488, %dma_start3A_722] : memref<10000x64xf32, #tpu.memory_space<hbm>> -> memref<128x64xf32, #tpu.memory_space<hbm>>
        tpu.enqueue_dma source(%dma_start3A_723 : memref<128x64xf32, #tpu.memory_space<hbm>>) target(%dma_start3A_721 : memref<128x64xf32, #tpu.memory_space<vmem>>) target_semaphore(%arg14 : memref<!tpu.dma_semaphore, #tpu.memory_space<semaphore_mem>>)
      } else {
      }
      %add3A_499 = arith.constant 256 : i32
      %add3A_500 = arith.addi %mul3A_2, %add3A_499 : i32
      %eq3A_501 = arith.constant 0 : i32
      %eq3A_502 = arith.cmpi eq, %arg0, %eq3A_501 : i32
      %convert_element_type3A_503 = arith.extui %eq3A_502 : i1 to i32
      %cond3A_504 = arith.constant 0 : i32
      %cond3A_505 = arith.cmpi ne, %convert_element_type3A_503, %cond3A_504 : i32
      scf.if %cond3A_505 {
        %dma_start3A_714 = arith.constant 256 : i32
        %dma_start3A_715 = arith.constant 0 : i32
        %dma_start3A_716 = tpu.memref_slice %arg9[%dma_start3A_714, %dma_start3A_715] : memref<640x64xf32, #tpu.memory_space<vmem>> -> memref<128x64xf32, #tpu.memory_space<vmem>>
        %dma_start3A_717 = arith.constant 0 : i32
        %dma_start3A_718 = tpu.memref_slice %arg2[%add3A_500, %dma_start3A_717] : memref<10000x64xf32, #tpu.memory_space<hbm>> -> memref<128x64xf32, #tpu.memory_space<hbm>>
        %dma_start3A_719 = arith.constant 256 : i32
        %dma_start3A_720 = arith.constant 0 : i32
        %dma_start3A_721 = tpu.memref_slice %arg9[%dma_start3A_719, %dma_start3A_720] : memref<640x64xf32, #tpu.memory_space<vmem>> -> memref<128x64xf32, #tpu.memory_space<vmem>>
        %dma_start3A_722 = arith.constant 0 : i32
        %dma_start3A_723 = tpu.memref_slice %arg2[%add3A_500, %dma_start3A_722] : memref<10000x64xf32, #tpu.memory_space<hbm>> -> memref<128x64xf32, #tpu.memory_space<hbm>>
        tpu.enqueue_dma source(%dma_start3A_723 : memref<128x64xf32, #tpu.memory_space<hbm>>) target(%dma_start3A_721 : memref<128x64xf32, #tpu.memory_space<vmem>>) target_semaphore(%arg15 : memref<!tpu.dma_semaphore, #tpu.memory_space<semaphore_mem>>)
      } else {
      }
      %ne3A_506 = arith.constant 0 : i32
      %ne3A_507 = arith.cmpi ne, %arg0, %ne3A_506 : i32
      %convert_element_type3A_508 = arith.extui %ne3A_507 : i1 to i32
      %cond3A_509 = arith.constant 0 : i32
      %cond3A_510 = arith.cmpi ne, %convert_element_type3A_508, %cond3A_509 : i32
      scf.if %cond3A_510 {
        %dma_start3A_714 = arith.constant 256 : i32
        %dma_start3A_715 = arith.constant 0 : i32
        %dma_start3A_716 = tpu.memref_slice %arg9[%dma_start3A_714, %dma_start3A_715] : memref<640x64xf32, #tpu.memory_space<vmem>> -> memref<128x64xf32, #tpu.memory_space<vmem>>
        %dma_start3A_717 = arith.constant 0 : i32
        %dma_start3A_718 = tpu.memref_slice %arg3[%add3A_500, %dma_start3A_717] : memref<10000x64xf32, #tpu.memory_space<hbm>> -> memref<128x64xf32, #tpu.memory_space<hbm>>
        %dma_start3A_719 = arith.constant 256 : i32
        %dma_start3A_720 = arith.constant 0 : i32
        %dma_start3A_721 = tpu.memref_slice %arg9[%dma_start3A_719, %dma_start3A_720] : memref<640x64xf32, #tpu.memory_space<vmem>> -> memref<128x64xf32, #tpu.memory_space<vmem>>
        %dma_start3A_722 = arith.constant 0 : i32
        %dma_start3A_723 = tpu.memref_slice %arg3[%add3A_500, %dma_start3A_722] : memref<10000x64xf32, #tpu.memory_space<hbm>> -> memref<128x64xf32, #tpu.memory_space<hbm>>
        tpu.enqueue_dma source(%dma_start3A_723 : memref<128x64xf32, #tpu.memory_space<hbm>>) target(%dma_start3A_721 : memref<128x64xf32, #tpu.memory_space<vmem>>) target_semaphore(%arg15 : memref<!tpu.dma_semaphore, #tpu.memory_space<semaphore_mem>>)
      } else {
      }
      %add3A_511 = arith.constant 384 : i32
      %add3A_512 = arith.addi %mul3A_2, %add3A_511 : i32
      %eq3A_513 = arith.constant 0 : i32
      %eq3A_514 = arith.cmpi eq, %arg0, %eq3A_513 : i32
      %convert_element_type3A_515 = arith.extui %eq3A_514 : i1 to i32
      %cond3A_516 = arith.constant 0 : i32
      %cond3A_517 = arith.cmpi ne, %convert_element_type3A_515, %cond3A_516 : i32
      scf.if %cond3A_517 {
        %dma_start3A_714 = arith.constant 384 : i32
        %dma_start3A_715 = arith.constant 0 : i32
        %dma_start3A_716 = tpu.memref_slice %arg9[%dma_start3A_714, %dma_start3A_715] : memref<640x64xf32, #tpu.memory_space<vmem>> -> memref<128x64xf32, #tpu.memory_space<vmem>>
        %dma_start3A_717 = arith.constant 0 : i32
        %dma_start3A_718 = tpu.memref_slice %arg2[%add3A_512, %dma_start3A_717] : memref<10000x64xf32, #tpu.memory_space<hbm>> -> memref<128x64xf32, #tpu.memory_space<hbm>>
        %dma_start3A_719 = arith.constant 384 : i32
        %dma_start3A_720 = arith.constant 0 : i32
        %dma_start3A_721 = tpu.memref_slice %arg9[%dma_start3A_719, %dma_start3A_720] : memref<640x64xf32, #tpu.memory_space<vmem>> -> memref<128x64xf32, #tpu.memory_space<vmem>>
        %dma_start3A_722 = arith.constant 0 : i32
        %dma_start3A_723 = tpu.memref_slice %arg2[%add3A_512, %dma_start3A_722] : memref<10000x64xf32, #tpu.memory_space<hbm>> -> memref<128x64xf32, #tpu.memory_space<hbm>>
        tpu.enqueue_dma source(%dma_start3A_723 : memref<128x64xf32, #tpu.memory_space<hbm>>) target(%dma_start3A_721 : memref<128x64xf32, #tpu.memory_space<vmem>>) target_semaphore(%arg16 : memref<!tpu.dma_semaphore, #tpu.memory_space<semaphore_mem>>)
      } else {
      }
      %ne3A_518 = arith.constant 0 : i32
      %ne3A_519 = arith.cmpi ne, %arg0, %ne3A_518 : i32
      %convert_element_type3A_520 = arith.extui %ne3A_519 : i1 to i32
      %cond3A_521 = arith.constant 0 : i32
      %cond3A_522 = arith.cmpi ne, %convert_element_type3A_520, %cond3A_521 : i32
      scf.if %cond3A_522 {
        %dma_start3A_714 = arith.constant 384 : i32
        %dma_start3A_715 = arith.constant 0 : i32
        %dma_start3A_716 = tpu.memref_slice %arg9[%dma_start3A_714, %dma_start3A_715] : memref<640x64xf32, #tpu.memory_space<vmem>> -> memref<128x64xf32, #tpu.memory_space<vmem>>
        %dma_start3A_717 = arith.constant 0 : i32
        %dma_start3A_718 = tpu.memref_slice %arg3[%add3A_512, %dma_start3A_717] : memref<10000x64xf32, #tpu.memory_space<hbm>> -> memref<128x64xf32, #tpu.memory_space<hbm>>
        %dma_start3A_719 = arith.constant 384 : i32
        %dma_start3A_720 = arith.constant 0 : i32
        %dma_start3A_721 = tpu.memref_slice %arg9[%dma_start3A_719, %dma_start3A_720] : memref<640x64xf32, #tpu.memory_space<vmem>> -> memref<128x64xf32, #tpu.memory_space<vmem>>
        %dma_start3A_722 = arith.constant 0 : i32
        %dma_start3A_723 = tpu.memref_slice %arg3[%add3A_512, %dma_start3A_722] : memref<10000x64xf32, #tpu.memory_space<hbm>> -> memref<128x64xf32, #tpu.memory_space<hbm>>
        tpu.enqueue_dma source(%dma_start3A_723 : memref<128x64xf32, #tpu.memory_space<hbm>>) target(%dma_start3A_721 : memref<128x64xf32, #tpu.memory_space<vmem>>) target_semaphore(%arg16 : memref<!tpu.dma_semaphore, #tpu.memory_space<semaphore_mem>>)
      } else {
      }
      %add3A_523 = arith.constant 512 : i32
      %add3A_524 = arith.addi %mul3A_2, %add3A_523 : i32
      %eq3A_525 = arith.constant 0 : i32
      %eq3A_526 = arith.cmpi eq, %arg0, %eq3A_525 : i32
      %convert_element_type3A_527 = arith.extui %eq3A_526 : i1 to i32
      %cond3A_528 = arith.constant 0 : i32
      %cond3A_529 = arith.cmpi ne, %convert_element_type3A_527, %cond3A_528 : i32
      scf.if %cond3A_529 {
        %dma_start3A_714 = arith.constant 512 : i32
        %dma_start3A_715 = arith.constant 0 : i32
        %dma_start3A_716 = tpu.memref_slice %arg9[%dma_start3A_714, %dma_start3A_715] : memref<640x64xf32, #tpu.memory_space<vmem>> -> memref<128x64xf32, #tpu.memory_space<vmem>>
        %dma_start3A_717 = arith.constant 0 : i32
        %dma_start3A_718 = tpu.memref_slice %arg2[%add3A_524, %dma_start3A_717] : memref<10000x64xf32, #tpu.memory_space<hbm>> -> memref<128x64xf32, #tpu.memory_space<hbm>>
        %dma_start3A_719 = arith.constant 512 : i32
        %dma_start3A_720 = arith.constant 0 : i32
        %dma_start3A_721 = tpu.memref_slice %arg9[%dma_start3A_719, %dma_start3A_720] : memref<640x64xf32, #tpu.memory_space<vmem>> -> memref<128x64xf32, #tpu.memory_space<vmem>>
        %dma_start3A_722 = arith.constant 0 : i32
        %dma_start3A_723 = tpu.memref_slice %arg2[%add3A_524, %dma_start3A_722] : memref<10000x64xf32, #tpu.memory_space<hbm>> -> memref<128x64xf32, #tpu.memory_space<hbm>>
        tpu.enqueue_dma source(%dma_start3A_723 : memref<128x64xf32, #tpu.memory_space<hbm>>) target(%dma_start3A_721 : memref<128x64xf32, #tpu.memory_space<vmem>>) target_semaphore(%arg17 : memref<!tpu.dma_semaphore, #tpu.memory_space<semaphore_mem>>)
      } else {
      }
      %ne3A_530 = arith.constant 0 : i32
      %ne3A_531 = arith.cmpi ne, %arg0, %ne3A_530 : i32
      %convert_element_type3A_532 = arith.extui %ne3A_531 : i1 to i32
      %cond3A_533 = arith.constant 0 : i32
      %cond3A_534 = arith.cmpi ne, %convert_element_type3A_532, %cond3A_533 : i32
      scf.if %cond3A_534 {
        %dma_start3A_714 = arith.constant 512 : i32
        %dma_start3A_715 = arith.constant 0 : i32
        %dma_start3A_716 = tpu.memref_slice %arg9[%dma_start3A_714, %dma_start3A_715] : memref<640x64xf32, #tpu.memory_space<vmem>> -> memref<128x64xf32, #tpu.memory_space<vmem>>
        %dma_start3A_717 = arith.constant 0 : i32
        %dma_start3A_718 = tpu.memref_slice %arg3[%add3A_524, %dma_start3A_717] : memref<10000x64xf32, #tpu.memory_space<hbm>> -> memref<128x64xf32, #tpu.memory_space<hbm>>
        %dma_start3A_719 = arith.constant 512 : i32
        %dma_start3A_720 = arith.constant 0 : i32
        %dma_start3A_721 = tpu.memref_slice %arg9[%dma_start3A_719, %dma_start3A_720] : memref<640x64xf32, #tpu.memory_space<vmem>> -> memref<128x64xf32, #tpu.memory_space<vmem>>
        %dma_start3A_722 = arith.constant 0 : i32
        %dma_start3A_723 = tpu.memref_slice %arg3[%add3A_524, %dma_start3A_722] : memref<10000x64xf32, #tpu.memory_space<hbm>> -> memref<128x64xf32, #tpu.memory_space<hbm>>
        tpu.enqueue_dma source(%dma_start3A_723 : memref<128x64xf32, #tpu.memory_space<hbm>>) target(%dma_start3A_721 : memref<128x64xf32, #tpu.memory_space<vmem>>) target_semaphore(%arg17 : memref<!tpu.dma_semaphore, #tpu.memory_space<semaphore_mem>>)
      } else {
      }
      %add3A_535 = arith.constant 0 : i32
      %add3A_536 = arith.addi %mul3A_2, %add3A_535 : i32
      %dma_wait3A_537 = arith.constant 0 : i32
      %dma_wait3A_538 = arith.constant 0 : i32
      %dma_wait3A_539 = tpu.memref_slice %arg9[%dma_wait3A_537, %dma_wait3A_538] : memref<640x64xf32, #tpu.memory_space<vmem>> -> memref<128x64xf32, #tpu.memory_space<vmem>>
      %dma_wait3A_540 = arith.constant 0 : i32
      %dma_wait3A_541 = arith.constant 0 : i32
      %dma_wait3A_542 = tpu.memref_slice %arg2[%dma_wait3A_540, %dma_wait3A_541] : memref<10000x64xf32, #tpu.memory_space<hbm>> -> memref<128x64xf32, #tpu.memory_space<hbm>>
      %dma_wait3A_543 = arith.constant 0 : i32
      %dma_wait3A_544 = arith.constant 0 : i32
      %dma_wait3A_545 = tpu.memref_slice %arg9[%dma_wait3A_543, %dma_wait3A_544] : memref<640x64xf32, #tpu.memory_space<vmem>> -> memref<128x64xf32, #tpu.memory_space<vmem>>
      %dma_wait3A_546 = arith.constant 0 : i32
      %dma_wait3A_547 = arith.constant 0 : i32
      %dma_wait3A_548 = tpu.memref_slice %arg2[%dma_wait3A_546, %dma_wait3A_547] : memref<10000x64xf32, #tpu.memory_space<hbm>> -> memref<128x64xf32, #tpu.memory_space<hbm>>
      tpu.wait_dma2 semaphore(%arg13 : memref<!tpu.dma_semaphore, #tpu.memory_space<semaphore_mem>>) src(%dma_wait3A_548 : memref<128x64xf32, #tpu.memory_space<hbm>>) dst(%dma_wait3A_545 : memref<128x64xf32, #tpu.memory_space<vmem>>)
      %dma_start3A = arith.constant 0 : i32
      %dma_start3A_549 = arith.constant 0 : i32
      %dma_start3A_550 = tpu.memref_slice %arg9[%dma_start3A, %dma_start3A_549] : memref<640x64xf32, #tpu.memory_space<vmem>> -> memref<128x64xf32, #tpu.memory_space<vmem>>
      %dma_start3A_551 = arith.constant 0 : i32
      %dma_start3A_552 = tpu.memref_slice %arg11[%add3A_536, %dma_start3A_551] : memref<10016x64xf32, #tpu.memory_space<vmem_shared>> -> memref<128x64xf32, #tpu.memory_space<vmem_shared>>
      %dma_start3A_553 = arith.constant 0 : i32
      %dma_start3A_554 = tpu.memref_slice %arg11[%add3A_536, %dma_start3A_553] : memref<10016x64xf32, #tpu.memory_space<vmem_shared>> -> memref<128x64xf32, #tpu.memory_space<vmem_shared>>
      %dma_start3A_555 = arith.constant 0 : i32
      %dma_start3A_556 = arith.constant 0 : i32
      %dma_start3A_557 = tpu.memref_slice %arg9[%dma_start3A_555, %dma_start3A_556] : memref<640x64xf32, #tpu.memory_space<vmem>> -> memref<128x64xf32, #tpu.memory_space<vmem>>
      tpu.enqueue_dma source(%dma_start3A_557 : memref<128x64xf32, #tpu.memory_space<vmem>>) target(%dma_start3A_554 : memref<128x64xf32, #tpu.memory_space<vmem_shared>>) target_semaphore(%arg18 : memref<!tpu.dma_semaphore, #tpu.memory_space<semaphore_mem>>)
      %add3A_558 = arith.constant 128 : i32
      %add3A_559 = arith.addi %mul3A_2, %add3A_558 : i32
      %dma_wait3A_560 = arith.constant 128 : i32
      %dma_wait3A_561 = arith.constant 0 : i32
      %dma_wait3A_562 = tpu.memref_slice %arg9[%dma_wait3A_560, %dma_wait3A_561] : memref<640x64xf32, #tpu.memory_space<vmem>> -> memref<128x64xf32, #tpu.memory_space<vmem>>
      %dma_wait3A_563 = arith.constant 0 : i32
      %dma_wait3A_564 = arith.constant 0 : i32
      %dma_wait3A_565 = tpu.memref_slice %arg2[%dma_wait3A_563, %dma_wait3A_564] : memref<10000x64xf32, #tpu.memory_space<hbm>> -> memref<128x64xf32, #tpu.memory_space<hbm>>
      %dma_wait3A_566 = arith.constant 128 : i32
      %dma_wait3A_567 = arith.constant 0 : i32
      %dma_wait3A_568 = tpu.memref_slice %arg9[%dma_wait3A_566, %dma_wait3A_567] : memref<640x64xf32, #tpu.memory_space<vmem>> -> memref<128x64xf32, #tpu.memory_space<vmem>>
      %dma_wait3A_569 = arith.constant 0 : i32
      %dma_wait3A_570 = arith.constant 0 : i32
      %dma_wait3A_571 = tpu.memref_slice %arg2[%dma_wait3A_569, %dma_wait3A_570] : memref<10000x64xf32, #tpu.memory_space<hbm>> -> memref<128x64xf32, #tpu.memory_space<hbm>>
      tpu.wait_dma2 semaphore(%arg14 : memref<!tpu.dma_semaphore, #tpu.memory_space<semaphore_mem>>) src(%dma_wait3A_571 : memref<128x64xf32, #tpu.memory_space<hbm>>) dst(%dma_wait3A_568 : memref<128x64xf32, #tpu.memory_space<vmem>>)
      %dma_start3A_572 = arith.constant 128 : i32
      %dma_start3A_573 = arith.constant 0 : i32
      %dma_start3A_574 = tpu.memref_slice %arg9[%dma_start3A_572, %dma_start3A_573] : memref<640x64xf32, #tpu.memory_space<vmem>> -> memref<128x64xf32, #tpu.memory_space<vmem>>
      %dma_start3A_575 = arith.constant 0 : i32
      %dma_start3A_576 = tpu.memref_slice %arg11[%add3A_559, %dma_start3A_575] : memref<10016x64xf32, #tpu.memory_space<vmem_shared>> -> memref<128x64xf32, #tpu.memory_space<vmem_shared>>
      %dma_start3A_577 = arith.constant 0 : i32
      %dma_start3A_578 = tpu.memref_slice %arg11[%add3A_559, %dma_start3A_577] : memref<10016x64xf32, #tpu.memory_space<vmem_shared>> -> memref<128x64xf32, #tpu.memory_space<vmem_shared>>
      %dma_start3A_579 = arith.constant 128 : i32
      %dma_start3A_580 = arith.constant 0 : i32
      %dma_start3A_581 = tpu.memref_slice %arg9[%dma_start3A_579, %dma_start3A_580] : memref<640x64xf32, #tpu.memory_space<vmem>> -> memref<128x64xf32, #tpu.memory_space<vmem>>
      tpu.enqueue_dma source(%dma_start3A_581 : memref<128x64xf32, #tpu.memory_space<vmem>>) target(%dma_start3A_578 : memref<128x64xf32, #tpu.memory_space<vmem_shared>>) target_semaphore(%arg19 : memref<!tpu.dma_semaphore, #tpu.memory_space<semaphore_mem>>)
      %add3A_582 = arith.constant 256 : i32
      %add3A_583 = arith.addi %mul3A_2, %add3A_582 : i32
      %dma_wait3A_584 = arith.constant 256 : i32
      %dma_wait3A_585 = arith.constant 0 : i32
      %dma_wait3A_586 = tpu.memref_slice %arg9[%dma_wait3A_584, %dma_wait3A_585] : memref<640x64xf32, #tpu.memory_space<vmem>> -> memref<128x64xf32, #tpu.memory_space<vmem>>
      %dma_wait3A_587 = arith.constant 0 : i32
      %dma_wait3A_588 = arith.constant 0 : i32
      %dma_wait3A_589 = tpu.memref_slice %arg2[%dma_wait3A_587, %dma_wait3A_588] : memref<10000x64xf32, #tpu.memory_space<hbm>> -> memref<128x64xf32, #tpu.memory_space<hbm>>
      %dma_wait3A_590 = arith.constant 256 : i32
      %dma_wait3A_591 = arith.constant 0 : i32
      %dma_wait3A_592 = tpu.memref_slice %arg9[%dma_wait3A_590, %dma_wait3A_591] : memref<640x64xf32, #tpu.memory_space<vmem>> -> memref<128x64xf32, #tpu.memory_space<vmem>>
      %dma_wait3A_593 = arith.constant 0 : i32
      %dma_wait3A_594 = arith.constant 0 : i32
      %dma_wait3A_595 = tpu.memref_slice %arg2[%dma_wait3A_593, %dma_wait3A_594] : memref<10000x64xf32, #tpu.memory_space<hbm>> -> memref<128x64xf32, #tpu.memory_space<hbm>>
      tpu.wait_dma2 semaphore(%arg15 : memref<!tpu.dma_semaphore, #tpu.memory_space<semaphore_mem>>) src(%dma_wait3A_595 : memref<128x64xf32, #tpu.memory_space<hbm>>) dst(%dma_wait3A_592 : memref<128x64xf32, #tpu.memory_space<vmem>>)
      %dma_start3A_596 = arith.constant 256 : i32
      %dma_start3A_597 = arith.constant 0 : i32
      %dma_start3A_598 = tpu.memref_slice %arg9[%dma_start3A_596, %dma_start3A_597] : memref<640x64xf32, #tpu.memory_space<vmem>> -> memref<128x64xf32, #tpu.memory_space<vmem>>
      %dma_start3A_599 = arith.constant 0 : i32
      %dma_start3A_600 = tpu.memref_slice %arg11[%add3A_583, %dma_start3A_599] : memref<10016x64xf32, #tpu.memory_space<vmem_shared>> -> memref<128x64xf32, #tpu.memory_space<vmem_shared>>
      %dma_start3A_601 = arith.constant 0 : i32
      %dma_start3A_602 = tpu.memref_slice %arg11[%add3A_583, %dma_start3A_601] : memref<10016x64xf32, #tpu.memory_space<vmem_shared>> -> memref<128x64xf32, #tpu.memory_space<vmem_shared>>
      %dma_start3A_603 = arith.constant 256 : i32
      %dma_start3A_604 = arith.constant 0 : i32
      %dma_start3A_605 = tpu.memref_slice %arg9[%dma_start3A_603, %dma_start3A_604] : memref<640x64xf32, #tpu.memory_space<vmem>> -> memref<128x64xf32, #tpu.memory_space<vmem>>
      tpu.enqueue_dma source(%dma_start3A_605 : memref<128x64xf32, #tpu.memory_space<vmem>>) target(%dma_start3A_602 : memref<128x64xf32, #tpu.memory_space<vmem_shared>>) target_semaphore(%arg20 : memref<!tpu.dma_semaphore, #tpu.memory_space<semaphore_mem>>)
      %add3A_606 = arith.constant 384 : i32
      %add3A_607 = arith.addi %mul3A_2, %add3A_606 : i32
      %dma_wait3A_608 = arith.constant 384 : i32
      %dma_wait3A_609 = arith.constant 0 : i32
      %dma_wait3A_610 = tpu.memref_slice %arg9[%dma_wait3A_608, %dma_wait3A_609] : memref<640x64xf32, #tpu.memory_space<vmem>> -> memref<128x64xf32, #tpu.memory_space<vmem>>
      %dma_wait3A_611 = arith.constant 0 : i32
      %dma_wait3A_612 = arith.constant 0 : i32
      %dma_wait3A_613 = tpu.memref_slice %arg2[%dma_wait3A_611, %dma_wait3A_612] : memref<10000x64xf32, #tpu.memory_space<hbm>> -> memref<128x64xf32, #tpu.memory_space<hbm>>
      %dma_wait3A_614 = arith.constant 384 : i32
      %dma_wait3A_615 = arith.constant 0 : i32
      %dma_wait3A_616 = tpu.memref_slice %arg9[%dma_wait3A_614, %dma_wait3A_615] : memref<640x64xf32, #tpu.memory_space<vmem>> -> memref<128x64xf32, #tpu.memory_space<vmem>>
      %dma_wait3A_617 = arith.constant 0 : i32
      %dma_wait3A_618 = arith.constant 0 : i32
      %dma_wait3A_619 = tpu.memref_slice %arg2[%dma_wait3A_617, %dma_wait3A_618] : memref<10000x64xf32, #tpu.memory_space<hbm>> -> memref<128x64xf32, #tpu.memory_space<hbm>>
      tpu.wait_dma2 semaphore(%arg16 : memref<!tpu.dma_semaphore, #tpu.memory_space<semaphore_mem>>) src(%dma_wait3A_619 : memref<128x64xf32, #tpu.memory_space<hbm>>) dst(%dma_wait3A_616 : memref<128x64xf32, #tpu.memory_space<vmem>>)
      %dma_start3A_620 = arith.constant 384 : i32
      %dma_start3A_621 = arith.constant 0 : i32
      %dma_start3A_622 = tpu.memref_slice %arg9[%dma_start3A_620, %dma_start3A_621] : memref<640x64xf32, #tpu.memory_space<vmem>> -> memref<128x64xf32, #tpu.memory_space<vmem>>
      %dma_start3A_623 = arith.constant 0 : i32
      %dma_start3A_624 = tpu.memref_slice %arg11[%add3A_607, %dma_start3A_623] : memref<10016x64xf32, #tpu.memory_space<vmem_shared>> -> memref<128x64xf32, #tpu.memory_space<vmem_shared>>
      %dma_start3A_625 = arith.constant 0 : i32
      %dma_start3A_626 = tpu.memref_slice %arg11[%add3A_607, %dma_start3A_625] : memref<10016x64xf32, #tpu.memory_space<vmem_shared>> -> memref<128x64xf32, #tpu.memory_space<vmem_shared>>
      %dma_start3A_627 = arith.constant 384 : i32
      %dma_start3A_628 = arith.constant 0 : i32
      %dma_start3A_629 = tpu.memref_slice %arg9[%dma_start3A_627, %dma_start3A_628] : memref<640x64xf32, #tpu.memory_space<vmem>> -> memref<128x64xf32, #tpu.memory_space<vmem>>
      tpu.enqueue_dma source(%dma_start3A_629 : memref<128x64xf32, #tpu.memory_space<vmem>>) target(%dma_start3A_626 : memref<128x64xf32, #tpu.memory_space<vmem_shared>>) target_semaphore(%arg21 : memref<!tpu.dma_semaphore, #tpu.memory_space<semaphore_mem>>)
      %add3A_630 = arith.constant 512 : i32
      %add3A_631 = arith.addi %mul3A_2, %add3A_630 : i32
      %dma_wait3A_632 = arith.constant 512 : i32
      %dma_wait3A_633 = arith.constant 0 : i32
      %dma_wait3A_634 = tpu.memref_slice %arg9[%dma_wait3A_632, %dma_wait3A_633] : memref<640x64xf32, #tpu.memory_space<vmem>> -> memref<128x64xf32, #tpu.memory_space<vmem>>
      %dma_wait3A_635 = arith.constant 0 : i32
      %dma_wait3A_636 = arith.constant 0 : i32
      %dma_wait3A_637 = tpu.memref_slice %arg2[%dma_wait3A_635, %dma_wait3A_636] : memref<10000x64xf32, #tpu.memory_space<hbm>> -> memref<128x64xf32, #tpu.memory_space<hbm>>
      %dma_wait3A_638 = arith.constant 512 : i32
      %dma_wait3A_639 = arith.constant 0 : i32
      %dma_wait3A_640 = tpu.memref_slice %arg9[%dma_wait3A_638, %dma_wait3A_639] : memref<640x64xf32, #tpu.memory_space<vmem>> -> memref<128x64xf32, #tpu.memory_space<vmem>>
      %dma_wait3A_641 = arith.constant 0 : i32
      %dma_wait3A_642 = arith.constant 0 : i32
      %dma_wait3A_643 = tpu.memref_slice %arg2[%dma_wait3A_641, %dma_wait3A_642] : memref<10000x64xf32, #tpu.memory_space<hbm>> -> memref<128x64xf32, #tpu.memory_space<hbm>>
      tpu.wait_dma2 semaphore(%arg17 : memref<!tpu.dma_semaphore, #tpu.memory_space<semaphore_mem>>) src(%dma_wait3A_643 : memref<128x64xf32, #tpu.memory_space<hbm>>) dst(%dma_wait3A_640 : memref<128x64xf32, #tpu.memory_space<vmem>>)
      %dma_start3A_644 = arith.constant 512 : i32
      %dma_start3A_645 = arith.constant 0 : i32
      %dma_start3A_646 = tpu.memref_slice %arg9[%dma_start3A_644, %dma_start3A_645] : memref<640x64xf32, #tpu.memory_space<vmem>> -> memref<128x64xf32, #tpu.memory_space<vmem>>
      %dma_start3A_647 = arith.constant 0 : i32
      %dma_start3A_648 = tpu.memref_slice %arg11[%add3A_631, %dma_start3A_647] : memref<10016x64xf32, #tpu.memory_space<vmem_shared>> -> memref<128x64xf32, #tpu.memory_space<vmem_shared>>
      %dma_start3A_649 = arith.constant 0 : i32
      %dma_start3A_650 = tpu.memref_slice %arg11[%add3A_631, %dma_start3A_649] : memref<10016x64xf32, #tpu.memory_space<vmem_shared>> -> memref<128x64xf32, #tpu.memory_space<vmem_shared>>
      %dma_start3A_651 = arith.constant 512 : i32
      %dma_start3A_652 = arith.constant 0 : i32
      %dma_start3A_653 = tpu.memref_slice %arg9[%dma_start3A_651, %dma_start3A_652] : memref<640x64xf32, #tpu.memory_space<vmem>> -> memref<128x64xf32, #tpu.memory_space<vmem>>
      tpu.enqueue_dma source(%dma_start3A_653 : memref<128x64xf32, #tpu.memory_space<vmem>>) target(%dma_start3A_650 : memref<128x64xf32, #tpu.memory_space<vmem_shared>>) target_semaphore(%arg22 : memref<!tpu.dma_semaphore, #tpu.memory_space<semaphore_mem>>)
      %dma_wait3A_654 = arith.constant 0 : i32
      %dma_wait3A_655 = arith.constant 0 : i32
      %dma_wait3A_656 = tpu.memref_slice %arg9[%dma_wait3A_654, %dma_wait3A_655] : memref<640x64xf32, #tpu.memory_space<vmem>> -> memref<128x64xf32, #tpu.memory_space<vmem>>
      %dma_wait3A_657 = arith.constant 0 : i32
      %dma_wait3A_658 = arith.constant 0 : i32
      %dma_wait3A_659 = tpu.memref_slice %arg2[%dma_wait3A_657, %dma_wait3A_658] : memref<10000x64xf32, #tpu.memory_space<hbm>> -> memref<128x64xf32, #tpu.memory_space<hbm>>
      %dma_wait3A_660 = arith.constant 0 : i32
      %dma_wait3A_661 = arith.constant 0 : i32
      %dma_wait3A_662 = tpu.memref_slice %arg9[%dma_wait3A_660, %dma_wait3A_661] : memref<640x64xf32, #tpu.memory_space<vmem>> -> memref<128x64xf32, #tpu.memory_space<vmem>>
      %dma_wait3A_663 = arith.constant 0 : i32
      %dma_wait3A_664 = arith.constant 0 : i32
      %dma_wait3A_665 = tpu.memref_slice %arg2[%dma_wait3A_663, %dma_wait3A_664] : memref<10000x64xf32, #tpu.memory_space<hbm>> -> memref<128x64xf32, #tpu.memory_space<hbm>>
      tpu.wait_dma2 semaphore(%arg18 : memref<!tpu.dma_semaphore, #tpu.memory_space<semaphore_mem>>) src(%dma_wait3A_665 : memref<128x64xf32, #tpu.memory_space<hbm>>) dst(%dma_wait3A_662 : memref<128x64xf32, #tpu.memory_space<vmem>>)
      %dma_wait3A_666 = arith.constant 128 : i32
      %dma_wait3A_667 = arith.constant 0 : i32
      %dma_wait3A_668 = tpu.memref_slice %arg9[%dma_wait3A_666, %dma_wait3A_667] : memref<640x64xf32, #tpu.memory_space<vmem>> -> memref<128x64xf32, #tpu.memory_space<vmem>>
      %dma_wait3A_669 = arith.constant 0 : i32
      %dma_wait3A_670 = arith.constant 0 : i32
      %dma_wait3A_671 = tpu.memref_slice %arg2[%dma_wait3A_669, %dma_wait3A_670] : memref<10000x64xf32, #tpu.memory_space<hbm>> -> memref<128x64xf32, #tpu.memory_space<hbm>>
      %dma_wait3A_672 = arith.constant 128 : i32
      %dma_wait3A_673 = arith.constant 0 : i32
      %dma_wait3A_674 = tpu.memref_slice %arg9[%dma_wait3A_672, %dma_wait3A_673] : memref<640x64xf32, #tpu.memory_space<vmem>> -> memref<128x64xf32, #tpu.memory_space<vmem>>
      %dma_wait3A_675 = arith.constant 0 : i32
      %dma_wait3A_676 = arith.constant 0 : i32
      %dma_wait3A_677 = tpu.memref_slice %arg2[%dma_wait3A_675, %dma_wait3A_676] : memref<10000x64xf32, #tpu.memory_space<hbm>> -> memref<128x64xf32, #tpu.memory_space<hbm>>
      tpu.wait_dma2 semaphore(%arg19 : memref<!tpu.dma_semaphore, #tpu.memory_space<semaphore_mem>>) src(%dma_wait3A_677 : memref<128x64xf32, #tpu.memory_space<hbm>>) dst(%dma_wait3A_674 : memref<128x64xf32, #tpu.memory_space<vmem>>)
      %dma_wait3A_678 = arith.constant 256 : i32
      %dma_wait3A_679 = arith.constant 0 : i32
      %dma_wait3A_680 = tpu.memref_slice %arg9[%dma_wait3A_678, %dma_wait3A_679] : memref<640x64xf32, #tpu.memory_space<vmem>> -> memref<128x64xf32, #tpu.memory_space<vmem>>
      %dma_wait3A_681 = arith.constant 0 : i32
      %dma_wait3A_682 = arith.constant 0 : i32
      %dma_wait3A_683 = tpu.memref_slice %arg2[%dma_wait3A_681, %dma_wait3A_682] : memref<10000x64xf32, #tpu.memory_space<hbm>> -> memref<128x64xf32, #tpu.memory_space<hbm>>
      %dma_wait3A_684 = arith.constant 256 : i32
      %dma_wait3A_685 = arith.constant 0 : i32
      %dma_wait3A_686 = tpu.memref_slice %arg9[%dma_wait3A_684, %dma_wait3A_685] : memref<640x64xf32, #tpu.memory_space<vmem>> -> memref<128x64xf32, #tpu.memory_space<vmem>>
      %dma_wait3A_687 = arith.constant 0 : i32
      %dma_wait3A_688 = arith.constant 0 : i32
      %dma_wait3A_689 = tpu.memref_slice %arg2[%dma_wait3A_687, %dma_wait3A_688] : memref<10000x64xf32, #tpu.memory_space<hbm>> -> memref<128x64xf32, #tpu.memory_space<hbm>>
      tpu.wait_dma2 semaphore(%arg20 : memref<!tpu.dma_semaphore, #tpu.memory_space<semaphore_mem>>) src(%dma_wait3A_689 : memref<128x64xf32, #tpu.memory_space<hbm>>) dst(%dma_wait3A_686 : memref<128x64xf32, #tpu.memory_space<vmem>>)
      %dma_wait3A_690 = arith.constant 384 : i32
      %dma_wait3A_691 = arith.constant 0 : i32
      %dma_wait3A_692 = tpu.memref_slice %arg9[%dma_wait3A_690, %dma_wait3A_691] : memref<640x64xf32, #tpu.memory_space<vmem>> -> memref<128x64xf32, #tpu.memory_space<vmem>>
      %dma_wait3A_693 = arith.constant 0 : i32
      %dma_wait3A_694 = arith.constant 0 : i32
      %dma_wait3A_695 = tpu.memref_slice %arg2[%dma_wait3A_693, %dma_wait3A_694] : memref<10000x64xf32, #tpu.memory_space<hbm>> -> memref<128x64xf32, #tpu.memory_space<hbm>>
      %dma_wait3A_696 = arith.constant 384 : i32
      %dma_wait3A_697 = arith.constant 0 : i32
      %dma_wait3A_698 = tpu.memref_slice %arg9[%dma_wait3A_696, %dma_wait3A_697] : memref<640x64xf32, #tpu.memory_space<vmem>> -> memref<128x64xf32, #tpu.memory_space<vmem>>
      %dma_wait3A_699 = arith.constant 0 : i32
      %dma_wait3A_700 = arith.constant 0 : i32
      %dma_wait3A_701 = tpu.memref_slice %arg2[%dma_wait3A_699, %dma_wait3A_700] : memref<10000x64xf32, #tpu.memory_space<hbm>> -> memref<128x64xf32, #tpu.memory_space<hbm>>
      tpu.wait_dma2 semaphore(%arg21 : memref<!tpu.dma_semaphore, #tpu.memory_space<semaphore_mem>>) src(%dma_wait3A_701 : memref<128x64xf32, #tpu.memory_space<hbm>>) dst(%dma_wait3A_698 : memref<128x64xf32, #tpu.memory_space<vmem>>)
      %dma_wait3A_702 = arith.constant 512 : i32
      %dma_wait3A_703 = arith.constant 0 : i32
      %dma_wait3A_704 = tpu.memref_slice %arg9[%dma_wait3A_702, %dma_wait3A_703] : memref<640x64xf32, #tpu.memory_space<vmem>> -> memref<128x64xf32, #tpu.memory_space<vmem>>
      %dma_wait3A_705 = arith.constant 0 : i32
      %dma_wait3A_706 = arith.constant 0 : i32
      %dma_wait3A_707 = tpu.memref_slice %arg2[%dma_wait3A_705, %dma_wait3A_706] : memref<10000x64xf32, #tpu.memory_space<hbm>> -> memref<128x64xf32, #tpu.memory_space<hbm>>
      %dma_wait3A_708 = arith.constant 512 : i32
      %dma_wait3A_709 = arith.constant 0 : i32
      %dma_wait3A_710 = tpu.memref_slice %arg9[%dma_wait3A_708, %dma_wait3A_709] : memref<640x64xf32, #tpu.memory_space<vmem>> -> memref<128x64xf32, #tpu.memory_space<vmem>>
      %dma_wait3A_711 = arith.constant 0 : i32
      %dma_wait3A_712 = arith.constant 0 : i32
      %dma_wait3A_713 = tpu.memref_slice %arg2[%dma_wait3A_711, %dma_wait3A_712] : memref<10000x64xf32, #tpu.memory_space<hbm>> -> memref<128x64xf32, #tpu.memory_space<hbm>>
      tpu.wait_dma2 semaphore(%arg22 : memref<!tpu.dma_semaphore, #tpu.memory_space<semaphore_mem>>) src(%dma_wait3A_713 : memref<128x64xf32, #tpu.memory_space<hbm>>) dst(%dma_wait3A_710 : memref<128x64xf32, #tpu.memory_space<vmem>>)
    } else {
    }
    %eq3A = arith.constant 15 : i32
    %eq3A_5 = arith.cmpi eq, %arg1, %eq3A : i32
    %convert_element_type3A_6 = arith.extui %eq3A_5 : i1 to i32
    %cond3A_7 = arith.constant 0 : i32
    %cond3A_8 = arith.cmpi ne, %convert_element_type3A_6, %cond3A_7 : i32
    scf.if %cond3A_8 {
      %add3A = arith.constant 0 : i32
      %add3A_476 = arith.addi %mul3A_2, %add3A : i32
      %eq3A_477 = arith.constant 0 : i32
      %eq3A_478 = arith.cmpi eq, %arg0, %eq3A_477 : i32
      %convert_element_type3A_479 = arith.extui %eq3A_478 : i1 to i32
      %cond3A_480 = arith.constant 0 : i32
      %cond3A_481 = arith.cmpi ne, %convert_element_type3A_479, %cond3A_480 : i32
      scf.if %cond3A_481 {
        %dma_start3A_666 = arith.constant 0 : i32
        %dma_start3A_667 = arith.constant 0 : i32
        %dma_start3A_668 = tpu.memref_slice %arg9[%dma_start3A_666, %dma_start3A_667] : memref<640x64xf32, #tpu.memory_space<vmem>> -> memref<128x64xf32, #tpu.memory_space<vmem>>
        %dma_start3A_669 = arith.constant 0 : i32
        %dma_start3A_670 = tpu.memref_slice %arg2[%add3A_476, %dma_start3A_669] : memref<10000x64xf32, #tpu.memory_space<hbm>> -> memref<128x64xf32, #tpu.memory_space<hbm>>
        %dma_start3A_671 = arith.constant 0 : i32
        %dma_start3A_672 = arith.constant 0 : i32
        %dma_start3A_673 = tpu.memref_slice %arg9[%dma_start3A_671, %dma_start3A_672] : memref<640x64xf32, #tpu.memory_space<vmem>> -> memref<128x64xf32, #tpu.memory_space<vmem>>
        %dma_start3A_674 = arith.constant 0 : i32
        %dma_start3A_675 = tpu.memref_slice %arg2[%add3A_476, %dma_start3A_674] : memref<10000x64xf32, #tpu.memory_space<hbm>> -> memref<128x64xf32, #tpu.memory_space<hbm>>
        tpu.enqueue_dma source(%dma_start3A_675 : memref<128x64xf32, #tpu.memory_space<hbm>>) target(%dma_start3A_673 : memref<128x64xf32, #tpu.memory_space<vmem>>) target_semaphore(%arg13 : memref<!tpu.dma_semaphore, #tpu.memory_space<semaphore_mem>>)
      } else {
      }
      %ne3A_482 = arith.constant 0 : i32
      %ne3A_483 = arith.cmpi ne, %arg0, %ne3A_482 : i32
      %convert_element_type3A_484 = arith.extui %ne3A_483 : i1 to i32
      %cond3A_485 = arith.constant 0 : i32
      %cond3A_486 = arith.cmpi ne, %convert_element_type3A_484, %cond3A_485 : i32
      scf.if %cond3A_486 {
        %dma_start3A_666 = arith.constant 0 : i32
        %dma_start3A_667 = arith.constant 0 : i32
        %dma_start3A_668 = tpu.memref_slice %arg9[%dma_start3A_666, %dma_start3A_667] : memref<640x64xf32, #tpu.memory_space<vmem>> -> memref<128x64xf32, #tpu.memory_space<vmem>>
        %dma_start3A_669 = arith.constant 0 : i32
        %dma_start3A_670 = tpu.memref_slice %arg3[%add3A_476, %dma_start3A_669] : memref<10000x64xf32, #tpu.memory_space<hbm>> -> memref<128x64xf32, #tpu.memory_space<hbm>>
        %dma_start3A_671 = arith.constant 0 : i32
        %dma_start3A_672 = arith.constant 0 : i32
        %dma_start3A_673 = tpu.memref_slice %arg9[%dma_start3A_671, %dma_start3A_672] : memref<640x64xf32, #tpu.memory_space<vmem>> -> memref<128x64xf32, #tpu.memory_space<vmem>>
        %dma_start3A_674 = arith.constant 0 : i32
        %dma_start3A_675 = tpu.memref_slice %arg3[%add3A_476, %dma_start3A_674] : memref<10000x64xf32, #tpu.memory_space<hbm>> -> memref<128x64xf32, #tpu.memory_space<hbm>>
        tpu.enqueue_dma source(%dma_start3A_675 : memref<128x64xf32, #tpu.memory_space<hbm>>) target(%dma_start3A_673 : memref<128x64xf32, #tpu.memory_space<vmem>>) target_semaphore(%arg13 : memref<!tpu.dma_semaphore, #tpu.memory_space<semaphore_mem>>)
      } else {
      }
      %add3A_487 = arith.constant 128 : i32
      %add3A_488 = arith.addi %mul3A_2, %add3A_487 : i32
      %eq3A_489 = arith.constant 0 : i32
      %eq3A_490 = arith.cmpi eq, %arg0, %eq3A_489 : i32
      %convert_element_type3A_491 = arith.extui %eq3A_490 : i1 to i32
      %cond3A_492 = arith.constant 0 : i32
      %cond3A_493 = arith.cmpi ne, %convert_element_type3A_491, %cond3A_492 : i32
      scf.if %cond3A_493 {
        %dma_start3A_666 = arith.constant 128 : i32
        %dma_start3A_667 = arith.constant 0 : i32
        %dma_start3A_668 = tpu.memref_slice %arg9[%dma_start3A_666, %dma_start3A_667] : memref<640x64xf32, #tpu.memory_space<vmem>> -> memref<128x64xf32, #tpu.memory_space<vmem>>
        %dma_start3A_669 = arith.constant 0 : i32
        %dma_start3A_670 = tpu.memref_slice %arg2[%add3A_488, %dma_start3A_669] : memref<10000x64xf32, #tpu.memory_space<hbm>> -> memref<128x64xf32, #tpu.memory_space<hbm>>
        %dma_start3A_671 = arith.constant 128 : i32
        %dma_start3A_672 = arith.constant 0 : i32
        %dma_start3A_673 = tpu.memref_slice %arg9[%dma_start3A_671, %dma_start3A_672] : memref<640x64xf32, #tpu.memory_space<vmem>> -> memref<128x64xf32, #tpu.memory_space<vmem>>
        %dma_start3A_674 = arith.constant 0 : i32
        %dma_start3A_675 = tpu.memref_slice %arg2[%add3A_488, %dma_start3A_674] : memref<10000x64xf32, #tpu.memory_space<hbm>> -> memref<128x64xf32, #tpu.memory_space<hbm>>
        tpu.enqueue_dma source(%dma_start3A_675 : memref<128x64xf32, #tpu.memory_space<hbm>>) target(%dma_start3A_673 : memref<128x64xf32, #tpu.memory_space<vmem>>) target_semaphore(%arg14 : memref<!tpu.dma_semaphore, #tpu.memory_space<semaphore_mem>>)
      } else {
      }
      %ne3A_494 = arith.constant 0 : i32
      %ne3A_495 = arith.cmpi ne, %arg0, %ne3A_494 : i32
      %convert_element_type3A_496 = arith.extui %ne3A_495 : i1 to i32
      %cond3A_497 = arith.constant 0 : i32
      %cond3A_498 = arith.cmpi ne, %convert_element_type3A_496, %cond3A_497 : i32
      scf.if %cond3A_498 {
        %dma_start3A_666 = arith.constant 128 : i32
        %dma_start3A_667 = arith.constant 0 : i32
        %dma_start3A_668 = tpu.memref_slice %arg9[%dma_start3A_666, %dma_start3A_667] : memref<640x64xf32, #tpu.memory_space<vmem>> -> memref<128x64xf32, #tpu.memory_space<vmem>>
        %dma_start3A_669 = arith.constant 0 : i32
        %dma_start3A_670 = tpu.memref_slice %arg3[%add3A_488, %dma_start3A_669] : memref<10000x64xf32, #tpu.memory_space<hbm>> -> memref<128x64xf32, #tpu.memory_space<hbm>>
        %dma_start3A_671 = arith.constant 128 : i32
        %dma_start3A_672 = arith.constant 0 : i32
        %dma_start3A_673 = tpu.memref_slice %arg9[%dma_start3A_671, %dma_start3A_672] : memref<640x64xf32, #tpu.memory_space<vmem>> -> memref<128x64xf32, #tpu.memory_space<vmem>>
        %dma_start3A_674 = arith.constant 0 : i32
        %dma_start3A_675 = tpu.memref_slice %arg3[%add3A_488, %dma_start3A_674] : memref<10000x64xf32, #tpu.memory_space<hbm>> -> memref<128x64xf32, #tpu.memory_space<hbm>>
        tpu.enqueue_dma source(%dma_start3A_675 : memref<128x64xf32, #tpu.memory_space<hbm>>) target(%dma_start3A_673 : memref<128x64xf32, #tpu.memory_space<vmem>>) target_semaphore(%arg14 : memref<!tpu.dma_semaphore, #tpu.memory_space<semaphore_mem>>)
      } else {
      }
      %add3A_499 = arith.constant 256 : i32
      %add3A_500 = arith.addi %mul3A_2, %add3A_499 : i32
      %eq3A_501 = arith.constant 0 : i32
      %eq3A_502 = arith.cmpi eq, %arg0, %eq3A_501 : i32
      %convert_element_type3A_503 = arith.extui %eq3A_502 : i1 to i32
      %cond3A_504 = arith.constant 0 : i32
      %cond3A_505 = arith.cmpi ne, %convert_element_type3A_503, %cond3A_504 : i32
      scf.if %cond3A_505 {
        %dma_start3A_666 = arith.constant 256 : i32
        %dma_start3A_667 = arith.constant 0 : i32
        %dma_start3A_668 = tpu.memref_slice %arg9[%dma_start3A_666, %dma_start3A_667] : memref<640x64xf32, #tpu.memory_space<vmem>> -> memref<128x64xf32, #tpu.memory_space<vmem>>
        %dma_start3A_669 = arith.constant 0 : i32
        %dma_start3A_670 = tpu.memref_slice %arg2[%add3A_500, %dma_start3A_669] : memref<10000x64xf32, #tpu.memory_space<hbm>> -> memref<128x64xf32, #tpu.memory_space<hbm>>
        %dma_start3A_671 = arith.constant 256 : i32
        %dma_start3A_672 = arith.constant 0 : i32
        %dma_start3A_673 = tpu.memref_slice %arg9[%dma_start3A_671, %dma_start3A_672] : memref<640x64xf32, #tpu.memory_space<vmem>> -> memref<128x64xf32, #tpu.memory_space<vmem>>
        %dma_start3A_674 = arith.constant 0 : i32
        %dma_start3A_675 = tpu.memref_slice %arg2[%add3A_500, %dma_start3A_674] : memref<10000x64xf32, #tpu.memory_space<hbm>> -> memref<128x64xf32, #tpu.memory_space<hbm>>
        tpu.enqueue_dma source(%dma_start3A_675 : memref<128x64xf32, #tpu.memory_space<hbm>>) target(%dma_start3A_673 : memref<128x64xf32, #tpu.memory_space<vmem>>) target_semaphore(%arg15 : memref<!tpu.dma_semaphore, #tpu.memory_space<semaphore_mem>>)
      } else {
      }
      %ne3A_506 = arith.constant 0 : i32
      %ne3A_507 = arith.cmpi ne, %arg0, %ne3A_506 : i32
      %convert_element_type3A_508 = arith.extui %ne3A_507 : i1 to i32
      %cond3A_509 = arith.constant 0 : i32
      %cond3A_510 = arith.cmpi ne, %convert_element_type3A_508, %cond3A_509 : i32
      scf.if %cond3A_510 {
        %dma_start3A_666 = arith.constant 256 : i32
        %dma_start3A_667 = arith.constant 0 : i32
        %dma_start3A_668 = tpu.memref_slice %arg9[%dma_start3A_666, %dma_start3A_667] : memref<640x64xf32, #tpu.memory_space<vmem>> -> memref<128x64xf32, #tpu.memory_space<vmem>>
        %dma_start3A_669 = arith.constant 0 : i32
        %dma_start3A_670 = tpu.memref_slice %arg3[%add3A_500, %dma_start3A_669] : memref<10000x64xf32, #tpu.memory_space<hbm>> -> memref<128x64xf32, #tpu.memory_space<hbm>>
        %dma_start3A_671 = arith.constant 256 : i32
        %dma_start3A_672 = arith.constant 0 : i32
        %dma_start3A_673 = tpu.memref_slice %arg9[%dma_start3A_671, %dma_start3A_672] : memref<640x64xf32, #tpu.memory_space<vmem>> -> memref<128x64xf32, #tpu.memory_space<vmem>>
        %dma_start3A_674 = arith.constant 0 : i32
        %dma_start3A_675 = tpu.memref_slice %arg3[%add3A_500, %dma_start3A_674] : memref<10000x64xf32, #tpu.memory_space<hbm>> -> memref<128x64xf32, #tpu.memory_space<hbm>>
        tpu.enqueue_dma source(%dma_start3A_675 : memref<128x64xf32, #tpu.memory_space<hbm>>) target(%dma_start3A_673 : memref<128x64xf32, #tpu.memory_space<vmem>>) target_semaphore(%arg15 : memref<!tpu.dma_semaphore, #tpu.memory_space<semaphore_mem>>)
      } else {
      }
      %add3A_511 = arith.constant 384 : i32
      %add3A_512 = arith.addi %mul3A_2, %add3A_511 : i32
      %eq3A_513 = arith.constant 0 : i32
      %eq3A_514 = arith.cmpi eq, %arg0, %eq3A_513 : i32
      %convert_element_type3A_515 = arith.extui %eq3A_514 : i1 to i32
      %cond3A_516 = arith.constant 0 : i32
      %cond3A_517 = arith.cmpi ne, %convert_element_type3A_515, %cond3A_516 : i32
      scf.if %cond3A_517 {
        %dma_start3A_666 = arith.constant 384 : i32
        %dma_start3A_667 = arith.constant 0 : i32
        %dma_start3A_668 = tpu.memref_slice %arg9[%dma_start3A_666, %dma_start3A_667] : memref<640x64xf32, #tpu.memory_space<vmem>> -> memref<16x64xf32, #tpu.memory_space<vmem>>
        %dma_start3A_669 = arith.constant 0 : i32
        %dma_start3A_670 = tpu.memref_slice %arg2[%add3A_512, %dma_start3A_669] : memref<10000x64xf32, #tpu.memory_space<hbm>> -> memref<16x64xf32, #tpu.memory_space<hbm>>
        %dma_start3A_671 = arith.constant 384 : i32
        %dma_start3A_672 = arith.constant 0 : i32
        %dma_start3A_673 = tpu.memref_slice %arg9[%dma_start3A_671, %dma_start3A_672] : memref<640x64xf32, #tpu.memory_space<vmem>> -> memref<16x64xf32, #tpu.memory_space<vmem>>
        %dma_start3A_674 = arith.constant 0 : i32
        %dma_start3A_675 = tpu.memref_slice %arg2[%add3A_512, %dma_start3A_674] : memref<10000x64xf32, #tpu.memory_space<hbm>> -> memref<16x64xf32, #tpu.memory_space<hbm>>
        tpu.enqueue_dma source(%dma_start3A_675 : memref<16x64xf32, #tpu.memory_space<hbm>>) target(%dma_start3A_673 : memref<16x64xf32, #tpu.memory_space<vmem>>) target_semaphore(%arg16 : memref<!tpu.dma_semaphore, #tpu.memory_space<semaphore_mem>>)
      } else {
      }
      %ne3A_518 = arith.constant 0 : i32
      %ne3A_519 = arith.cmpi ne, %arg0, %ne3A_518 : i32
      %convert_element_type3A_520 = arith.extui %ne3A_519 : i1 to i32
      %cond3A_521 = arith.constant 0 : i32
      %cond3A_522 = arith.cmpi ne, %convert_element_type3A_520, %cond3A_521 : i32
      scf.if %cond3A_522 {
        %dma_start3A_666 = arith.constant 384 : i32
        %dma_start3A_667 = arith.constant 0 : i32
        %dma_start3A_668 = tpu.memref_slice %arg9[%dma_start3A_666, %dma_start3A_667] : memref<640x64xf32, #tpu.memory_space<vmem>> -> memref<16x64xf32, #tpu.memory_space<vmem>>
        %dma_start3A_669 = arith.constant 0 : i32
        %dma_start3A_670 = tpu.memref_slice %arg3[%add3A_512, %dma_start3A_669] : memref<10000x64xf32, #tpu.memory_space<hbm>> -> memref<16x64xf32, #tpu.memory_space<hbm>>
        %dma_start3A_671 = arith.constant 384 : i32
        %dma_start3A_672 = arith.constant 0 : i32
        %dma_start3A_673 = tpu.memref_slice %arg9[%dma_start3A_671, %dma_start3A_672] : memref<640x64xf32, #tpu.memory_space<vmem>> -> memref<16x64xf32, #tpu.memory_space<vmem>>
        %dma_start3A_674 = arith.constant 0 : i32
        %dma_start3A_675 = tpu.memref_slice %arg3[%add3A_512, %dma_start3A_674] : memref<10000x64xf32, #tpu.memory_space<hbm>> -> memref<16x64xf32, #tpu.memory_space<hbm>>
        tpu.enqueue_dma source(%dma_start3A_675 : memref<16x64xf32, #tpu.memory_space<hbm>>) target(%dma_start3A_673 : memref<16x64xf32, #tpu.memory_space<vmem>>) target_semaphore(%arg16 : memref<!tpu.dma_semaphore, #tpu.memory_space<semaphore_mem>>)
      } else {
      }
      %add3A_523 = arith.constant 0 : i32
      %add3A_524 = arith.addi %mul3A_2, %add3A_523 : i32
      %dma_wait3A_525 = arith.constant 0 : i32
      %dma_wait3A_526 = arith.constant 0 : i32
      %dma_wait3A_527 = tpu.memref_slice %arg9[%dma_wait3A_525, %dma_wait3A_526] : memref<640x64xf32, #tpu.memory_space<vmem>> -> memref<128x64xf32, #tpu.memory_space<vmem>>
      %dma_wait3A_528 = arith.constant 0 : i32
      %dma_wait3A_529 = arith.constant 0 : i32
      %dma_wait3A_530 = tpu.memref_slice %arg2[%dma_wait3A_528, %dma_wait3A_529] : memref<10000x64xf32, #tpu.memory_space<hbm>> -> memref<128x64xf32, #tpu.memory_space<hbm>>
      %dma_wait3A_531 = arith.constant 0 : i32
      %dma_wait3A_532 = arith.constant 0 : i32
      %dma_wait3A_533 = tpu.memref_slice %arg9[%dma_wait3A_531, %dma_wait3A_532] : memref<640x64xf32, #tpu.memory_space<vmem>> -> memref<128x64xf32, #tpu.memory_space<vmem>>
      %dma_wait3A_534 = arith.constant 0 : i32
      %dma_wait3A_535 = arith.constant 0 : i32
      %dma_wait3A_536 = tpu.memref_slice %arg2[%dma_wait3A_534, %dma_wait3A_535] : memref<10000x64xf32, #tpu.memory_space<hbm>> -> memref<128x64xf32, #tpu.memory_space<hbm>>
      tpu.wait_dma2 semaphore(%arg13 : memref<!tpu.dma_semaphore, #tpu.memory_space<semaphore_mem>>) src(%dma_wait3A_536 : memref<128x64xf32, #tpu.memory_space<hbm>>) dst(%dma_wait3A_533 : memref<128x64xf32, #tpu.memory_space<vmem>>)
      %dma_start3A = arith.constant 0 : i32
      %dma_start3A_537 = arith.constant 0 : i32
      %dma_start3A_538 = tpu.memref_slice %arg9[%dma_start3A, %dma_start3A_537] : memref<640x64xf32, #tpu.memory_space<vmem>> -> memref<128x64xf32, #tpu.memory_space<vmem>>
      %dma_start3A_539 = arith.constant 0 : i32
      %dma_start3A_540 = tpu.memref_slice %arg11[%add3A_524, %dma_start3A_539] : memref<10016x64xf32, #tpu.memory_space<vmem_shared>> -> memref<128x64xf32, #tpu.memory_space<vmem_shared>>
      %dma_start3A_541 = arith.constant 0 : i32
      %dma_start3A_542 = tpu.memref_slice %arg11[%add3A_524, %dma_start3A_541] : memref<10016x64xf32, #tpu.memory_space<vmem_shared>> -> memref<128x64xf32, #tpu.memory_space<vmem_shared>>
      %dma_start3A_543 = arith.constant 0 : i32
      %dma_start3A_544 = arith.constant 0 : i32
      %dma_start3A_545 = tpu.memref_slice %arg9[%dma_start3A_543, %dma_start3A_544] : memref<640x64xf32, #tpu.memory_space<vmem>> -> memref<128x64xf32, #tpu.memory_space<vmem>>
      tpu.enqueue_dma source(%dma_start3A_545 : memref<128x64xf32, #tpu.memory_space<vmem>>) target(%dma_start3A_542 : memref<128x64xf32, #tpu.memory_space<vmem_shared>>) target_semaphore(%arg18 : memref<!tpu.dma_semaphore, #tpu.memory_space<semaphore_mem>>)
      %add3A_546 = arith.constant 128 : i32
      %add3A_547 = arith.addi %mul3A_2, %add3A_546 : i32
      %dma_wait3A_548 = arith.constant 128 : i32
      %dma_wait3A_549 = arith.constant 0 : i32
      %dma_wait3A_550 = tpu.memref_slice %arg9[%dma_wait3A_548, %dma_wait3A_549] : memref<640x64xf32, #tpu.memory_space<vmem>> -> memref<128x64xf32, #tpu.memory_space<vmem>>
      %dma_wait3A_551 = arith.constant 0 : i32
      %dma_wait3A_552 = arith.constant 0 : i32
      %dma_wait3A_553 = tpu.memref_slice %arg2[%dma_wait3A_551, %dma_wait3A_552] : memref<10000x64xf32, #tpu.memory_space<hbm>> -> memref<128x64xf32, #tpu.memory_space<hbm>>
      %dma_wait3A_554 = arith.constant 128 : i32
      %dma_wait3A_555 = arith.constant 0 : i32
      %dma_wait3A_556 = tpu.memref_slice %arg9[%dma_wait3A_554, %dma_wait3A_555] : memref<640x64xf32, #tpu.memory_space<vmem>> -> memref<128x64xf32, #tpu.memory_space<vmem>>
      %dma_wait3A_557 = arith.constant 0 : i32
      %dma_wait3A_558 = arith.constant 0 : i32
      %dma_wait3A_559 = tpu.memref_slice %arg2[%dma_wait3A_557, %dma_wait3A_558] : memref<10000x64xf32, #tpu.memory_space<hbm>> -> memref<128x64xf32, #tpu.memory_space<hbm>>
      tpu.wait_dma2 semaphore(%arg14 : memref<!tpu.dma_semaphore, #tpu.memory_space<semaphore_mem>>) src(%dma_wait3A_559 : memref<128x64xf32, #tpu.memory_space<hbm>>) dst(%dma_wait3A_556 : memref<128x64xf32, #tpu.memory_space<vmem>>)
      %dma_start3A_560 = arith.constant 128 : i32
      %dma_start3A_561 = arith.constant 0 : i32
      %dma_start3A_562 = tpu.memref_slice %arg9[%dma_start3A_560, %dma_start3A_561] : memref<640x64xf32, #tpu.memory_space<vmem>> -> memref<128x64xf32, #tpu.memory_space<vmem>>
      %dma_start3A_563 = arith.constant 0 : i32
      %dma_start3A_564 = tpu.memref_slice %arg11[%add3A_547, %dma_start3A_563] : memref<10016x64xf32, #tpu.memory_space<vmem_shared>> -> memref<128x64xf32, #tpu.memory_space<vmem_shared>>
      %dma_start3A_565 = arith.constant 0 : i32
      %dma_start3A_566 = tpu.memref_slice %arg11[%add3A_547, %dma_start3A_565] : memref<10016x64xf32, #tpu.memory_space<vmem_shared>> -> memref<128x64xf32, #tpu.memory_space<vmem_shared>>
      %dma_start3A_567 = arith.constant 128 : i32
      %dma_start3A_568 = arith.constant 0 : i32
      %dma_start3A_569 = tpu.memref_slice %arg9[%dma_start3A_567, %dma_start3A_568] : memref<640x64xf32, #tpu.memory_space<vmem>> -> memref<128x64xf32, #tpu.memory_space<vmem>>
      tpu.enqueue_dma source(%dma_start3A_569 : memref<128x64xf32, #tpu.memory_space<vmem>>) target(%dma_start3A_566 : memref<128x64xf32, #tpu.memory_space<vmem_shared>>) target_semaphore(%arg19 : memref<!tpu.dma_semaphore, #tpu.memory_space<semaphore_mem>>)
      %add3A_570 = arith.constant 256 : i32
      %add3A_571 = arith.addi %mul3A_2, %add3A_570 : i32
      %dma_wait3A_572 = arith.constant 256 : i32
      %dma_wait3A_573 = arith.constant 0 : i32
      %dma_wait3A_574 = tpu.memref_slice %arg9[%dma_wait3A_572, %dma_wait3A_573] : memref<640x64xf32, #tpu.memory_space<vmem>> -> memref<128x64xf32, #tpu.memory_space<vmem>>
      %dma_wait3A_575 = arith.constant 0 : i32
      %dma_wait3A_576 = arith.constant 0 : i32
      %dma_wait3A_577 = tpu.memref_slice %arg2[%dma_wait3A_575, %dma_wait3A_576] : memref<10000x64xf32, #tpu.memory_space<hbm>> -> memref<128x64xf32, #tpu.memory_space<hbm>>
      %dma_wait3A_578 = arith.constant 256 : i32
      %dma_wait3A_579 = arith.constant 0 : i32
      %dma_wait3A_580 = tpu.memref_slice %arg9[%dma_wait3A_578, %dma_wait3A_579] : memref<640x64xf32, #tpu.memory_space<vmem>> -> memref<128x64xf32, #tpu.memory_space<vmem>>
      %dma_wait3A_581 = arith.constant 0 : i32
      %dma_wait3A_582 = arith.constant 0 : i32
      %dma_wait3A_583 = tpu.memref_slice %arg2[%dma_wait3A_581, %dma_wait3A_582] : memref<10000x64xf32, #tpu.memory_space<hbm>> -> memref<128x64xf32, #tpu.memory_space<hbm>>
      tpu.wait_dma2 semaphore(%arg15 : memref<!tpu.dma_semaphore, #tpu.memory_space<semaphore_mem>>) src(%dma_wait3A_583 : memref<128x64xf32, #tpu.memory_space<hbm>>) dst(%dma_wait3A_580 : memref<128x64xf32, #tpu.memory_space<vmem>>)
      %dma_start3A_584 = arith.constant 256 : i32
      %dma_start3A_585 = arith.constant 0 : i32
      %dma_start3A_586 = tpu.memref_slice %arg9[%dma_start3A_584, %dma_start3A_585] : memref<640x64xf32, #tpu.memory_space<vmem>> -> memref<128x64xf32, #tpu.memory_space<vmem>>
      %dma_start3A_587 = arith.constant 0 : i32
      %dma_start3A_588 = tpu.memref_slice %arg11[%add3A_571, %dma_start3A_587] : memref<10016x64xf32, #tpu.memory_space<vmem_shared>> -> memref<128x64xf32, #tpu.memory_space<vmem_shared>>
      %dma_start3A_589 = arith.constant 0 : i32
      %dma_start3A_590 = tpu.memref_slice %arg11[%add3A_571, %dma_start3A_589] : memref<10016x64xf32, #tpu.memory_space<vmem_shared>> -> memref<128x64xf32, #tpu.memory_space<vmem_shared>>
      %dma_start3A_591 = arith.constant 256 : i32
      %dma_start3A_592 = arith.constant 0 : i32
      %dma_start3A_593 = tpu.memref_slice %arg9[%dma_start3A_591, %dma_start3A_592] : memref<640x64xf32, #tpu.memory_space<vmem>> -> memref<128x64xf32, #tpu.memory_space<vmem>>
      tpu.enqueue_dma source(%dma_start3A_593 : memref<128x64xf32, #tpu.memory_space<vmem>>) target(%dma_start3A_590 : memref<128x64xf32, #tpu.memory_space<vmem_shared>>) target_semaphore(%arg20 : memref<!tpu.dma_semaphore, #tpu.memory_space<semaphore_mem>>)
      %add3A_594 = arith.constant 384 : i32
      %add3A_595 = arith.addi %mul3A_2, %add3A_594 : i32
      %dma_wait3A_596 = arith.constant 384 : i32
      %dma_wait3A_597 = arith.constant 0 : i32
      %dma_wait3A_598 = tpu.memref_slice %arg9[%dma_wait3A_596, %dma_wait3A_597] : memref<640x64xf32, #tpu.memory_space<vmem>> -> memref<16x64xf32, #tpu.memory_space<vmem>>
      %dma_wait3A_599 = arith.constant 0 : i32
      %dma_wait3A_600 = arith.constant 0 : i32
      %dma_wait3A_601 = tpu.memref_slice %arg2[%dma_wait3A_599, %dma_wait3A_600] : memref<10000x64xf32, #tpu.memory_space<hbm>> -> memref<16x64xf32, #tpu.memory_space<hbm>>
      %dma_wait3A_602 = arith.constant 384 : i32
      %dma_wait3A_603 = arith.constant 0 : i32
      %dma_wait3A_604 = tpu.memref_slice %arg9[%dma_wait3A_602, %dma_wait3A_603] : memref<640x64xf32, #tpu.memory_space<vmem>> -> memref<16x64xf32, #tpu.memory_space<vmem>>
      %dma_wait3A_605 = arith.constant 0 : i32
      %dma_wait3A_606 = arith.constant 0 : i32
      %dma_wait3A_607 = tpu.memref_slice %arg2[%dma_wait3A_605, %dma_wait3A_606] : memref<10000x64xf32, #tpu.memory_space<hbm>> -> memref<16x64xf32, #tpu.memory_space<hbm>>
      tpu.wait_dma2 semaphore(%arg16 : memref<!tpu.dma_semaphore, #tpu.memory_space<semaphore_mem>>) src(%dma_wait3A_607 : memref<16x64xf32, #tpu.memory_space<hbm>>) dst(%dma_wait3A_604 : memref<16x64xf32, #tpu.memory_space<vmem>>)
      %dma_start3A_608 = arith.constant 384 : i32
      %dma_start3A_609 = arith.constant 0 : i32
      %dma_start3A_610 = tpu.memref_slice %arg9[%dma_start3A_608, %dma_start3A_609] : memref<640x64xf32, #tpu.memory_space<vmem>> -> memref<16x64xf32, #tpu.memory_space<vmem>>
      %dma_start3A_611 = arith.constant 0 : i32
      %dma_start3A_612 = tpu.memref_slice %arg11[%add3A_595, %dma_start3A_611] : memref<10016x64xf32, #tpu.memory_space<vmem_shared>> -> memref<16x64xf32, #tpu.memory_space<vmem_shared>>
      %dma_start3A_613 = arith.constant 0 : i32
      %dma_start3A_614 = tpu.memref_slice %arg11[%add3A_595, %dma_start3A_613] : memref<10016x64xf32, #tpu.memory_space<vmem_shared>> -> memref<16x64xf32, #tpu.memory_space<vmem_shared>>
      %dma_start3A_615 = arith.constant 384 : i32
      %dma_start3A_616 = arith.constant 0 : i32
      %dma_start3A_617 = tpu.memref_slice %arg9[%dma_start3A_615, %dma_start3A_616] : memref<640x64xf32, #tpu.memory_space<vmem>> -> memref<16x64xf32, #tpu.memory_space<vmem>>
      tpu.enqueue_dma source(%dma_start3A_617 : memref<16x64xf32, #tpu.memory_space<vmem>>) target(%dma_start3A_614 : memref<16x64xf32, #tpu.memory_space<vmem_shared>>) target_semaphore(%arg21 : memref<!tpu.dma_semaphore, #tpu.memory_space<semaphore_mem>>)
      %dma_wait3A_618 = arith.constant 0 : i32
      %dma_wait3A_619 = arith.constant 0 : i32
      %dma_wait3A_620 = tpu.memref_slice %arg9[%dma_wait3A_618, %dma_wait3A_619] : memref<640x64xf32, #tpu.memory_space<vmem>> -> memref<128x64xf32, #tpu.memory_space<vmem>>
      %dma_wait3A_621 = arith.constant 0 : i32
      %dma_wait3A_622 = arith.constant 0 : i32
      %dma_wait3A_623 = tpu.memref_slice %arg2[%dma_wait3A_621, %dma_wait3A_622] : memref<10000x64xf32, #tpu.memory_space<hbm>> -> memref<128x64xf32, #tpu.memory_space<hbm>>
      %dma_wait3A_624 = arith.constant 0 : i32
      %dma_wait3A_625 = arith.constant 0 : i32
      %dma_wait3A_626 = tpu.memref_slice %arg9[%dma_wait3A_624, %dma_wait3A_625] : memref<640x64xf32, #tpu.memory_space<vmem>> -> memref<128x64xf32, #tpu.memory_space<vmem>>
      %dma_wait3A_627 = arith.constant 0 : i32
      %dma_wait3A_628 = arith.constant 0 : i32
      %dma_wait3A_629 = tpu.memref_slice %arg2[%dma_wait3A_627, %dma_wait3A_628] : memref<10000x64xf32, #tpu.memory_space<hbm>> -> memref<128x64xf32, #tpu.memory_space<hbm>>
      tpu.wait_dma2 semaphore(%arg18 : memref<!tpu.dma_semaphore, #tpu.memory_space<semaphore_mem>>) src(%dma_wait3A_629 : memref<128x64xf32, #tpu.memory_space<hbm>>) dst(%dma_wait3A_626 : memref<128x64xf32, #tpu.memory_space<vmem>>)
      %dma_wait3A_630 = arith.constant 128 : i32
      %dma_wait3A_631 = arith.constant 0 : i32
      %dma_wait3A_632 = tpu.memref_slice %arg9[%dma_wait3A_630, %dma_wait3A_631] : memref<640x64xf32, #tpu.memory_space<vmem>> -> memref<128x64xf32, #tpu.memory_space<vmem>>
      %dma_wait3A_633 = arith.constant 0 : i32
      %dma_wait3A_634 = arith.constant 0 : i32
      %dma_wait3A_635 = tpu.memref_slice %arg2[%dma_wait3A_633, %dma_wait3A_634] : memref<10000x64xf32, #tpu.memory_space<hbm>> -> memref<128x64xf32, #tpu.memory_space<hbm>>
      %dma_wait3A_636 = arith.constant 128 : i32
      %dma_wait3A_637 = arith.constant 0 : i32
      %dma_wait3A_638 = tpu.memref_slice %arg9[%dma_wait3A_636, %dma_wait3A_637] : memref<640x64xf32, #tpu.memory_space<vmem>> -> memref<128x64xf32, #tpu.memory_space<vmem>>
      %dma_wait3A_639 = arith.constant 0 : i32
      %dma_wait3A_640 = arith.constant 0 : i32
      %dma_wait3A_641 = tpu.memref_slice %arg2[%dma_wait3A_639, %dma_wait3A_640] : memref<10000x64xf32, #tpu.memory_space<hbm>> -> memref<128x64xf32, #tpu.memory_space<hbm>>
      tpu.wait_dma2 semaphore(%arg19 : memref<!tpu.dma_semaphore, #tpu.memory_space<semaphore_mem>>) src(%dma_wait3A_641 : memref<128x64xf32, #tpu.memory_space<hbm>>) dst(%dma_wait3A_638 : memref<128x64xf32, #tpu.memory_space<vmem>>)
      %dma_wait3A_642 = arith.constant 256 : i32
      %dma_wait3A_643 = arith.constant 0 : i32
      %dma_wait3A_644 = tpu.memref_slice %arg9[%dma_wait3A_642, %dma_wait3A_643] : memref<640x64xf32, #tpu.memory_space<vmem>> -> memref<128x64xf32, #tpu.memory_space<vmem>>
      %dma_wait3A_645 = arith.constant 0 : i32
      %dma_wait3A_646 = arith.constant 0 : i32
      %dma_wait3A_647 = tpu.memref_slice %arg2[%dma_wait3A_645, %dma_wait3A_646] : memref<10000x64xf32, #tpu.memory_space<hbm>> -> memref<128x64xf32, #tpu.memory_space<hbm>>
      %dma_wait3A_648 = arith.constant 256 : i32
      %dma_wait3A_649 = arith.constant 0 : i32
      %dma_wait3A_650 = tpu.memref_slice %arg9[%dma_wait3A_648, %dma_wait3A_649] : memref<640x64xf32, #tpu.memory_space<vmem>> -> memref<128x64xf32, #tpu.memory_space<vmem>>
      %dma_wait3A_651 = arith.constant 0 : i32
      %dma_wait3A_652 = arith.constant 0 : i32
      %dma_wait3A_653 = tpu.memref_slice %arg2[%dma_wait3A_651, %dma_wait3A_652] : memref<10000x64xf32, #tpu.memory_space<hbm>> -> memref<128x64xf32, #tpu.memory_space<hbm>>
      tpu.wait_dma2 semaphore(%arg20 : memref<!tpu.dma_semaphore, #tpu.memory_space<semaphore_mem>>) src(%dma_wait3A_653 : memref<128x64xf32, #tpu.memory_space<hbm>>) dst(%dma_wait3A_650 : memref<128x64xf32, #tpu.memory_space<vmem>>)
      %dma_wait3A_654 = arith.constant 384 : i32
      %dma_wait3A_655 = arith.constant 0 : i32
      %dma_wait3A_656 = tpu.memref_slice %arg9[%dma_wait3A_654, %dma_wait3A_655] : memref<640x64xf32, #tpu.memory_space<vmem>> -> memref<16x64xf32, #tpu.memory_space<vmem>>
      %dma_wait3A_657 = arith.constant 0 : i32
      %dma_wait3A_658 = arith.constant 0 : i32
      %dma_wait3A_659 = tpu.memref_slice %arg2[%dma_wait3A_657, %dma_wait3A_658] : memref<10000x64xf32, #tpu.memory_space<hbm>> -> memref<16x64xf32, #tpu.memory_space<hbm>>
      %dma_wait3A_660 = arith.constant 384 : i32
      %dma_wait3A_661 = arith.constant 0 : i32
      %dma_wait3A_662 = tpu.memref_slice %arg9[%dma_wait3A_660, %dma_wait3A_661] : memref<640x64xf32, #tpu.memory_space<vmem>> -> memref<16x64xf32, #tpu.memory_space<vmem>>
      %dma_wait3A_663 = arith.constant 0 : i32
      %dma_wait3A_664 = arith.constant 0 : i32
      %dma_wait3A_665 = tpu.memref_slice %arg2[%dma_wait3A_663, %dma_wait3A_664] : memref<10000x64xf32, #tpu.memory_space<hbm>> -> memref<16x64xf32, #tpu.memory_space<hbm>>
      tpu.wait_dma2 semaphore(%arg21 : memref<!tpu.dma_semaphore, #tpu.memory_space<semaphore_mem>>) src(%dma_wait3A_665 : memref<16x64xf32, #tpu.memory_space<hbm>>) dst(%dma_wait3A_662 : memref<16x64xf32, #tpu.memory_space<vmem>>)
    } else {
    }
    %broadcast_in_dim3A = arith.constant 0.000000e+00 : f32
    %broadcast_in_dim3A_9 = vector.broadcast %broadcast_in_dim3A : f32 to vector<16xf32>
    %swap3A = arith.constant 0 : i32
    %swap3A_10 = arith.index_cast %swap3A : i32 to index
    %swap3A_11 = arith.constant 0 : index
    %swap3A_12 = tpu.vector_load %arg10[%swap3A_10, %swap3A_11] {strides = array<i32>} : memref<16x64xf32, #tpu.memory_space<vmem>>, vector<1x16xf32>,
    %swap3A_13 = vector.shape_cast %swap3A_12 : vector<1x16xf32> to vector<16xf32>
    %swap3A_14 = vector.shape_cast %broadcast_in_dim3A_9 : vector<16xf32> to vector<1x16xf32>
    tpu.vector_store %arg10[%swap3A_10, %swap3A_11], %swap3A_14 {strides = array<i32>} : memref<16x64xf32, #tpu.memory_space<vmem>>, vector<1x16xf32>,
    %swap3A_15 = arith.constant 0 : i32
    %swap3A_16 = arith.index_cast %swap3A_15 : i32 to index
    %swap3A_17 = arith.constant 16 : index
    %swap3A_18 = tpu.vector_load %arg10[%swap3A_16, %swap3A_17] {strides = array<i32>} : memref<16x64xf32, #tpu.memory_space<vmem>>, vector<1x16xf32>,
    %swap3A_19 = vector.shape_cast %swap3A_18 : vector<1x16xf32> to vector<16xf32>
    %swap3A_20 = vector.shape_cast %broadcast_in_dim3A_9 : vector<16xf32> to vector<1x16xf32>
    tpu.vector_store %arg10[%swap3A_16, %swap3A_17], %swap3A_20 {strides = array<i32>} : memref<16x64xf32, #tpu.memory_space<vmem>>, vector<1x16xf32>,
    %swap3A_21 = arith.constant 0 : i32
    %swap3A_22 = arith.index_cast %swap3A_21 : i32 to index
    %swap3A_23 = arith.constant 32 : index
    %swap3A_24 = tpu.vector_load %arg10[%swap3A_22, %swap3A_23] {strides = array<i32>} : memref<16x64xf32, #tpu.memory_space<vmem>>, vector<1x16xf32>,
    %swap3A_25 = vector.shape_cast %swap3A_24 : vector<1x16xf32> to vector<16xf32>
    %swap3A_26 = vector.shape_cast %broadcast_in_dim3A_9 : vector<16xf32> to vector<1x16xf32>
    tpu.vector_store %arg10[%swap3A_22, %swap3A_23], %swap3A_26 {strides = array<i32>} : memref<16x64xf32, #tpu.memory_space<vmem>>, vector<1x16xf32>,
    %swap3A_27 = arith.constant 0 : i32
    %swap3A_28 = arith.index_cast %swap3A_27 : i32 to index
    %swap3A_29 = arith.constant 48 : index
    %swap3A_30 = tpu.vector_load %arg10[%swap3A_28, %swap3A_29] {strides = array<i32>} : memref<16x64xf32, #tpu.memory_space<vmem>>, vector<1x16xf32>,
    %swap3A_31 = vector.shape_cast %swap3A_30 : vector<1x16xf32> to vector<16xf32>
    %swap3A_32 = vector.shape_cast %broadcast_in_dim3A_9 : vector<16xf32> to vector<1x16xf32>
    tpu.vector_store %arg10[%swap3A_28, %swap3A_29], %swap3A_32 {strides = array<i32>} : memref<16x64xf32, #tpu.memory_space<vmem>>, vector<1x16xf32>,
    %swap3A_33 = arith.constant 1 : i32
    %swap3A_34 = arith.index_cast %swap3A_33 : i32 to index
    %swap3A_35 = arith.constant 0 : index
    %swap3A_36 = tpu.vector_load %arg10[%swap3A_34, %swap3A_35] {strides = array<i32>} : memref<16x64xf32, #tpu.memory_space<vmem>>, vector<1x16xf32>,
    %swap3A_37 = vector.shape_cast %swap3A_36 : vector<1x16xf32> to vector<16xf32>
    %swap3A_38 = vector.shape_cast %broadcast_in_dim3A_9 : vector<16xf32> to vector<1x16xf32>
    tpu.vector_store %arg10[%swap3A_34, %swap3A_35], %swap3A_38 {strides = array<i32>} : memref<16x64xf32, #tpu.memory_space<vmem>>, vector<1x16xf32>,
    %swap3A_39 = arith.constant 1 : i32
    %swap3A_40 = arith.index_cast %swap3A_39 : i32 to index
    %swap3A_41 = arith.constant 16 : index
    %swap3A_42 = tpu.vector_load %arg10[%swap3A_40, %swap3A_41] {strides = array<i32>} : memref<16x64xf32, #tpu.memory_space<vmem>>, vector<1x16xf32>,
    %swap3A_43 = vector.shape_cast %swap3A_42 : vector<1x16xf32> to vector<16xf32>
    %swap3A_44 = vector.shape_cast %broadcast_in_dim3A_9 : vector<16xf32> to vector<1x16xf32>
    tpu.vector_store %arg10[%swap3A_40, %swap3A_41], %swap3A_44 {strides = array<i32>} : memref<16x64xf32, #tpu.memory_space<vmem>>, vector<1x16xf32>,
    %swap3A_45 = arith.constant 1 : i32
    %swap3A_46 = arith.index_cast %swap3A_45 : i32 to index
    %swap3A_47 = arith.constant 32 : index
    %swap3A_48 = tpu.vector_load %arg10[%swap3A_46, %swap3A_47] {strides = array<i32>} : memref<16x64xf32, #tpu.memory_space<vmem>>, vector<1x16xf32>,
    %swap3A_49 = vector.shape_cast %swap3A_48 : vector<1x16xf32> to vector<16xf32>
    %swap3A_50 = vector.shape_cast %broadcast_in_dim3A_9 : vector<16xf32> to vector<1x16xf32>
    tpu.vector_store %arg10[%swap3A_46, %swap3A_47], %swap3A_50 {strides = array<i32>} : memref<16x64xf32, #tpu.memory_space<vmem>>, vector<1x16xf32>,
    %swap3A_51 = arith.constant 1 : i32
    %swap3A_52 = arith.index_cast %swap3A_51 : i32 to index
    %swap3A_53 = arith.constant 48 : index
    %swap3A_54 = tpu.vector_load %arg10[%swap3A_52, %swap3A_53] {strides = array<i32>} : memref<16x64xf32, #tpu.memory_space<vmem>>, vector<1x16xf32>,
    %swap3A_55 = vector.shape_cast %swap3A_54 : vector<1x16xf32> to vector<16xf32>
    %swap3A_56 = vector.shape_cast %broadcast_in_dim3A_9 : vector<16xf32> to vector<1x16xf32>
    tpu.vector_store %arg10[%swap3A_52, %swap3A_53], %swap3A_56 {strides = array<i32>} : memref<16x64xf32, #tpu.memory_space<vmem>>, vector<1x16xf32>,
    %swap3A_57 = arith.constant 2 : i32
    %swap3A_58 = arith.index_cast %swap3A_57 : i32 to index
    %swap3A_59 = arith.constant 0 : index
    %swap3A_60 = tpu.vector_load %arg10[%swap3A_58, %swap3A_59] {strides = array<i32>} : memref<16x64xf32, #tpu.memory_space<vmem>>, vector<1x16xf32>,
    %swap3A_61 = vector.shape_cast %swap3A_60 : vector<1x16xf32> to vector<16xf32>
    %swap3A_62 = vector.shape_cast %broadcast_in_dim3A_9 : vector<16xf32> to vector<1x16xf32>
    tpu.vector_store %arg10[%swap3A_58, %swap3A_59], %swap3A_62 {strides = array<i32>} : memref<16x64xf32, #tpu.memory_space<vmem>>, vector<1x16xf32>,
    %swap3A_63 = arith.constant 2 : i32
    %swap3A_64 = arith.index_cast %swap3A_63 : i32 to index
    %swap3A_65 = arith.constant 16 : index
    %swap3A_66 = tpu.vector_load %arg10[%swap3A_64, %swap3A_65] {strides = array<i32>} : memref<16x64xf32, #tpu.memory_space<vmem>>, vector<1x16xf32>,
    %swap3A_67 = vector.shape_cast %swap3A_66 : vector<1x16xf32> to vector<16xf32>
    %swap3A_68 = vector.shape_cast %broadcast_in_dim3A_9 : vector<16xf32> to vector<1x16xf32>
    tpu.vector_store %arg10[%swap3A_64, %swap3A_65], %swap3A_68 {strides = array<i32>} : memref<16x64xf32, #tpu.memory_space<vmem>>, vector<1x16xf32>,
    %swap3A_69 = arith.constant 2 : i32
    %swap3A_70 = arith.index_cast %swap3A_69 : i32 to index
    %swap3A_71 = arith.constant 32 : index
    %swap3A_72 = tpu.vector_load %arg10[%swap3A_70, %swap3A_71] {strides = array<i32>} : memref<16x64xf32, #tpu.memory_space<vmem>>, vector<1x16xf32>,
    %swap3A_73 = vector.shape_cast %swap3A_72 : vector<1x16xf32> to vector<16xf32>
    %swap3A_74 = vector.shape_cast %broadcast_in_dim3A_9 : vector<16xf32> to vector<1x16xf32>
    tpu.vector_store %arg10[%swap3A_70, %swap3A_71], %swap3A_74 {strides = array<i32>} : memref<16x64xf32, #tpu.memory_space<vmem>>, vector<1x16xf32>,
    %swap3A_75 = arith.constant 2 : i32
    %swap3A_76 = arith.index_cast %swap3A_75 : i32 to index
    %swap3A_77 = arith.constant 48 : index
    %swap3A_78 = tpu.vector_load %arg10[%swap3A_76, %swap3A_77] {strides = array<i32>} : memref<16x64xf32, #tpu.memory_space<vmem>>, vector<1x16xf32>,
    %swap3A_79 = vector.shape_cast %swap3A_78 : vector<1x16xf32> to vector<16xf32>
    %swap3A_80 = vector.shape_cast %broadcast_in_dim3A_9 : vector<16xf32> to vector<1x16xf32>
    tpu.vector_store %arg10[%swap3A_76, %swap3A_77], %swap3A_80 {strides = array<i32>} : memref<16x64xf32, #tpu.memory_space<vmem>>, vector<1x16xf32>,
    %swap3A_81 = arith.constant 3 : i32
    %swap3A_82 = arith.index_cast %swap3A_81 : i32 to index
    %swap3A_83 = arith.constant 0 : index
    %swap3A_84 = tpu.vector_load %arg10[%swap3A_82, %swap3A_83] {strides = array<i32>} : memref<16x64xf32, #tpu.memory_space<vmem>>, vector<1x16xf32>,
    %swap3A_85 = vector.shape_cast %swap3A_84 : vector<1x16xf32> to vector<16xf32>
    %swap3A_86 = vector.shape_cast %broadcast_in_dim3A_9 : vector<16xf32> to vector<1x16xf32>
    tpu.vector_store %arg10[%swap3A_82, %swap3A_83], %swap3A_86 {strides = array<i32>} : memref<16x64xf32, #tpu.memory_space<vmem>>, vector<1x16xf32>,
    %swap3A_87 = arith.constant 3 : i32
    %swap3A_88 = arith.index_cast %swap3A_87 : i32 to index
    %swap3A_89 = arith.constant 16 : index
    %swap3A_90 = tpu.vector_load %arg10[%swap3A_88, %swap3A_89] {strides = array<i32>} : memref<16x64xf32, #tpu.memory_space<vmem>>, vector<1x16xf32>,
    %swap3A_91 = vector.shape_cast %swap3A_90 : vector<1x16xf32> to vector<16xf32>
    %swap3A_92 = vector.shape_cast %broadcast_in_dim3A_9 : vector<16xf32> to vector<1x16xf32>
    tpu.vector_store %arg10[%swap3A_88, %swap3A_89], %swap3A_92 {strides = array<i32>} : memref<16x64xf32, #tpu.memory_space<vmem>>, vector<1x16xf32>,
    %swap3A_93 = arith.constant 3 : i32
    %swap3A_94 = arith.index_cast %swap3A_93 : i32 to index
    %swap3A_95 = arith.constant 32 : index
    %swap3A_96 = tpu.vector_load %arg10[%swap3A_94, %swap3A_95] {strides = array<i32>} : memref<16x64xf32, #tpu.memory_space<vmem>>, vector<1x16xf32>,
    %swap3A_97 = vector.shape_cast %swap3A_96 : vector<1x16xf32> to vector<16xf32>
    %swap3A_98 = vector.shape_cast %broadcast_in_dim3A_9 : vector<16xf32> to vector<1x16xf32>
    tpu.vector_store %arg10[%swap3A_94, %swap3A_95], %swap3A_98 {strides = array<i32>} : memref<16x64xf32, #tpu.memory_space<vmem>>, vector<1x16xf32>,
    %swap3A_99 = arith.constant 3 : i32
    %swap3A_100 = arith.index_cast %swap3A_99 : i32 to index
    %swap3A_101 = arith.constant 48 : index
    %swap3A_102 = tpu.vector_load %arg10[%swap3A_100, %swap3A_101] {strides = array<i32>} : memref<16x64xf32, #tpu.memory_space<vmem>>, vector<1x16xf32>,
    %swap3A_103 = vector.shape_cast %swap3A_102 : vector<1x16xf32> to vector<16xf32>
    %swap3A_104 = vector.shape_cast %broadcast_in_dim3A_9 : vector<16xf32> to vector<1x16xf32>
    tpu.vector_store %arg10[%swap3A_100, %swap3A_101], %swap3A_104 {strides = array<i32>} : memref<16x64xf32, #tpu.memory_space<vmem>>, vector<1x16xf32>,
    %swap3A_105 = arith.constant 4 : i32
    %swap3A_106 = arith.index_cast %swap3A_105 : i32 to index
    %swap3A_107 = arith.constant 0 : index
    %swap3A_108 = tpu.vector_load %arg10[%swap3A_106, %swap3A_107] {strides = array<i32>} : memref<16x64xf32, #tpu.memory_space<vmem>>, vector<1x16xf32>,
    %swap3A_109 = vector.shape_cast %swap3A_108 : vector<1x16xf32> to vector<16xf32>
    %swap3A_110 = vector.shape_cast %broadcast_in_dim3A_9 : vector<16xf32> to vector<1x16xf32>
    tpu.vector_store %arg10[%swap3A_106, %swap3A_107], %swap3A_110 {strides = array<i32>} : memref<16x64xf32, #tpu.memory_space<vmem>>, vector<1x16xf32>,
    %swap3A_111 = arith.constant 4 : i32
    %swap3A_112 = arith.index_cast %swap3A_111 : i32 to index
    %swap3A_113 = arith.constant 16 : index
    %swap3A_114 = tpu.vector_load %arg10[%swap3A_112, %swap3A_113] {strides = array<i32>} : memref<16x64xf32, #tpu.memory_space<vmem>>, vector<1x16xf32>,
    %swap3A_115 = vector.shape_cast %swap3A_114 : vector<1x16xf32> to vector<16xf32>
    %swap3A_116 = vector.shape_cast %broadcast_in_dim3A_9 : vector<16xf32> to vector<1x16xf32>
    tpu.vector_store %arg10[%swap3A_112, %swap3A_113], %swap3A_116 {strides = array<i32>} : memref<16x64xf32, #tpu.memory_space<vmem>>, vector<1x16xf32>,
    %swap3A_117 = arith.constant 4 : i32
    %swap3A_118 = arith.index_cast %swap3A_117 : i32 to index
    %swap3A_119 = arith.constant 32 : index
    %swap3A_120 = tpu.vector_load %arg10[%swap3A_118, %swap3A_119] {strides = array<i32>} : memref<16x64xf32, #tpu.memory_space<vmem>>, vector<1x16xf32>,
    %swap3A_121 = vector.shape_cast %swap3A_120 : vector<1x16xf32> to vector<16xf32>
    %swap3A_122 = vector.shape_cast %broadcast_in_dim3A_9 : vector<16xf32> to vector<1x16xf32>
    tpu.vector_store %arg10[%swap3A_118, %swap3A_119], %swap3A_122 {strides = array<i32>} : memref<16x64xf32, #tpu.memory_space<vmem>>, vector<1x16xf32>,
    %swap3A_123 = arith.constant 4 : i32
    %swap3A_124 = arith.index_cast %swap3A_123 : i32 to index
    %swap3A_125 = arith.constant 48 : index
    %swap3A_126 = tpu.vector_load %arg10[%swap3A_124, %swap3A_125] {strides = array<i32>} : memref<16x64xf32, #tpu.memory_space<vmem>>, vector<1x16xf32>,
    %swap3A_127 = vector.shape_cast %swap3A_126 : vector<1x16xf32> to vector<16xf32>
    %swap3A_128 = vector.shape_cast %broadcast_in_dim3A_9 : vector<16xf32> to vector<1x16xf32>
    tpu.vector_store %arg10[%swap3A_124, %swap3A_125], %swap3A_128 {strides = array<i32>} : memref<16x64xf32, #tpu.memory_space<vmem>>, vector<1x16xf32>,
    %swap3A_129 = arith.constant 5 : i32
    %swap3A_130 = arith.index_cast %swap3A_129 : i32 to index
    %swap3A_131 = arith.constant 0 : index
    %swap3A_132 = tpu.vector_load %arg10[%swap3A_130, %swap3A_131] {strides = array<i32>} : memref<16x64xf32, #tpu.memory_space<vmem>>, vector<1x16xf32>,
    %swap3A_133 = vector.shape_cast %swap3A_132 : vector<1x16xf32> to vector<16xf32>
    %swap3A_134 = vector.shape_cast %broadcast_in_dim3A_9 : vector<16xf32> to vector<1x16xf32>
    tpu.vector_store %arg10[%swap3A_130, %swap3A_131], %swap3A_134 {strides = array<i32>} : memref<16x64xf32, #tpu.memory_space<vmem>>, vector<1x16xf32>,
    %swap3A_135 = arith.constant 5 : i32
    %swap3A_136 = arith.index_cast %swap3A_135 : i32 to index
    %swap3A_137 = arith.constant 16 : index
    %swap3A_138 = tpu.vector_load %arg10[%swap3A_136, %swap3A_137] {strides = array<i32>} : memref<16x64xf32, #tpu.memory_space<vmem>>, vector<1x16xf32>,
    %swap3A_139 = vector.shape_cast %swap3A_138 : vector<1x16xf32> to vector<16xf32>
    %swap3A_140 = vector.shape_cast %broadcast_in_dim3A_9 : vector<16xf32> to vector<1x16xf32>
    tpu.vector_store %arg10[%swap3A_136, %swap3A_137], %swap3A_140 {strides = array<i32>} : memref<16x64xf32, #tpu.memory_space<vmem>>, vector<1x16xf32>,
    %swap3A_141 = arith.constant 5 : i32
    %swap3A_142 = arith.index_cast %swap3A_141 : i32 to index
    %swap3A_143 = arith.constant 32 : index
    %swap3A_144 = tpu.vector_load %arg10[%swap3A_142, %swap3A_143] {strides = array<i32>} : memref<16x64xf32, #tpu.memory_space<vmem>>, vector<1x16xf32>,
    %swap3A_145 = vector.shape_cast %swap3A_144 : vector<1x16xf32> to vector<16xf32>
    %swap3A_146 = vector.shape_cast %broadcast_in_dim3A_9 : vector<16xf32> to vector<1x16xf32>
    tpu.vector_store %arg10[%swap3A_142, %swap3A_143], %swap3A_146 {strides = array<i32>} : memref<16x64xf32, #tpu.memory_space<vmem>>, vector<1x16xf32>,
    %swap3A_147 = arith.constant 5 : i32
    %swap3A_148 = arith.index_cast %swap3A_147 : i32 to index
    %swap3A_149 = arith.constant 48 : index
    %swap3A_150 = tpu.vector_load %arg10[%swap3A_148, %swap3A_149] {strides = array<i32>} : memref<16x64xf32, #tpu.memory_space<vmem>>, vector<1x16xf32>,
    %swap3A_151 = vector.shape_cast %swap3A_150 : vector<1x16xf32> to vector<16xf32>
    %swap3A_152 = vector.shape_cast %broadcast_in_dim3A_9 : vector<16xf32> to vector<1x16xf32>
    tpu.vector_store %arg10[%swap3A_148, %swap3A_149], %swap3A_152 {strides = array<i32>} : memref<16x64xf32, #tpu.memory_space<vmem>>, vector<1x16xf32>,
    %swap3A_153 = arith.constant 6 : i32
    %swap3A_154 = arith.index_cast %swap3A_153 : i32 to index
    %swap3A_155 = arith.constant 0 : index
    %swap3A_156 = tpu.vector_load %arg10[%swap3A_154, %swap3A_155] {strides = array<i32>} : memref<16x64xf32, #tpu.memory_space<vmem>>, vector<1x16xf32>,
    %swap3A_157 = vector.shape_cast %swap3A_156 : vector<1x16xf32> to vector<16xf32>
    %swap3A_158 = vector.shape_cast %broadcast_in_dim3A_9 : vector<16xf32> to vector<1x16xf32>
    tpu.vector_store %arg10[%swap3A_154, %swap3A_155], %swap3A_158 {strides = array<i32>} : memref<16x64xf32, #tpu.memory_space<vmem>>, vector<1x16xf32>,
    %swap3A_159 = arith.constant 6 : i32
    %swap3A_160 = arith.index_cast %swap3A_159 : i32 to index
    %swap3A_161 = arith.constant 16 : index
    %swap3A_162 = tpu.vector_load %arg10[%swap3A_160, %swap3A_161] {strides = array<i32>} : memref<16x64xf32, #tpu.memory_space<vmem>>, vector<1x16xf32>,
    %swap3A_163 = vector.shape_cast %swap3A_162 : vector<1x16xf32> to vector<16xf32>
    %swap3A_164 = vector.shape_cast %broadcast_in_dim3A_9 : vector<16xf32> to vector<1x16xf32>
    tpu.vector_store %arg10[%swap3A_160, %swap3A_161], %swap3A_164 {strides = array<i32>} : memref<16x64xf32, #tpu.memory_space<vmem>>, vector<1x16xf32>,
    %swap3A_165 = arith.constant 6 : i32
    %swap3A_166 = arith.index_cast %swap3A_165 : i32 to index
    %swap3A_167 = arith.constant 32 : index
    %swap3A_168 = tpu.vector_load %arg10[%swap3A_166, %swap3A_167] {strides = array<i32>} : memref<16x64xf32, #tpu.memory_space<vmem>>, vector<1x16xf32>,
    %swap3A_169 = vector.shape_cast %swap3A_168 : vector<1x16xf32> to vector<16xf32>
    %swap3A_170 = vector.shape_cast %broadcast_in_dim3A_9 : vector<16xf32> to vector<1x16xf32>
    tpu.vector_store %arg10[%swap3A_166, %swap3A_167], %swap3A_170 {strides = array<i32>} : memref<16x64xf32, #tpu.memory_space<vmem>>, vector<1x16xf32>,
    %swap3A_171 = arith.constant 6 : i32
    %swap3A_172 = arith.index_cast %swap3A_171 : i32 to index
    %swap3A_173 = arith.constant 48 : index
    %swap3A_174 = tpu.vector_load %arg10[%swap3A_172, %swap3A_173] {strides = array<i32>} : memref<16x64xf32, #tpu.memory_space<vmem>>, vector<1x16xf32>,
    %swap3A_175 = vector.shape_cast %swap3A_174 : vector<1x16xf32> to vector<16xf32>
    %swap3A_176 = vector.shape_cast %broadcast_in_dim3A_9 : vector<16xf32> to vector<1x16xf32>
    tpu.vector_store %arg10[%swap3A_172, %swap3A_173], %swap3A_176 {strides = array<i32>} : memref<16x64xf32, #tpu.memory_space<vmem>>, vector<1x16xf32>,
    %swap3A_177 = arith.constant 7 : i32
    %swap3A_178 = arith.index_cast %swap3A_177 : i32 to index
    %swap3A_179 = arith.constant 0 : index
    %swap3A_180 = tpu.vector_load %arg10[%swap3A_178, %swap3A_179] {strides = array<i32>} : memref<16x64xf32, #tpu.memory_space<vmem>>, vector<1x16xf32>,
    %swap3A_181 = vector.shape_cast %swap3A_180 : vector<1x16xf32> to vector<16xf32>
    %swap3A_182 = vector.shape_cast %broadcast_in_dim3A_9 : vector<16xf32> to vector<1x16xf32>
    tpu.vector_store %arg10[%swap3A_178, %swap3A_179], %swap3A_182 {strides = array<i32>} : memref<16x64xf32, #tpu.memory_space<vmem>>, vector<1x16xf32>,
    %swap3A_183 = arith.constant 7 : i32
    %swap3A_184 = arith.index_cast %swap3A_183 : i32 to index
    %swap3A_185 = arith.constant 16 : index
    %swap3A_186 = tpu.vector_load %arg10[%swap3A_184, %swap3A_185] {strides = array<i32>} : memref<16x64xf32, #tpu.memory_space<vmem>>, vector<1x16xf32>,
    %swap3A_187 = vector.shape_cast %swap3A_186 : vector<1x16xf32> to vector<16xf32>
    %swap3A_188 = vector.shape_cast %broadcast_in_dim3A_9 : vector<16xf32> to vector<1x16xf32>
    tpu.vector_store %arg10[%swap3A_184, %swap3A_185], %swap3A_188 {strides = array<i32>} : memref<16x64xf32, #tpu.memory_space<vmem>>, vector<1x16xf32>,
    %swap3A_189 = arith.constant 7 : i32
    %swap3A_190 = arith.index_cast %swap3A_189 : i32 to index
    %swap3A_191 = arith.constant 32 : index
    %swap3A_192 = tpu.vector_load %arg10[%swap3A_190, %swap3A_191] {strides = array<i32>} : memref<16x64xf32, #tpu.memory_space<vmem>>, vector<1x16xf32>,
    %swap3A_193 = vector.shape_cast %swap3A_192 : vector<1x16xf32> to vector<16xf32>
    %swap3A_194 = vector.shape_cast %broadcast_in_dim3A_9 : vector<16xf32> to vector<1x16xf32>
    tpu.vector_store %arg10[%swap3A_190, %swap3A_191], %swap3A_194 {strides = array<i32>} : memref<16x64xf32, #tpu.memory_space<vmem>>, vector<1x16xf32>,
    %swap3A_195 = arith.constant 7 : i32
    %swap3A_196 = arith.index_cast %swap3A_195 : i32 to index
    %swap3A_197 = arith.constant 48 : index
    %swap3A_198 = tpu.vector_load %arg10[%swap3A_196, %swap3A_197] {strides = array<i32>} : memref<16x64xf32, #tpu.memory_space<vmem>>, vector<1x16xf32>,
    %swap3A_199 = vector.shape_cast %swap3A_198 : vector<1x16xf32> to vector<16xf32>
    %swap3A_200 = vector.shape_cast %broadcast_in_dim3A_9 : vector<16xf32> to vector<1x16xf32>
    tpu.vector_store %arg10[%swap3A_196, %swap3A_197], %swap3A_200 {strides = array<i32>} : memref<16x64xf32, #tpu.memory_space<vmem>>, vector<1x16xf32>,
    %swap3A_201 = arith.constant 8 : i32
    %swap3A_202 = arith.index_cast %swap3A_201 : i32 to index
    %swap3A_203 = arith.constant 0 : index
    %swap3A_204 = tpu.vector_load %arg10[%swap3A_202, %swap3A_203] {strides = array<i32>} : memref<16x64xf32, #tpu.memory_space<vmem>>, vector<1x16xf32>,
    %swap3A_205 = vector.shape_cast %swap3A_204 : vector<1x16xf32> to vector<16xf32>
    %swap3A_206 = vector.shape_cast %broadcast_in_dim3A_9 : vector<16xf32> to vector<1x16xf32>
    tpu.vector_store %arg10[%swap3A_202, %swap3A_203], %swap3A_206 {strides = array<i32>} : memref<16x64xf32, #tpu.memory_space<vmem>>, vector<1x16xf32>,
    %swap3A_207 = arith.constant 8 : i32
    %swap3A_208 = arith.index_cast %swap3A_207 : i32 to index
    %swap3A_209 = arith.constant 16 : index
    %swap3A_210 = tpu.vector_load %arg10[%swap3A_208, %swap3A_209] {strides = array<i32>} : memref<16x64xf32, #tpu.memory_space<vmem>>, vector<1x16xf32>,
    %swap3A_211 = vector.shape_cast %swap3A_210 : vector<1x16xf32> to vector<16xf32>
    %swap3A_212 = vector.shape_cast %broadcast_in_dim3A_9 : vector<16xf32> to vector<1x16xf32>
    tpu.vector_store %arg10[%swap3A_208, %swap3A_209], %swap3A_212 {strides = array<i32>} : memref<16x64xf32, #tpu.memory_space<vmem>>, vector<1x16xf32>,
    %swap3A_213 = arith.constant 8 : i32
    %swap3A_214 = arith.index_cast %swap3A_213 : i32 to index
    %swap3A_215 = arith.constant 32 : index
    %swap3A_216 = tpu.vector_load %arg10[%swap3A_214, %swap3A_215] {strides = array<i32>} : memref<16x64xf32, #tpu.memory_space<vmem>>, vector<1x16xf32>,
    %swap3A_217 = vector.shape_cast %swap3A_216 : vector<1x16xf32> to vector<16xf32>
    %swap3A_218 = vector.shape_cast %broadcast_in_dim3A_9 : vector<16xf32> to vector<1x16xf32>
    tpu.vector_store %arg10[%swap3A_214, %swap3A_215], %swap3A_218 {strides = array<i32>} : memref<16x64xf32, #tpu.memory_space<vmem>>, vector<1x16xf32>,
    %swap3A_219 = arith.constant 8 : i32
    %swap3A_220 = arith.index_cast %swap3A_219 : i32 to index
    %swap3A_221 = arith.constant 48 : index
    %swap3A_222 = tpu.vector_load %arg10[%swap3A_220, %swap3A_221] {strides = array<i32>} : memref<16x64xf32, #tpu.memory_space<vmem>>, vector<1x16xf32>,
    %swap3A_223 = vector.shape_cast %swap3A_222 : vector<1x16xf32> to vector<16xf32>
    %swap3A_224 = vector.shape_cast %broadcast_in_dim3A_9 : vector<16xf32> to vector<1x16xf32>
    tpu.vector_store %arg10[%swap3A_220, %swap3A_221], %swap3A_224 {strides = array<i32>} : memref<16x64xf32, #tpu.memory_space<vmem>>, vector<1x16xf32>,
    %swap3A_225 = arith.constant 9 : i32
    %swap3A_226 = arith.index_cast %swap3A_225 : i32 to index
    %swap3A_227 = arith.constant 0 : index
    %swap3A_228 = tpu.vector_load %arg10[%swap3A_226, %swap3A_227] {strides = array<i32>} : memref<16x64xf32, #tpu.memory_space<vmem>>, vector<1x16xf32>,
    %swap3A_229 = vector.shape_cast %swap3A_228 : vector<1x16xf32> to vector<16xf32>
    %swap3A_230 = vector.shape_cast %broadcast_in_dim3A_9 : vector<16xf32> to vector<1x16xf32>
    tpu.vector_store %arg10[%swap3A_226, %swap3A_227], %swap3A_230 {strides = array<i32>} : memref<16x64xf32, #tpu.memory_space<vmem>>, vector<1x16xf32>,
    %swap3A_231 = arith.constant 9 : i32
    %swap3A_232 = arith.index_cast %swap3A_231 : i32 to index
    %swap3A_233 = arith.constant 16 : index
    %swap3A_234 = tpu.vector_load %arg10[%swap3A_232, %swap3A_233] {strides = array<i32>} : memref<16x64xf32, #tpu.memory_space<vmem>>, vector<1x16xf32>,
    %swap3A_235 = vector.shape_cast %swap3A_234 : vector<1x16xf32> to vector<16xf32>
    %swap3A_236 = vector.shape_cast %broadcast_in_dim3A_9 : vector<16xf32> to vector<1x16xf32>
    tpu.vector_store %arg10[%swap3A_232, %swap3A_233], %swap3A_236 {strides = array<i32>} : memref<16x64xf32, #tpu.memory_space<vmem>>, vector<1x16xf32>,
    %swap3A_237 = arith.constant 9 : i32
    %swap3A_238 = arith.index_cast %swap3A_237 : i32 to index
    %swap3A_239 = arith.constant 32 : index
    %swap3A_240 = tpu.vector_load %arg10[%swap3A_238, %swap3A_239] {strides = array<i32>} : memref<16x64xf32, #tpu.memory_space<vmem>>, vector<1x16xf32>,
    %swap3A_241 = vector.shape_cast %swap3A_240 : vector<1x16xf32> to vector<16xf32>
    %swap3A_242 = vector.shape_cast %broadcast_in_dim3A_9 : vector<16xf32> to vector<1x16xf32>
    tpu.vector_store %arg10[%swap3A_238, %swap3A_239], %swap3A_242 {strides = array<i32>} : memref<16x64xf32, #tpu.memory_space<vmem>>, vector<1x16xf32>,
    %swap3A_243 = arith.constant 9 : i32
    %swap3A_244 = arith.index_cast %swap3A_243 : i32 to index
    %swap3A_245 = arith.constant 48 : index
    %swap3A_246 = tpu.vector_load %arg10[%swap3A_244, %swap3A_245] {strides = array<i32>} : memref<16x64xf32, #tpu.memory_space<vmem>>, vector<1x16xf32>,
    %swap3A_247 = vector.shape_cast %swap3A_246 : vector<1x16xf32> to vector<16xf32>
    %swap3A_248 = vector.shape_cast %broadcast_in_dim3A_9 : vector<16xf32> to vector<1x16xf32>
    tpu.vector_store %arg10[%swap3A_244, %swap3A_245], %swap3A_248 {strides = array<i32>} : memref<16x64xf32, #tpu.memory_space<vmem>>, vector<1x16xf32>,
    %swap3A_249 = arith.constant 10 : i32
    %swap3A_250 = arith.index_cast %swap3A_249 : i32 to index
    %swap3A_251 = arith.constant 0 : index
    %swap3A_252 = tpu.vector_load %arg10[%swap3A_250, %swap3A_251] {strides = array<i32>} : memref<16x64xf32, #tpu.memory_space<vmem>>, vector<1x16xf32>,
    %swap3A_253 = vector.shape_cast %swap3A_252 : vector<1x16xf32> to vector<16xf32>
    %swap3A_254 = vector.shape_cast %broadcast_in_dim3A_9 : vector<16xf32> to vector<1x16xf32>
    tpu.vector_store %arg10[%swap3A_250, %swap3A_251], %swap3A_254 {strides = array<i32>} : memref<16x64xf32, #tpu.memory_space<vmem>>, vector<1x16xf32>,
    %swap3A_255 = arith.constant 10 : i32
    %swap3A_256 = arith.index_cast %swap3A_255 : i32 to index
    %swap3A_257 = arith.constant 16 : index
    %swap3A_258 = tpu.vector_load %arg10[%swap3A_256, %swap3A_257] {strides = array<i32>} : memref<16x64xf32, #tpu.memory_space<vmem>>, vector<1x16xf32>,
    %swap3A_259 = vector.shape_cast %swap3A_258 : vector<1x16xf32> to vector<16xf32>
    %swap3A_260 = vector.shape_cast %broadcast_in_dim3A_9 : vector<16xf32> to vector<1x16xf32>
    tpu.vector_store %arg10[%swap3A_256, %swap3A_257], %swap3A_260 {strides = array<i32>} : memref<16x64xf32, #tpu.memory_space<vmem>>, vector<1x16xf32>,
    %swap3A_261 = arith.constant 10 : i32
    %swap3A_262 = arith.index_cast %swap3A_261 : i32 to index
    %swap3A_263 = arith.constant 32 : index
    %swap3A_264 = tpu.vector_load %arg10[%swap3A_262, %swap3A_263] {strides = array<i32>} : memref<16x64xf32, #tpu.memory_space<vmem>>, vector<1x16xf32>,
    %swap3A_265 = vector.shape_cast %swap3A_264 : vector<1x16xf32> to vector<16xf32>
    %swap3A_266 = vector.shape_cast %broadcast_in_dim3A_9 : vector<16xf32> to vector<1x16xf32>
    tpu.vector_store %arg10[%swap3A_262, %swap3A_263], %swap3A_266 {strides = array<i32>} : memref<16x64xf32, #tpu.memory_space<vmem>>, vector<1x16xf32>,
    %swap3A_267 = arith.constant 10 : i32
    %swap3A_268 = arith.index_cast %swap3A_267 : i32 to index
    %swap3A_269 = arith.constant 48 : index
    %swap3A_270 = tpu.vector_load %arg10[%swap3A_268, %swap3A_269] {strides = array<i32>} : memref<16x64xf32, #tpu.memory_space<vmem>>, vector<1x16xf32>,
    %swap3A_271 = vector.shape_cast %swap3A_270 : vector<1x16xf32> to vector<16xf32>
    %swap3A_272 = vector.shape_cast %broadcast_in_dim3A_9 : vector<16xf32> to vector<1x16xf32>
    tpu.vector_store %arg10[%swap3A_268, %swap3A_269], %swap3A_272 {strides = array<i32>} : memref<16x64xf32, #tpu.memory_space<vmem>>, vector<1x16xf32>,
    %swap3A_273 = arith.constant 11 : i32
    %swap3A_274 = arith.index_cast %swap3A_273 : i32 to index
    %swap3A_275 = arith.constant 0 : index
    %swap3A_276 = tpu.vector_load %arg10[%swap3A_274, %swap3A_275] {strides = array<i32>} : memref<16x64xf32, #tpu.memory_space<vmem>>, vector<1x16xf32>,
    %swap3A_277 = vector.shape_cast %swap3A_276 : vector<1x16xf32> to vector<16xf32>
    %swap3A_278 = vector.shape_cast %broadcast_in_dim3A_9 : vector<16xf32> to vector<1x16xf32>
    tpu.vector_store %arg10[%swap3A_274, %swap3A_275], %swap3A_278 {strides = array<i32>} : memref<16x64xf32, #tpu.memory_space<vmem>>, vector<1x16xf32>,
    %swap3A_279 = arith.constant 11 : i32
    %swap3A_280 = arith.index_cast %swap3A_279 : i32 to index
    %swap3A_281 = arith.constant 16 : index
    %swap3A_282 = tpu.vector_load %arg10[%swap3A_280, %swap3A_281] {strides = array<i32>} : memref<16x64xf32, #tpu.memory_space<vmem>>, vector<1x16xf32>,
    %swap3A_283 = vector.shape_cast %swap3A_282 : vector<1x16xf32> to vector<16xf32>
    %swap3A_284 = vector.shape_cast %broadcast_in_dim3A_9 : vector<16xf32> to vector<1x16xf32>
    tpu.vector_store %arg10[%swap3A_280, %swap3A_281], %swap3A_284 {strides = array<i32>} : memref<16x64xf32, #tpu.memory_space<vmem>>, vector<1x16xf32>,
    %swap3A_285 = arith.constant 11 : i32
    %swap3A_286 = arith.index_cast %swap3A_285 : i32 to index
    %swap3A_287 = arith.constant 32 : index
    %swap3A_288 = tpu.vector_load %arg10[%swap3A_286, %swap3A_287] {strides = array<i32>} : memref<16x64xf32, #tpu.memory_space<vmem>>, vector<1x16xf32>,
    %swap3A_289 = vector.shape_cast %swap3A_288 : vector<1x16xf32> to vector<16xf32>
    %swap3A_290 = vector.shape_cast %broadcast_in_dim3A_9 : vector<16xf32> to vector<1x16xf32>
    tpu.vector_store %arg10[%swap3A_286, %swap3A_287], %swap3A_290 {strides = array<i32>} : memref<16x64xf32, #tpu.memory_space<vmem>>, vector<1x16xf32>,
    %swap3A_291 = arith.constant 11 : i32
    %swap3A_292 = arith.index_cast %swap3A_291 : i32 to index
    %swap3A_293 = arith.constant 48 : index
    %swap3A_294 = tpu.vector_load %arg10[%swap3A_292, %swap3A_293] {strides = array<i32>} : memref<16x64xf32, #tpu.memory_space<vmem>>, vector<1x16xf32>,
    %swap3A_295 = vector.shape_cast %swap3A_294 : vector<1x16xf32> to vector<16xf32>
    %swap3A_296 = vector.shape_cast %broadcast_in_dim3A_9 : vector<16xf32> to vector<1x16xf32>
    tpu.vector_store %arg10[%swap3A_292, %swap3A_293], %swap3A_296 {strides = array<i32>} : memref<16x64xf32, #tpu.memory_space<vmem>>, vector<1x16xf32>,
    %swap3A_297 = arith.constant 12 : i32
    %swap3A_298 = arith.index_cast %swap3A_297 : i32 to index
    %swap3A_299 = arith.constant 0 : index
    %swap3A_300 = tpu.vector_load %arg10[%swap3A_298, %swap3A_299] {strides = array<i32>} : memref<16x64xf32, #tpu.memory_space<vmem>>, vector<1x16xf32>,
    %swap3A_301 = vector.shape_cast %swap3A_300 : vector<1x16xf32> to vector<16xf32>
    %swap3A_302 = vector.shape_cast %broadcast_in_dim3A_9 : vector<16xf32> to vector<1x16xf32>
    tpu.vector_store %arg10[%swap3A_298, %swap3A_299], %swap3A_302 {strides = array<i32>} : memref<16x64xf32, #tpu.memory_space<vmem>>, vector<1x16xf32>,
    %swap3A_303 = arith.constant 12 : i32
    %swap3A_304 = arith.index_cast %swap3A_303 : i32 to index
    %swap3A_305 = arith.constant 16 : index
    %swap3A_306 = tpu.vector_load %arg10[%swap3A_304, %swap3A_305] {strides = array<i32>} : memref<16x64xf32, #tpu.memory_space<vmem>>, vector<1x16xf32>,
    %swap3A_307 = vector.shape_cast %swap3A_306 : vector<1x16xf32> to vector<16xf32>
    %swap3A_308 = vector.shape_cast %broadcast_in_dim3A_9 : vector<16xf32> to vector<1x16xf32>
    tpu.vector_store %arg10[%swap3A_304, %swap3A_305], %swap3A_308 {strides = array<i32>} : memref<16x64xf32, #tpu.memory_space<vmem>>, vector<1x16xf32>,
    %swap3A_309 = arith.constant 12 : i32
    %swap3A_310 = arith.index_cast %swap3A_309 : i32 to index
    %swap3A_311 = arith.constant 32 : index
    %swap3A_312 = tpu.vector_load %arg10[%swap3A_310, %swap3A_311] {strides = array<i32>} : memref<16x64xf32, #tpu.memory_space<vmem>>, vector<1x16xf32>,
    %swap3A_313 = vector.shape_cast %swap3A_312 : vector<1x16xf32> to vector<16xf32>
    %swap3A_314 = vector.shape_cast %broadcast_in_dim3A_9 : vector<16xf32> to vector<1x16xf32>
    tpu.vector_store %arg10[%swap3A_310, %swap3A_311], %swap3A_314 {strides = array<i32>} : memref<16x64xf32, #tpu.memory_space<vmem>>, vector<1x16xf32>,
    %swap3A_315 = arith.constant 12 : i32
    %swap3A_316 = arith.index_cast %swap3A_315 : i32 to index
    %swap3A_317 = arith.constant 48 : index
    %swap3A_318 = tpu.vector_load %arg10[%swap3A_316, %swap3A_317] {strides = array<i32>} : memref<16x64xf32, #tpu.memory_space<vmem>>, vector<1x16xf32>,
    %swap3A_319 = vector.shape_cast %swap3A_318 : vector<1x16xf32> to vector<16xf32>
    %swap3A_320 = vector.shape_cast %broadcast_in_dim3A_9 : vector<16xf32> to vector<1x16xf32>
    tpu.vector_store %arg10[%swap3A_316, %swap3A_317], %swap3A_320 {strides = array<i32>} : memref<16x64xf32, #tpu.memory_space<vmem>>, vector<1x16xf32>,
    %swap3A_321 = arith.constant 13 : i32
    %swap3A_322 = arith.index_cast %swap3A_321 : i32 to index
    %swap3A_323 = arith.constant 0 : index
    %swap3A_324 = tpu.vector_load %arg10[%swap3A_322, %swap3A_323] {strides = array<i32>} : memref<16x64xf32, #tpu.memory_space<vmem>>, vector<1x16xf32>,
    %swap3A_325 = vector.shape_cast %swap3A_324 : vector<1x16xf32> to vector<16xf32>
    %swap3A_326 = vector.shape_cast %broadcast_in_dim3A_9 : vector<16xf32> to vector<1x16xf32>
    tpu.vector_store %arg10[%swap3A_322, %swap3A_323], %swap3A_326 {strides = array<i32>} : memref<16x64xf32, #tpu.memory_space<vmem>>, vector<1x16xf32>,
    %swap3A_327 = arith.constant 13 : i32
    %swap3A_328 = arith.index_cast %swap3A_327 : i32 to index
    %swap3A_329 = arith.constant 16 : index
    %swap3A_330 = tpu.vector_load %arg10[%swap3A_328, %swap3A_329] {strides = array<i32>} : memref<16x64xf32, #tpu.memory_space<vmem>>, vector<1x16xf32>,
    %swap3A_331 = vector.shape_cast %swap3A_330 : vector<1x16xf32> to vector<16xf32>
    %swap3A_332 = vector.shape_cast %broadcast_in_dim3A_9 : vector<16xf32> to vector<1x16xf32>
    tpu.vector_store %arg10[%swap3A_328, %swap3A_329], %swap3A_332 {strides = array<i32>} : memref<16x64xf32, #tpu.memory_space<vmem>>, vector<1x16xf32>,
    %swap3A_333 = arith.constant 13 : i32
    %swap3A_334 = arith.index_cast %swap3A_333 : i32 to index
    %swap3A_335 = arith.constant 32 : index
    %swap3A_336 = tpu.vector_load %arg10[%swap3A_334, %swap3A_335] {strides = array<i32>} : memref<16x64xf32, #tpu.memory_space<vmem>>, vector<1x16xf32>,
    %swap3A_337 = vector.shape_cast %swap3A_336 : vector<1x16xf32> to vector<16xf32>
    %swap3A_338 = vector.shape_cast %broadcast_in_dim3A_9 : vector<16xf32> to vector<1x16xf32>
    tpu.vector_store %arg10[%swap3A_334, %swap3A_335], %swap3A_338 {strides = array<i32>} : memref<16x64xf32, #tpu.memory_space<vmem>>, vector<1x16xf32>,
    %swap3A_339 = arith.constant 13 : i32
    %swap3A_340 = arith.index_cast %swap3A_339 : i32 to index
    %swap3A_341 = arith.constant 48 : index
    %swap3A_342 = tpu.vector_load %arg10[%swap3A_340, %swap3A_341] {strides = array<i32>} : memref<16x64xf32, #tpu.memory_space<vmem>>, vector<1x16xf32>,
    %swap3A_343 = vector.shape_cast %swap3A_342 : vector<1x16xf32> to vector<16xf32>
    %swap3A_344 = vector.shape_cast %broadcast_in_dim3A_9 : vector<16xf32> to vector<1x16xf32>
    tpu.vector_store %arg10[%swap3A_340, %swap3A_341], %swap3A_344 {strides = array<i32>} : memref<16x64xf32, #tpu.memory_space<vmem>>, vector<1x16xf32>,
    %swap3A_345 = arith.constant 14 : i32
    %swap3A_346 = arith.index_cast %swap3A_345 : i32 to index
    %swap3A_347 = arith.constant 0 : index
    %swap3A_348 = tpu.vector_load %arg10[%swap3A_346, %swap3A_347] {strides = array<i32>} : memref<16x64xf32, #tpu.memory_space<vmem>>, vector<1x16xf32>,
    %swap3A_349 = vector.shape_cast %swap3A_348 : vector<1x16xf32> to vector<16xf32>
    %swap3A_350 = vector.shape_cast %broadcast_in_dim3A_9 : vector<16xf32> to vector<1x16xf32>
    tpu.vector_store %arg10[%swap3A_346, %swap3A_347], %swap3A_350 {strides = array<i32>} : memref<16x64xf32, #tpu.memory_space<vmem>>, vector<1x16xf32>,
    %swap3A_351 = arith.constant 14 : i32
    %swap3A_352 = arith.index_cast %swap3A_351 : i32 to index
    %swap3A_353 = arith.constant 16 : index
    %swap3A_354 = tpu.vector_load %arg10[%swap3A_352, %swap3A_353] {strides = array<i32>} : memref<16x64xf32, #tpu.memory_space<vmem>>, vector<1x16xf32>,
    %swap3A_355 = vector.shape_cast %swap3A_354 : vector<1x16xf32> to vector<16xf32>
    %swap3A_356 = vector.shape_cast %broadcast_in_dim3A_9 : vector<16xf32> to vector<1x16xf32>
    tpu.vector_store %arg10[%swap3A_352, %swap3A_353], %swap3A_356 {strides = array<i32>} : memref<16x64xf32, #tpu.memory_space<vmem>>, vector<1x16xf32>,
    %swap3A_357 = arith.constant 14 : i32
    %swap3A_358 = arith.index_cast %swap3A_357 : i32 to index
    %swap3A_359 = arith.constant 32 : index
    %swap3A_360 = tpu.vector_load %arg10[%swap3A_358, %swap3A_359] {strides = array<i32>} : memref<16x64xf32, #tpu.memory_space<vmem>>, vector<1x16xf32>,
    %swap3A_361 = vector.shape_cast %swap3A_360 : vector<1x16xf32> to vector<16xf32>
    %swap3A_362 = vector.shape_cast %broadcast_in_dim3A_9 : vector<16xf32> to vector<1x16xf32>
    tpu.vector_store %arg10[%swap3A_358, %swap3A_359], %swap3A_362 {strides = array<i32>} : memref<16x64xf32, #tpu.memory_space<vmem>>, vector<1x16xf32>,
    %swap3A_363 = arith.constant 14 : i32
    %swap3A_364 = arith.index_cast %swap3A_363 : i32 to index
    %swap3A_365 = arith.constant 48 : index
    %swap3A_366 = tpu.vector_load %arg10[%swap3A_364, %swap3A_365] {strides = array<i32>} : memref<16x64xf32, #tpu.memory_space<vmem>>, vector<1x16xf32>,
    %swap3A_367 = vector.shape_cast %swap3A_366 : vector<1x16xf32> to vector<16xf32>
    %swap3A_368 = vector.shape_cast %broadcast_in_dim3A_9 : vector<16xf32> to vector<1x16xf32>
    tpu.vector_store %arg10[%swap3A_364, %swap3A_365], %swap3A_368 {strides = array<i32>} : memref<16x64xf32, #tpu.memory_space<vmem>>, vector<1x16xf32>,
    %swap3A_369 = arith.constant 15 : i32
    %swap3A_370 = arith.index_cast %swap3A_369 : i32 to index
    %swap3A_371 = arith.constant 0 : index
    %swap3A_372 = tpu.vector_load %arg10[%swap3A_370, %swap3A_371] {strides = array<i32>} : memref<16x64xf32, #tpu.memory_space<vmem>>, vector<1x16xf32>,
    %swap3A_373 = vector.shape_cast %swap3A_372 : vector<1x16xf32> to vector<16xf32>
    %swap3A_374 = vector.shape_cast %broadcast_in_dim3A_9 : vector<16xf32> to vector<1x16xf32>
    tpu.vector_store %arg10[%swap3A_370, %swap3A_371], %swap3A_374 {strides = array<i32>} : memref<16x64xf32, #tpu.memory_space<vmem>>, vector<1x16xf32>,
    %swap3A_375 = arith.constant 15 : i32
    %swap3A_376 = arith.index_cast %swap3A_375 : i32 to index
    %swap3A_377 = arith.constant 16 : index
    %swap3A_378 = tpu.vector_load %arg10[%swap3A_376, %swap3A_377] {strides = array<i32>} : memref<16x64xf32, #tpu.memory_space<vmem>>, vector<1x16xf32>,
    %swap3A_379 = vector.shape_cast %swap3A_378 : vector<1x16xf32> to vector<16xf32>
    %swap3A_380 = vector.shape_cast %broadcast_in_dim3A_9 : vector<16xf32> to vector<1x16xf32>
    tpu.vector_store %arg10[%swap3A_376, %swap3A_377], %swap3A_380 {strides = array<i32>} : memref<16x64xf32, #tpu.memory_space<vmem>>, vector<1x16xf32>,
    %swap3A_381 = arith.constant 15 : i32
    %swap3A_382 = arith.index_cast %swap3A_381 : i32 to index
    %swap3A_383 = arith.constant 32 : index
    %swap3A_384 = tpu.vector_load %arg10[%swap3A_382, %swap3A_383] {strides = array<i32>} : memref<16x64xf32, #tpu.memory_space<vmem>>, vector<1x16xf32>,
    %swap3A_385 = vector.shape_cast %swap3A_384 : vector<1x16xf32> to vector<16xf32>
    %swap3A_386 = vector.shape_cast %broadcast_in_dim3A_9 : vector<16xf32> to vector<1x16xf32>
    tpu.vector_store %arg10[%swap3A_382, %swap3A_383], %swap3A_386 {strides = array<i32>} : memref<16x64xf32, #tpu.memory_space<vmem>>, vector<1x16xf32>,
    %swap3A_387 = arith.constant 15 : i32
    %swap3A_388 = arith.index_cast %swap3A_387 : i32 to index
    %swap3A_389 = arith.constant 48 : index
    %swap3A_390 = tpu.vector_load %arg10[%swap3A_388, %swap3A_389] {strides = array<i32>} : memref<16x64xf32, #tpu.memory_space<vmem>>, vector<1x16xf32>,
    %swap3A_391 = vector.shape_cast %swap3A_390 : vector<1x16xf32> to vector<16xf32>
    %swap3A_392 = vector.shape_cast %broadcast_in_dim3A_9 : vector<16xf32> to vector<1x16xf32>
    tpu.vector_store %arg10[%swap3A_388, %swap3A_389], %swap3A_392 {strides = array<i32>} : memref<16x64xf32, #tpu.memory_space<vmem>>, vector<1x16xf32>,
    %scan3A = arith.constant 0 : i32
    %scan3A_393 = arith.constant 0 : i32
    %scan3A_394 = arith.constant 8 : i32
    %scan3A_395 = arith.addi %scan3A_393, %scan3A_394 : i32
    %scan3A_396 = arith.constant 1 : i32
    scf.for %scan3A_476 = %scan3A_393 to %scan3A_395 step %scan3A_396  : i32 {
      %mul3A_477 = arith.constant 640 : i32
      %mul3A_478 = arith.muli %arg1, %mul3A_477 : i32
      %mul3A_479 = arith.constant 5 : i32
      %mul3A_480 = arith.muli %scan3A_476, %mul3A_479 : i32
      %add3A = arith.constant 0 : i32
      %add3A_481 = arith.addi %mul3A_480, %add3A : i32
      %mul3A_482 = arith.constant 16 : i32
      %mul3A_483 = arith.muli %add3A_481, %mul3A_482 : i32
      %add3A_484 = arith.addi %mul3A_478, %mul3A_483 : i32
      %dma_start3A = arith.constant 0 : i32
      %dma_start3A_485 = tpu.memref_slice %arg12[%add3A_484, %dma_start3A] : memref<10240x64xf32, #tpu.memory_space<vmem_shared>> -> memref<16x64xf32, #tpu.memory_space<vmem_shared>>
      %dma_start3A_486 = arith.constant 0 : i32
      %dma_start3A_487 = tpu.memref_slice %arg12[%add3A_484, %dma_start3A_486] : memref<10240x64xf32, #tpu.memory_space<vmem_shared>> -> memref<16x64xf32, #tpu.memory_space<vmem_shared>>
      tpu.enqueue_dma source(%arg10 : memref<16x64xf32, #tpu.memory_space<vmem>>) target(%dma_start3A_487 : memref<16x64xf32, #tpu.memory_space<vmem_shared>>) target_semaphore(%arg18 : memref<!tpu.dma_semaphore, #tpu.memory_space<semaphore_mem>>)
      %mul3A_488 = arith.constant 640 : i32
      %mul3A_489 = arith.muli %arg1, %mul3A_488 : i32
      %mul3A_490 = arith.constant 5 : i32
      %mul3A_491 = arith.muli %scan3A_476, %mul3A_490 : i32
      %add3A_492 = arith.constant 1 : i32
      %add3A_493 = arith.addi %mul3A_491, %add3A_492 : i32
      %mul3A_494 = arith.constant 16 : i32
      %mul3A_495 = arith.muli %add3A_493, %mul3A_494 : i32
      %add3A_496 = arith.addi %mul3A_489, %mul3A_495 : i32
      %dma_start3A_497 = arith.constant 0 : i32
      %dma_start3A_498 = tpu.memref_slice %arg12[%add3A_496, %dma_start3A_497] : memref<10240x64xf32, #tpu.memory_space<vmem_shared>> -> memref<16x64xf32, #tpu.memory_space<vmem_shared>>
      %dma_start3A_499 = arith.constant 0 : i32
      %dma_start3A_500 = tpu.memref_slice %arg12[%add3A_496, %dma_start3A_499] : memref<10240x64xf32, #tpu.memory_space<vmem_shared>> -> memref<16x64xf32, #tpu.memory_space<vmem_shared>>
      tpu.enqueue_dma source(%arg10 : memref<16x64xf32, #tpu.memory_space<vmem>>) target(%dma_start3A_500 : memref<16x64xf32, #tpu.memory_space<vmem_shared>>) target_semaphore(%arg19 : memref<!tpu.dma_semaphore, #tpu.memory_space<semaphore_mem>>)
      %mul3A_501 = arith.constant 640 : i32
      %mul3A_502 = arith.muli %arg1, %mul3A_501 : i32
      %mul3A_503 = arith.constant 5 : i32
      %mul3A_504 = arith.muli %scan3A_476, %mul3A_503 : i32
      %add3A_505 = arith.constant 2 : i32
      %add3A_506 = arith.addi %mul3A_504, %add3A_505 : i32
      %mul3A_507 = arith.constant 16 : i32
      %mul3A_508 = arith.muli %add3A_506, %mul3A_507 : i32
      %add3A_509 = arith.addi %mul3A_502, %mul3A_508 : i32
      %dma_start3A_510 = arith.constant 0 : i32
      %dma_start3A_511 = tpu.memref_slice %arg12[%add3A_509, %dma_start3A_510] : memref<10240x64xf32, #tpu.memory_space<vmem_shared>> -> memref<16x64xf32, #tpu.memory_space<vmem_shared>>
      %dma_start3A_512 = arith.constant 0 : i32
      %dma_start3A_513 = tpu.memref_slice %arg12[%add3A_509, %dma_start3A_512] : memref<10240x64xf32, #tpu.memory_space<vmem_shared>> -> memref<16x64xf32, #tpu.memory_space<vmem_shared>>
      tpu.enqueue_dma source(%arg10 : memref<16x64xf32, #tpu.memory_space<vmem>>) target(%dma_start3A_513 : memref<16x64xf32, #tpu.memory_space<vmem_shared>>) target_semaphore(%arg20 : memref<!tpu.dma_semaphore, #tpu.memory_space<semaphore_mem>>)
      %mul3A_514 = arith.constant 640 : i32
      %mul3A_515 = arith.muli %arg1, %mul3A_514 : i32
      %mul3A_516 = arith.constant 5 : i32
      %mul3A_517 = arith.muli %scan3A_476, %mul3A_516 : i32
      %add3A_518 = arith.constant 3 : i32
      %add3A_519 = arith.addi %mul3A_517, %add3A_518 : i32
      %mul3A_520 = arith.constant 16 : i32
      %mul3A_521 = arith.muli %add3A_519, %mul3A_520 : i32
      %add3A_522 = arith.addi %mul3A_515, %mul3A_521 : i32
      %dma_start3A_523 = arith.constant 0 : i32
      %dma_start3A_524 = tpu.memref_slice %arg12[%add3A_522, %dma_start3A_523] : memref<10240x64xf32, #tpu.memory_space<vmem_shared>> -> memref<16x64xf32, #tpu.memory_space<vmem_shared>>
      %dma_start3A_525 = arith.constant 0 : i32
      %dma_start3A_526 = tpu.memref_slice %arg12[%add3A_522, %dma_start3A_525] : memref<10240x64xf32, #tpu.memory_space<vmem_shared>> -> memref<16x64xf32, #tpu.memory_space<vmem_shared>>
      tpu.enqueue_dma source(%arg10 : memref<16x64xf32, #tpu.memory_space<vmem>>) target(%dma_start3A_526 : memref<16x64xf32, #tpu.memory_space<vmem_shared>>) target_semaphore(%arg21 : memref<!tpu.dma_semaphore, #tpu.memory_space<semaphore_mem>>)
      %mul3A_527 = arith.constant 640 : i32
      %mul3A_528 = arith.muli %arg1, %mul3A_527 : i32
      %mul3A_529 = arith.constant 5 : i32
      %mul3A_530 = arith.muli %scan3A_476, %mul3A_529 : i32
      %add3A_531 = arith.constant 4 : i32
      %add3A_532 = arith.addi %mul3A_530, %add3A_531 : i32
      %mul3A_533 = arith.constant 16 : i32
      %mul3A_534 = arith.muli %add3A_532, %mul3A_533 : i32
      %add3A_535 = arith.addi %mul3A_528, %mul3A_534 : i32
      %dma_start3A_536 = arith.constant 0 : i32
      %dma_start3A_537 = tpu.memref_slice %arg12[%add3A_535, %dma_start3A_536] : memref<10240x64xf32, #tpu.memory_space<vmem_shared>> -> memref<16x64xf32, #tpu.memory_space<vmem_shared>>
      %dma_start3A_538 = arith.constant 0 : i32
      %dma_start3A_539 = tpu.memref_slice %arg12[%add3A_535, %dma_start3A_538] : memref<10240x64xf32, #tpu.memory_space<vmem_shared>> -> memref<16x64xf32, #tpu.memory_space<vmem_shared>>
      tpu.enqueue_dma source(%arg10 : memref<16x64xf32, #tpu.memory_space<vmem>>) target(%dma_start3A_539 : memref<16x64xf32, #tpu.memory_space<vmem_shared>>) target_semaphore(%arg22 : memref<!tpu.dma_semaphore, #tpu.memory_space<semaphore_mem>>)
    }
    %scan3A_397 = arith.constant 8 : i32
    %dma_wait3A = arith.constant 0 : i32
    %dma_wait3A_398 = arith.constant 0 : i32
    %dma_wait3A_399 = tpu.memref_slice %arg9[%dma_wait3A, %dma_wait3A_398] : memref<640x64xf32, #tpu.memory_space<vmem>> -> memref<128x64xf32, #tpu.memory_space<vmem>>
    %dma_wait3A_400 = arith.constant 0 : i32
    %dma_wait3A_401 = arith.constant 0 : i32
    %dma_wait3A_402 = tpu.memref_slice %arg2[%dma_wait3A_400, %dma_wait3A_401] : memref<10000x64xf32, #tpu.memory_space<hbm>> -> memref<128x64xf32, #tpu.memory_space<hbm>>
    %dma_wait3A_403 = arith.constant 0 : i32
    %dma_wait3A_404 = arith.constant 0 : i32
    %dma_wait3A_405 = tpu.memref_slice %arg9[%dma_wait3A_403, %dma_wait3A_404] : memref<640x64xf32, #tpu.memory_space<vmem>> -> memref<128x64xf32, #tpu.memory_space<vmem>>
    %dma_wait3A_406 = arith.constant 0 : i32
    %dma_wait3A_407 = arith.constant 0 : i32
    %dma_wait3A_408 = tpu.memref_slice %arg2[%dma_wait3A_406, %dma_wait3A_407] : memref<10000x64xf32, #tpu.memory_space<hbm>> -> memref<128x64xf32, #tpu.memory_space<hbm>>
    tpu.wait_dma2 semaphore(%arg18 : memref<!tpu.dma_semaphore, #tpu.memory_space<semaphore_mem>>) src(%dma_wait3A_408 : memref<128x64xf32, #tpu.memory_space<hbm>>) dst(%dma_wait3A_405 : memref<128x64xf32, #tpu.memory_space<vmem>>)
    %dma_wait3A_409 = arith.constant 128 : i32
    %dma_wait3A_410 = arith.constant 0 : i32
    %dma_wait3A_411 = tpu.memref_slice %arg9[%dma_wait3A_409, %dma_wait3A_410] : memref<640x64xf32, #tpu.memory_space<vmem>> -> memref<128x64xf32, #tpu.memory_space<vmem>>
    %dma_wait3A_412 = arith.constant 0 : i32
    %dma_wait3A_413 = arith.constant 0 : i32
    %dma_wait3A_414 = tpu.memref_slice %arg2[%dma_wait3A_412, %dma_wait3A_413] : memref<10000x64xf32, #tpu.memory_space<hbm>> -> memref<128x64xf32, #tpu.memory_space<hbm>>
    %dma_wait3A_415 = arith.constant 128 : i32
    %dma_wait3A_416 = arith.constant 0 : i32
    %dma_wait3A_417 = tpu.memref_slice %arg9[%dma_wait3A_415, %dma_wait3A_416] : memref<640x64xf32, #tpu.memory_space<vmem>> -> memref<128x64xf32, #tpu.memory_space<vmem>>
    %dma_wait3A_418 = arith.constant 0 : i32
    %dma_wait3A_419 = arith.constant 0 : i32
    %dma_wait3A_420 = tpu.memref_slice %arg2[%dma_wait3A_418, %dma_wait3A_419] : memref<10000x64xf32, #tpu.memory_space<hbm>> -> memref<128x64xf32, #tpu.memory_space<hbm>>
    tpu.wait_dma2 semaphore(%arg19 : memref<!tpu.dma_semaphore, #tpu.memory_space<semaphore_mem>>) src(%dma_wait3A_420 : memref<128x64xf32, #tpu.memory_space<hbm>>) dst(%dma_wait3A_417 : memref<128x64xf32, #tpu.memory_space<vmem>>)
    %dma_wait3A_421 = arith.constant 256 : i32
    %dma_wait3A_422 = arith.constant 0 : i32
    %dma_wait3A_423 = tpu.memref_slice %arg9[%dma_wait3A_421, %dma_wait3A_422] : memref<640x64xf32, #tpu.memory_space<vmem>> -> memref<128x64xf32, #tpu.memory_space<vmem>>
    %dma_wait3A_424 = arith.constant 0 : i32
    %dma_wait3A_425 = arith.constant 0 : i32
    %dma_wait3A_426 = tpu.memref_slice %arg2[%dma_wait3A_424, %dma_wait3A_425] : memref<10000x64xf32, #tpu.memory_space<hbm>> -> memref<128x64xf32, #tpu.memory_space<hbm>>
    %dma_wait3A_427 = arith.constant 256 : i32
    %dma_wait3A_428 = arith.constant 0 : i32
    %dma_wait3A_429 = tpu.memref_slice %arg9[%dma_wait3A_427, %dma_wait3A_428] : memref<640x64xf32, #tpu.memory_space<vmem>> -> memref<128x64xf32, #tpu.memory_space<vmem>>
    %dma_wait3A_430 = arith.constant 0 : i32
    %dma_wait3A_431 = arith.constant 0 : i32
    %dma_wait3A_432 = tpu.memref_slice %arg2[%dma_wait3A_430, %dma_wait3A_431] : memref<10000x64xf32, #tpu.memory_space<hbm>> -> memref<128x64xf32, #tpu.memory_space<hbm>>
    tpu.wait_dma2 semaphore(%arg20 : memref<!tpu.dma_semaphore, #tpu.memory_space<semaphore_mem>>) src(%dma_wait3A_432 : memref<128x64xf32, #tpu.memory_space<hbm>>) dst(%dma_wait3A_429 : memref<128x64xf32, #tpu.memory_space<vmem>>)
    %dma_wait3A_433 = arith.constant 384 : i32
    %dma_wait3A_434 = arith.constant 0 : i32
    %dma_wait3A_435 = tpu.memref_slice %arg9[%dma_wait3A_433, %dma_wait3A_434] : memref<640x64xf32, #tpu.memory_space<vmem>> -> memref<128x64xf32, #tpu.memory_space<vmem>>
    %dma_wait3A_436 = arith.constant 0 : i32
    %dma_wait3A_437 = arith.constant 0 : i32
    %dma_wait3A_438 = tpu.memref_slice %arg2[%dma_wait3A_436, %dma_wait3A_437] : memref<10000x64xf32, #tpu.memory_space<hbm>> -> memref<128x64xf32, #tpu.memory_space<hbm>>
    %dma_wait3A_439 = arith.constant 384 : i32
    %dma_wait3A_440 = arith.constant 0 : i32
    %dma_wait3A_441 = tpu.memref_slice %arg9[%dma_wait3A_439, %dma_wait3A_440] : memref<640x64xf32, #tpu.memory_space<vmem>> -> memref<128x64xf32, #tpu.memory_space<vmem>>
    %dma_wait3A_442 = arith.constant 0 : i32
    %dma_wait3A_443 = arith.constant 0 : i32
    %dma_wait3A_444 = tpu.memref_slice %arg2[%dma_wait3A_442, %dma_wait3A_443] : memref<10000x64xf32, #tpu.memory_space<hbm>> -> memref<128x64xf32, #tpu.memory_space<hbm>>
    tpu.wait_dma2 semaphore(%arg21 : memref<!tpu.dma_semaphore, #tpu.memory_space<semaphore_mem>>) src(%dma_wait3A_444 : memref<128x64xf32, #tpu.memory_space<hbm>>) dst(%dma_wait3A_441 : memref<128x64xf32, #tpu.memory_space<vmem>>)
    %dma_wait3A_445 = arith.constant 512 : i32
    %dma_wait3A_446 = arith.constant 0 : i32
    %dma_wait3A_447 = tpu.memref_slice %arg9[%dma_wait3A_445, %dma_wait3A_446] : memref<640x64xf32, #tpu.memory_space<vmem>> -> memref<128x64xf32, #tpu.memory_space<vmem>>
    %dma_wait3A_448 = arith.constant 0 : i32
    %dma_wait3A_449 = arith.constant 0 : i32
    %dma_wait3A_450 = tpu.memref_slice %arg2[%dma_wait3A_448, %dma_wait3A_449] : memref<10000x64xf32, #tpu.memory_space<hbm>> -> memref<128x64xf32, #tpu.memory_space<hbm>>
    %dma_wait3A_451 = arith.constant 512 : i32
    %dma_wait3A_452 = arith.constant 0 : i32
    %dma_wait3A_453 = tpu.memref_slice %arg9[%dma_wait3A_451, %dma_wait3A_452] : memref<640x64xf32, #tpu.memory_space<vmem>> -> memref<128x64xf32, #tpu.memory_space<vmem>>
    %dma_wait3A_454 = arith.constant 0 : i32
    %dma_wait3A_455 = arith.constant 0 : i32
    %dma_wait3A_456 = tpu.memref_slice %arg2[%dma_wait3A_454, %dma_wait3A_455] : memref<10000x64xf32, #tpu.memory_space<hbm>> -> memref<128x64xf32, #tpu.memory_space<hbm>>
    tpu.wait_dma2 semaphore(%arg22 : memref<!tpu.dma_semaphore, #tpu.memory_space<semaphore_mem>>) src(%dma_wait3A_456 : memref<128x64xf32, #tpu.memory_space<hbm>>) dst(%dma_wait3A_453 : memref<128x64xf32, #tpu.memory_space<vmem>>)
    %barrier3A = arith.constant 0 : index
    tpu.barrier barrier_id(%barrier3A)
    %scan3A_457 = arith.constant 0 : i32
    %scan3A_458 = arith.constant 0 : i32
    %scan3A_459 = arith.constant 8 : i32
    %scan3A_460 = arith.addi %scan3A_458, %scan3A_459 : i32
    %scan3A_461 = arith.constant 1 : i32
    scf.for %scan3A_476 = %scan3A_458 to %scan3A_460 step %scan3A_461  : i32 {
      %mul3A_477 = arith.constant 20480 : i32
      %mul3A_478 = arith.muli %arg1, %mul3A_477 : i32
      %mul3A_479 = arith.constant 2560 : i32
      %mul3A_480 = arith.muli %scan3A_476, %mul3A_479 : i32
      %add3A = arith.addi %mul3A_478, %mul3A_480 : i32
      %dma_start3A = tpu.memref_slice %arg4[%add3A] : memref<327680xi32, #tpu.memory_space<hbm>> -> memref<2560xi32, #tpu.memory_space<hbm>>
      %dma_start3A_481 = tpu.memref_slice %arg4[%add3A] : memref<327680xi32, #tpu.memory_space<hbm>> -> memref<2560xi32, #tpu.memory_space<hbm>>
      tpu.enqueue_dma source(%dma_start3A_481 : memref<2560xi32, #tpu.memory_space<hbm>>) target(%arg7 : memref<2560xi32, #tpu.memory_space<vmem>>) target_semaphore(%arg13 : memref<!tpu.dma_semaphore, #tpu.memory_space<semaphore_mem>>)
      %mul3A_482 = arith.constant 160 : i32
      %mul3A_483 = arith.muli %arg1, %mul3A_482 : i32
      %mul3A_484 = arith.constant 20 : i32
      %mul3A_485 = arith.muli %scan3A_476, %mul3A_484 : i32
      %add3A_486 = arith.addi %mul3A_483, %mul3A_485 : i32
      %dma_start3A_487 = arith.constant 0 : i32
      %dma_start3A_488 = tpu.memref_slice %arg5[%add3A_486, %dma_start3A_487] : memref<2560x128xi32, #tpu.memory_space<hbm>> -> memref<20x128xi32, #tpu.memory_space<hbm>>
      %dma_start3A_489 = arith.constant 0 : i32
      %dma_start3A_490 = tpu.memref_slice %arg5[%add3A_486, %dma_start3A_489] : memref<2560x128xi32, #tpu.memory_space<hbm>> -> memref<20x128xi32, #tpu.memory_space<hbm>>
      tpu.enqueue_dma source(%dma_start3A_490 : memref<20x128xi32, #tpu.memory_space<hbm>>) target(%arg8 : memref<20x128xi32, #tpu.memory_space<vmem>>) target_semaphore(%arg14 : memref<!tpu.dma_semaphore, #tpu.memory_space<semaphore_mem>>)
      %dma_wait3A_491 = arith.constant 0 : i32
      %dma_wait3A_492 = tpu.memref_slice %arg4[%dma_wait3A_491] : memref<327680xi32, #tpu.memory_space<hbm>> -> memref<2560xi32, #tpu.memory_space<hbm>>
      %dma_wait3A_493 = arith.constant 0 : i32
      %dma_wait3A_494 = tpu.memref_slice %arg4[%dma_wait3A_493] : memref<327680xi32, #tpu.memory_space<hbm>> -> memref<2560xi32, #tpu.memory_space<hbm>>
      tpu.wait_dma2 semaphore(%arg13 : memref<!tpu.dma_semaphore, #tpu.memory_space<semaphore_mem>>) src(%dma_wait3A_494 : memref<2560xi32, #tpu.memory_space<hbm>>) dst(%arg7 : memref<2560xi32, #tpu.memory_space<vmem>>)
      %dma_wait3A_495 = arith.constant 0 : i32
      %dma_wait3A_496 = arith.constant 0 : i32
      %dma_wait3A_497 = tpu.memref_slice %arg5[%dma_wait3A_495, %dma_wait3A_496] : memref<2560x128xi32, #tpu.memory_space<hbm>> -> memref<20x128xi32, #tpu.memory_space<hbm>>
      %dma_wait3A_498 = arith.constant 0 : i32
      %dma_wait3A_499 = arith.constant 0 : i32
      %dma_wait3A_500 = tpu.memref_slice %arg5[%dma_wait3A_498, %dma_wait3A_499] : memref<2560x128xi32, #tpu.memory_space<hbm>> -> memref<20x128xi32, #tpu.memory_space<hbm>>
      tpu.wait_dma2 semaphore(%arg14 : memref<!tpu.dma_semaphore, #tpu.memory_space<semaphore_mem>>) src(%dma_wait3A_500 : memref<20x128xi32, #tpu.memory_space<hbm>>) dst(%arg8 : memref<20x128xi32, #tpu.memory_space<vmem>>)
      %dma_start3A_501 = arith.constant 0 : i32
      %dma_start3A_502 = arith.constant 0 : i32
      %dma_start3A_503 = tpu.memref_slice %arg9[%dma_start3A_501, %dma_start3A_502] : memref<640x64xf32, #tpu.memory_space<vmem>> -> memref<128x64xf32, #tpu.memory_space<vmem>>
      %dma_start3A_504 = arith.constant 0 : i32
      %dma_start3A_505 = tpu.memref_slice %arg7[%dma_start3A_504] : memref<2560xi32, #tpu.memory_space<vmem>> -> memref<128xi32, #tpu.memory_space<vmem>>
      %dma_start3A_506 = arith.constant 0 : i32
      %dma_start3A_507 = arith.constant 0 : i32
      %dma_start3A_508 = tpu.memref_slice %arg11[%dma_start3A_506, %dma_start3A_507] : memref<10016x64xf32, #tpu.memory_space<vmem_shared>> -> memref<10016x64xf32, #tpu.memory_space<vmem_shared>>
      tpu.enqueue_indirect_dma source(%dma_start3A_508 : memref<10016x64xf32, #tpu.memory_space<vmem_shared>>) target(%dma_start3A_503 : memref<128x64xf32, #tpu.memory_space<vmem>>) offsets(%dma_start3A_505 : memref<128xi32, #tpu.memory_space<vmem>>) semaphore(%arg13 : memref<!tpu.dma_semaphore, #tpu.memory_space<semaphore_mem>>)
      %dma_start3A_509 = arith.constant 128 : i32
      %dma_start3A_510 = arith.constant 0 : i32
      %dma_start3A_511 = tpu.memref_slice %arg9[%dma_start3A_509, %dma_start3A_510] : memref<640x64xf32, #tpu.memory_space<vmem>> -> memref<128x64xf32, #tpu.memory_space<vmem>>
      %dma_start3A_512 = arith.constant 128 : i32
      %dma_start3A_513 = tpu.memref_slice %arg7[%dma_start3A_512] : memref<2560xi32, #tpu.memory_space<vmem>> -> memref<128xi32, #tpu.memory_space<vmem>>
      %dma_start3A_514 = arith.constant 0 : i32
      %dma_start3A_515 = arith.constant 0 : i32
      %dma_start3A_516 = tpu.memref_slice %arg11[%dma_start3A_514, %dma_start3A_515] : memref<10016x64xf32, #tpu.memory_space<vmem_shared>> -> memref<10016x64xf32, #tpu.memory_space<vmem_shared>>
      tpu.enqueue_indirect_dma source(%dma_start3A_516 : memref<10016x64xf32, #tpu.memory_space<vmem_shared>>) target(%dma_start3A_511 : memref<128x64xf32, #tpu.memory_space<vmem>>) offsets(%dma_start3A_513 : memref<128xi32, #tpu.memory_space<vmem>>) semaphore(%arg14 : memref<!tpu.dma_semaphore, #tpu.memory_space<semaphore_mem>>)
      %dma_start3A_517 = arith.constant 256 : i32
      %dma_start3A_518 = arith.constant 0 : i32
      %dma_start3A_519 = tpu.memref_slice %arg9[%dma_start3A_517, %dma_start3A_518] : memref<640x64xf32, #tpu.memory_space<vmem>> -> memref<128x64xf32, #tpu.memory_space<vmem>>
      %dma_start3A_520 = arith.constant 256 : i32
      %dma_start3A_521 = tpu.memref_slice %arg7[%dma_start3A_520] : memref<2560xi32, #tpu.memory_space<vmem>> -> memref<128xi32, #tpu.memory_space<vmem>>
      %dma_start3A_522 = arith.constant 0 : i32
      %dma_start3A_523 = arith.constant 0 : i32
      %dma_start3A_524 = tpu.memref_slice %arg11[%dma_start3A_522, %dma_start3A_523] : memref<10016x64xf32, #tpu.memory_space<vmem_shared>> -> memref<10016x64xf32, #tpu.memory_space<vmem_shared>>
      tpu.enqueue_indirect_dma source(%dma_start3A_524 : memref<10016x64xf32, #tpu.memory_space<vmem_shared>>) target(%dma_start3A_519 : memref<128x64xf32, #tpu.memory_space<vmem>>) offsets(%dma_start3A_521 : memref<128xi32, #tpu.memory_space<vmem>>) semaphore(%arg15 : memref<!tpu.dma_semaphore, #tpu.memory_space<semaphore_mem>>)
      %dma_start3A_525 = arith.constant 384 : i32
      %dma_start3A_526 = arith.constant 0 : i32
      %dma_start3A_527 = tpu.memref_slice %arg9[%dma_start3A_525, %dma_start3A_526] : memref<640x64xf32, #tpu.memory_space<vmem>> -> memref<128x64xf32, #tpu.memory_space<vmem>>
      %dma_start3A_528 = arith.constant 384 : i32
      %dma_start3A_529 = tpu.memref_slice %arg7[%dma_start3A_528] : memref<2560xi32, #tpu.memory_space<vmem>> -> memref<128xi32, #tpu.memory_space<vmem>>
      %dma_start3A_530 = arith.constant 0 : i32
      %dma_start3A_531 = arith.constant 0 : i32
      %dma_start3A_532 = tpu.memref_slice %arg11[%dma_start3A_530, %dma_start3A_531] : memref<10016x64xf32, #tpu.memory_space<vmem_shared>> -> memref<10016x64xf32, #tpu.memory_space<vmem_shared>>
      tpu.enqueue_indirect_dma source(%dma_start3A_532 : memref<10016x64xf32, #tpu.memory_space<vmem_shared>>) target(%dma_start3A_527 : memref<128x64xf32, #tpu.memory_space<vmem>>) offsets(%dma_start3A_529 : memref<128xi32, #tpu.memory_space<vmem>>) semaphore(%arg16 : memref<!tpu.dma_semaphore, #tpu.memory_space<semaphore_mem>>)
      %dma_start3A_533 = arith.constant 512 : i32
      %dma_start3A_534 = arith.constant 0 : i32
      %dma_start3A_535 = tpu.memref_slice %arg9[%dma_start3A_533, %dma_start3A_534] : memref<640x64xf32, #tpu.memory_space<vmem>> -> memref<128x64xf32, #tpu.memory_space<vmem>>
      %dma_start3A_536 = arith.constant 512 : i32
      %dma_start3A_537 = tpu.memref_slice %arg7[%dma_start3A_536] : memref<2560xi32, #tpu.memory_space<vmem>> -> memref<128xi32, #tpu.memory_space<vmem>>
      %dma_start3A_538 = arith.constant 0 : i32
      %dma_start3A_539 = arith.constant 0 : i32
      %dma_start3A_540 = tpu.memref_slice %arg11[%dma_start3A_538, %dma_start3A_539] : memref<10016x64xf32, #tpu.memory_space<vmem_shared>> -> memref<10016x64xf32, #tpu.memory_space<vmem_shared>>
      tpu.enqueue_indirect_dma source(%dma_start3A_540 : memref<10016x64xf32, #tpu.memory_space<vmem_shared>>) target(%dma_start3A_535 : memref<128x64xf32, #tpu.memory_space<vmem>>) offsets(%dma_start3A_537 : memref<128xi32, #tpu.memory_space<vmem>>) semaphore(%arg17 : memref<!tpu.dma_semaphore, #tpu.memory_space<semaphore_mem>>)
      %scan3A_541 = arith.constant 0 : i32
      %scan3A_542 = arith.constant 0 : i32
      %scan3A_543 = arith.constant 4 : i32
      %scan3A_544 = arith.addi %scan3A_542, %scan3A_543 : i32
      %scan3A_545 = arith.constant 1 : i32
      scf.for %scan3A_547 = %scan3A_542 to %scan3A_544 step %scan3A_545  : i32 {
        %mul3A_548 = arith.constant 5 : i32
        %mul3A_549 = arith.muli %scan3A_547, %mul3A_548 : i32
        %dma_wait3A_550 = arith.constant 0 : i32
        %dma_wait3A_551 = arith.constant 0 : i32
        %dma_wait3A_552 = tpu.memref_slice %arg9[%dma_wait3A_550, %dma_wait3A_551] : memref<640x64xf32, #tpu.memory_space<vmem>> -> memref<128x64xf32, #tpu.memory_space<vmem>>
        %dma_wait3A_553 = arith.constant 0 : i32
        %dma_wait3A_554 = arith.constant 0 : i32
        %dma_wait3A_555 = tpu.memref_slice %arg2[%dma_wait3A_553, %dma_wait3A_554] : memref<10000x64xf32, #tpu.memory_space<hbm>> -> memref<128x64xf32, #tpu.memory_space<hbm>>
        %dma_wait3A_556 = arith.constant 0 : i32
        %dma_wait3A_557 = arith.constant 0 : i32
        %dma_wait3A_558 = tpu.memref_slice %arg9[%dma_wait3A_556, %dma_wait3A_557] : memref<640x64xf32, #tpu.memory_space<vmem>> -> memref<128x64xf32, #tpu.memory_space<vmem>>
        %dma_wait3A_559 = arith.constant 0 : i32
        %dma_wait3A_560 = arith.constant 0 : i32
        %dma_wait3A_561 = tpu.memref_slice %arg2[%dma_wait3A_559, %dma_wait3A_560] : memref<10000x64xf32, #tpu.memory_space<hbm>> -> memref<128x64xf32, #tpu.memory_space<hbm>>
        tpu.wait_dma2 semaphore(%arg13 : memref<!tpu.dma_semaphore, #tpu.memory_space<semaphore_mem>>) src(%dma_wait3A_561 : memref<128x64xf32, #tpu.memory_space<hbm>>) dst(%dma_wait3A_558 : memref<128x64xf32, #tpu.memory_space<vmem>>)
        %add3A_562 = arith.constant 0 : i32
        %add3A_563 = arith.addi %mul3A_549, %add3A_562 : i32
        %dma_start3A_564 = arith.constant 0 : i32
        %dma_start3A_565 = arith.constant 0 : i32
        %dma_start3A_566 = tpu.memref_slice %arg9[%dma_start3A_564, %dma_start3A_565] : memref<640x64xf32, #tpu.memory_space<vmem>> -> memref<128x64xf32, #tpu.memory_space<vmem>>
        %dma_start3A_567 = arith.constant 0 : i32
        %dma_start3A_568 = tpu.memref_slice %arg8[%add3A_563, %dma_start3A_567] : memref<20x128xi32, #tpu.memory_space<vmem>> -> memref<1x128xi32, #tpu.memory_space<vmem>>
        %dma_start3A_569 = tpu.memref_squeeze %dma_start3A_568 : memref<1x128xi32, #tpu.memory_space<vmem>> -> memref<128xi32, #tpu.memory_space<vmem>>
        %dma_start3A_570 = arith.constant 0 : i32
        %dma_start3A_571 = arith.constant 0 : i32
        %dma_start3A_572 = tpu.memref_slice %arg12[%dma_start3A_570, %dma_start3A_571] : memref<10240x64xf32, #tpu.memory_space<vmem_shared>> -> memref<10240x64xf32, #tpu.memory_space<vmem_shared>>
        tpu.enqueue_indirect_dma source(%dma_start3A_566 : memref<128x64xf32, #tpu.memory_space<vmem>>) target(%dma_start3A_572 : memref<10240x64xf32, #tpu.memory_space<vmem_shared>>) offsets(%dma_start3A_569 : memref<128xi32, #tpu.memory_space<vmem>>) semaphore(%arg18 : memref<!tpu.dma_semaphore, #tpu.memory_space<semaphore_mem>>) {add = true}
        %dma_wait3A_573 = arith.constant 128 : i32
        %dma_wait3A_574 = arith.constant 0 : i32
        %dma_wait3A_575 = tpu.memref_slice %arg9[%dma_wait3A_573, %dma_wait3A_574] : memref<640x64xf32, #tpu.memory_space<vmem>> -> memref<128x64xf32, #tpu.memory_space<vmem>>
        %dma_wait3A_576 = arith.constant 0 : i32
        %dma_wait3A_577 = arith.constant 0 : i32
        %dma_wait3A_578 = tpu.memref_slice %arg2[%dma_wait3A_576, %dma_wait3A_577] : memref<10000x64xf32, #tpu.memory_space<hbm>> -> memref<128x64xf32, #tpu.memory_space<hbm>>
        %dma_wait3A_579 = arith.constant 128 : i32
        %dma_wait3A_580 = arith.constant 0 : i32
        %dma_wait3A_581 = tpu.memref_slice %arg9[%dma_wait3A_579, %dma_wait3A_580] : memref<640x64xf32, #tpu.memory_space<vmem>> -> memref<128x64xf32, #tpu.memory_space<vmem>>
        %dma_wait3A_582 = arith.constant 0 : i32
        %dma_wait3A_583 = arith.constant 0 : i32
        %dma_wait3A_584 = tpu.memref_slice %arg2[%dma_wait3A_582, %dma_wait3A_583] : memref<10000x64xf32, #tpu.memory_space<hbm>> -> memref<128x64xf32, #tpu.memory_space<hbm>>
        tpu.wait_dma2 semaphore(%arg14 : memref<!tpu.dma_semaphore, #tpu.memory_space<semaphore_mem>>) src(%dma_wait3A_584 : memref<128x64xf32, #tpu.memory_space<hbm>>) dst(%dma_wait3A_581 : memref<128x64xf32, #tpu.memory_space<vmem>>)
        %add3A_585 = arith.constant 1 : i32
        %add3A_586 = arith.addi %mul3A_549, %add3A_585 : i32
        %dma_start3A_587 = arith.constant 128 : i32
        %dma_start3A_588 = arith.constant 0 : i32
        %dma_start3A_589 = tpu.memref_slice %arg9[%dma_start3A_587, %dma_start3A_588] : memref<640x64xf32, #tpu.memory_space<vmem>> -> memref<128x64xf32, #tpu.memory_space<vmem>>
        %dma_start3A_590 = arith.constant 0 : i32
        %dma_start3A_591 = tpu.memref_slice %arg8[%add3A_586, %dma_start3A_590] : memref<20x128xi32, #tpu.memory_space<vmem>> -> memref<1x128xi32, #tpu.memory_space<vmem>>
        %dma_start3A_592 = tpu.memref_squeeze %dma_start3A_591 : memref<1x128xi32, #tpu.memory_space<vmem>> -> memref<128xi32, #tpu.memory_space<vmem>>
        %dma_start3A_593 = arith.constant 0 : i32
        %dma_start3A_594 = arith.constant 0 : i32
        %dma_start3A_595 = tpu.memref_slice %arg12[%dma_start3A_593, %dma_start3A_594] : memref<10240x64xf32, #tpu.memory_space<vmem_shared>> -> memref<10240x64xf32, #tpu.memory_space<vmem_shared>>
        tpu.enqueue_indirect_dma source(%dma_start3A_589 : memref<128x64xf32, #tpu.memory_space<vmem>>) target(%dma_start3A_595 : memref<10240x64xf32, #tpu.memory_space<vmem_shared>>) offsets(%dma_start3A_592 : memref<128xi32, #tpu.memory_space<vmem>>) semaphore(%arg19 : memref<!tpu.dma_semaphore, #tpu.memory_space<semaphore_mem>>) {add = true}
        %dma_wait3A_596 = arith.constant 256 : i32
        %dma_wait3A_597 = arith.constant 0 : i32
        %dma_wait3A_598 = tpu.memref_slice %arg9[%dma_wait3A_596, %dma_wait3A_597] : memref<640x64xf32, #tpu.memory_space<vmem>> -> memref<128x64xf32, #tpu.memory_space<vmem>>
        %dma_wait3A_599 = arith.constant 0 : i32
        %dma_wait3A_600 = arith.constant 0 : i32
        %dma_wait3A_601 = tpu.memref_slice %arg2[%dma_wait3A_599, %dma_wait3A_600] : memref<10000x64xf32, #tpu.memory_space<hbm>> -> memref<128x64xf32, #tpu.memory_space<hbm>>
        %dma_wait3A_602 = arith.constant 256 : i32
        %dma_wait3A_603 = arith.constant 0 : i32
        %dma_wait3A_604 = tpu.memref_slice %arg9[%dma_wait3A_602, %dma_wait3A_603] : memref<640x64xf32, #tpu.memory_space<vmem>> -> memref<128x64xf32, #tpu.memory_space<vmem>>
        %dma_wait3A_605 = arith.constant 0 : i32
        %dma_wait3A_606 = arith.constant 0 : i32
        %dma_wait3A_607 = tpu.memref_slice %arg2[%dma_wait3A_605, %dma_wait3A_606] : memref<10000x64xf32, #tpu.memory_space<hbm>> -> memref<128x64xf32, #tpu.memory_space<hbm>>
        tpu.wait_dma2 semaphore(%arg15 : memref<!tpu.dma_semaphore, #tpu.memory_space<semaphore_mem>>) src(%dma_wait3A_607 : memref<128x64xf32, #tpu.memory_space<hbm>>) dst(%dma_wait3A_604 : memref<128x64xf32, #tpu.memory_space<vmem>>)
        %add3A_608 = arith.constant 2 : i32
        %add3A_609 = arith.addi %mul3A_549, %add3A_608 : i32
        %dma_start3A_610 = arith.constant 256 : i32
        %dma_start3A_611 = arith.constant 0 : i32
        %dma_start3A_612 = tpu.memref_slice %arg9[%dma_start3A_610, %dma_start3A_611] : memref<640x64xf32, #tpu.memory_space<vmem>> -> memref<128x64xf32, #tpu.memory_space<vmem>>
        %dma_start3A_613 = arith.constant 0 : i32
        %dma_start3A_614 = tpu.memref_slice %arg8[%add3A_609, %dma_start3A_613] : memref<20x128xi32, #tpu.memory_space<vmem>> -> memref<1x128xi32, #tpu.memory_space<vmem>>
        %dma_start3A_615 = tpu.memref_squeeze %dma_start3A_614 : memref<1x128xi32, #tpu.memory_space<vmem>> -> memref<128xi32, #tpu.memory_space<vmem>>
        %dma_start3A_616 = arith.constant 0 : i32
        %dma_start3A_617 = arith.constant 0 : i32
        %dma_start3A_618 = tpu.memref_slice %arg12[%dma_start3A_616, %dma_start3A_617] : memref<10240x64xf32, #tpu.memory_space<vmem_shared>> -> memref<10240x64xf32, #tpu.memory_space<vmem_shared>>
        tpu.enqueue_indirect_dma source(%dma_start3A_612 : memref<128x64xf32, #tpu.memory_space<vmem>>) target(%dma_start3A_618 : memref<10240x64xf32, #tpu.memory_space<vmem_shared>>) offsets(%dma_start3A_615 : memref<128xi32, #tpu.memory_space<vmem>>) semaphore(%arg20 : memref<!tpu.dma_semaphore, #tpu.memory_space<semaphore_mem>>) {add = true}
        %dma_wait3A_619 = arith.constant 384 : i32
        %dma_wait3A_620 = arith.constant 0 : i32
        %dma_wait3A_621 = tpu.memref_slice %arg9[%dma_wait3A_619, %dma_wait3A_620] : memref<640x64xf32, #tpu.memory_space<vmem>> -> memref<128x64xf32, #tpu.memory_space<vmem>>
        %dma_wait3A_622 = arith.constant 0 : i32
        %dma_wait3A_623 = arith.constant 0 : i32
        %dma_wait3A_624 = tpu.memref_slice %arg2[%dma_wait3A_622, %dma_wait3A_623] : memref<10000x64xf32, #tpu.memory_space<hbm>> -> memref<128x64xf32, #tpu.memory_space<hbm>>
        %dma_wait3A_625 = arith.constant 384 : i32
        %dma_wait3A_626 = arith.constant 0 : i32
        %dma_wait3A_627 = tpu.memref_slice %arg9[%dma_wait3A_625, %dma_wait3A_626] : memref<640x64xf32, #tpu.memory_space<vmem>> -> memref<128x64xf32, #tpu.memory_space<vmem>>
        %dma_wait3A_628 = arith.constant 0 : i32
        %dma_wait3A_629 = arith.constant 0 : i32
        %dma_wait3A_630 = tpu.memref_slice %arg2[%dma_wait3A_628, %dma_wait3A_629] : memref<10000x64xf32, #tpu.memory_space<hbm>> -> memref<128x64xf32, #tpu.memory_space<hbm>>
        tpu.wait_dma2 semaphore(%arg16 : memref<!tpu.dma_semaphore, #tpu.memory_space<semaphore_mem>>) src(%dma_wait3A_630 : memref<128x64xf32, #tpu.memory_space<hbm>>) dst(%dma_wait3A_627 : memref<128x64xf32, #tpu.memory_space<vmem>>)
        %add3A_631 = arith.constant 3 : i32
        %add3A_632 = arith.addi %mul3A_549, %add3A_631 : i32
        %dma_start3A_633 = arith.constant 384 : i32
        %dma_start3A_634 = arith.constant 0 : i32
        %dma_start3A_635 = tpu.memref_slice %arg9[%dma_start3A_633, %dma_start3A_634] : memref<640x64xf32, #tpu.memory_space<vmem>> -> memref<128x64xf32, #tpu.memory_space<vmem>>
        %dma_start3A_636 = arith.constant 0 : i32
        %dma_start3A_637 = tpu.memref_slice %arg8[%add3A_632, %dma_start3A_636] : memref<20x128xi32, #tpu.memory_space<vmem>> -> memref<1x128xi32, #tpu.memory_space<vmem>>
        %dma_start3A_638 = tpu.memref_squeeze %dma_start3A_637 : memref<1x128xi32, #tpu.memory_space<vmem>> -> memref<128xi32, #tpu.memory_space<vmem>>
        %dma_start3A_639 = arith.constant 0 : i32
        %dma_start3A_640 = arith.constant 0 : i32
        %dma_start3A_641 = tpu.memref_slice %arg12[%dma_start3A_639, %dma_start3A_640] : memref<10240x64xf32, #tpu.memory_space<vmem_shared>> -> memref<10240x64xf32, #tpu.memory_space<vmem_shared>>
        tpu.enqueue_indirect_dma source(%dma_start3A_635 : memref<128x64xf32, #tpu.memory_space<vmem>>) target(%dma_start3A_641 : memref<10240x64xf32, #tpu.memory_space<vmem_shared>>) offsets(%dma_start3A_638 : memref<128xi32, #tpu.memory_space<vmem>>) semaphore(%arg21 : memref<!tpu.dma_semaphore, #tpu.memory_space<semaphore_mem>>) {add = true}
        %dma_wait3A_642 = arith.constant 512 : i32
        %dma_wait3A_643 = arith.constant 0 : i32
        %dma_wait3A_644 = tpu.memref_slice %arg9[%dma_wait3A_642, %dma_wait3A_643] : memref<640x64xf32, #tpu.memory_space<vmem>> -> memref<128x64xf32, #tpu.memory_space<vmem>>
        %dma_wait3A_645 = arith.constant 0 : i32
        %dma_wait3A_646 = arith.constant 0 : i32
        %dma_wait3A_647 = tpu.memref_slice %arg2[%dma_wait3A_645, %dma_wait3A_646] : memref<10000x64xf32, #tpu.memory_space<hbm>> -> memref<128x64xf32, #tpu.memory_space<hbm>>
        %dma_wait3A_648 = arith.constant 512 : i32
        %dma_wait3A_649 = arith.constant 0 : i32
        %dma_wait3A_650 = tpu.memref_slice %arg9[%dma_wait3A_648, %dma_wait3A_649] : memref<640x64xf32, #tpu.memory_space<vmem>> -> memref<128x64xf32, #tpu.memory_space<vmem>>
        %dma_wait3A_651 = arith.constant 0 : i32
        %dma_wait3A_652 = arith.constant 0 : i32
        %dma_wait3A_653 = tpu.memref_slice %arg2[%dma_wait3A_651, %dma_wait3A_652] : memref<10000x64xf32, #tpu.memory_space<hbm>> -> memref<128x64xf32, #tpu.memory_space<hbm>>
        tpu.wait_dma2 semaphore(%arg17 : memref<!tpu.dma_semaphore, #tpu.memory_space<semaphore_mem>>) src(%dma_wait3A_653 : memref<128x64xf32, #tpu.memory_space<hbm>>) dst(%dma_wait3A_650 : memref<128x64xf32, #tpu.memory_space<vmem>>)
        %add3A_654 = arith.constant 4 : i32
        %add3A_655 = arith.addi %mul3A_549, %add3A_654 : i32
        %dma_start3A_656 = arith.constant 512 : i32
        %dma_start3A_657 = arith.constant 0 : i32
        %dma_start3A_658 = tpu.memref_slice %arg9[%dma_start3A_656, %dma_start3A_657] : memref<640x64xf32, #tpu.memory_space<vmem>> -> memref<128x64xf32, #tpu.memory_space<vmem>>
        %dma_start3A_659 = arith.constant 0 : i32
        %dma_start3A_660 = tpu.memref_slice %arg8[%add3A_655, %dma_start3A_659] : memref<20x128xi32, #tpu.memory_space<vmem>> -> memref<1x128xi32, #tpu.memory_space<vmem>>
        %dma_start3A_661 = tpu.memref_squeeze %dma_start3A_660 : memref<1x128xi32, #tpu.memory_space<vmem>> -> memref<128xi32, #tpu.memory_space<vmem>>
        %dma_start3A_662 = arith.constant 0 : i32
        %dma_start3A_663 = arith.constant 0 : i32
        %dma_start3A_664 = tpu.memref_slice %arg12[%dma_start3A_662, %dma_start3A_663] : memref<10240x64xf32, #tpu.memory_space<vmem_shared>> -> memref<10240x64xf32, #tpu.memory_space<vmem_shared>>
        tpu.enqueue_indirect_dma source(%dma_start3A_658 : memref<128x64xf32, #tpu.memory_space<vmem>>) target(%dma_start3A_664 : memref<10240x64xf32, #tpu.memory_space<vmem_shared>>) offsets(%dma_start3A_661 : memref<128xi32, #tpu.memory_space<vmem>>) semaphore(%arg22 : memref<!tpu.dma_semaphore, #tpu.memory_space<semaphore_mem>>) {add = true}
        %dma_wait3A_665 = arith.constant 0 : i32
        %dma_wait3A_666 = arith.constant 0 : i32
        %dma_wait3A_667 = tpu.memref_slice %arg9[%dma_wait3A_665, %dma_wait3A_666] : memref<640x64xf32, #tpu.memory_space<vmem>> -> memref<128x64xf32, #tpu.memory_space<vmem>>
        %dma_wait3A_668 = arith.constant 0 : i32
        %dma_wait3A_669 = arith.constant 0 : i32
        %dma_wait3A_670 = tpu.memref_slice %arg2[%dma_wait3A_668, %dma_wait3A_669] : memref<10000x64xf32, #tpu.memory_space<hbm>> -> memref<128x64xf32, #tpu.memory_space<hbm>>
        %dma_wait3A_671 = arith.constant 0 : i32
        %dma_wait3A_672 = arith.constant 0 : i32
        %dma_wait3A_673 = tpu.memref_slice %arg9[%dma_wait3A_671, %dma_wait3A_672] : memref<640x64xf32, #tpu.memory_space<vmem>> -> memref<128x64xf32, #tpu.memory_space<vmem>>
        %dma_wait3A_674 = arith.constant 0 : i32
        %dma_wait3A_675 = arith.constant 0 : i32
        %dma_wait3A_676 = tpu.memref_slice %arg2[%dma_wait3A_674, %dma_wait3A_675] : memref<10000x64xf32, #tpu.memory_space<hbm>> -> memref<128x64xf32, #tpu.memory_space<hbm>>
        tpu.wait_dma2 semaphore(%arg18 : memref<!tpu.dma_semaphore, #tpu.memory_space<semaphore_mem>>) src(%dma_wait3A_676 : memref<128x64xf32, #tpu.memory_space<hbm>>) dst(%dma_wait3A_673 : memref<128x64xf32, #tpu.memory_space<vmem>>)
        %add3A_677 = arith.constant 0 : i32
        %add3A_678 = arith.addi %mul3A_549, %add3A_677 : i32
        %add3A_679 = arith.constant 5 : i32
        %add3A_680 = arith.addi %add3A_678, %add3A_679 : i32
        %lt3A = arith.constant 20 : i32
        %lt3A_681 = arith.cmpi slt, %add3A_680, %lt3A : i32
        %convert_element_type3A_682 = arith.extui %lt3A_681 : i1 to i32
        %cond3A_683 = arith.constant 0 : i32
        %cond3A_684 = arith.cmpi ne, %convert_element_type3A_682, %cond3A_683 : i32
        scf.if %cond3A_684 {
          %add3A_769 = arith.constant 0 : i32
          %add3A_770 = arith.addi %mul3A_549, %add3A_769 : i32
          %add3A_771 = arith.constant 5 : i32
          %add3A_772 = arith.addi %add3A_770, %add3A_771 : i32
          %mul3A_773 = arith.constant 128 : i32
          %mul3A_774 = arith.muli %add3A_772, %mul3A_773 : i32
          %dma_start3A_775 = arith.constant 0 : i32
          %dma_start3A_776 = arith.constant 0 : i32
          %dma_start3A_777 = tpu.memref_slice %arg9[%dma_start3A_775, %dma_start3A_776] : memref<640x64xf32, #tpu.memory_space<vmem>> -> memref<128x64xf32, #tpu.memory_space<vmem>>
          %dma_start3A_778 = tpu.memref_slice %arg7[%mul3A_774] : memref<2560xi32, #tpu.memory_space<vmem>> -> memref<128xi32, #tpu.memory_space<vmem>>
          %dma_start3A_779 = arith.constant 0 : i32
          %dma_start3A_780 = arith.constant 0 : i32
          %dma_start3A_781 = tpu.memref_slice %arg11[%dma_start3A_779, %dma_start3A_780] : memref<10016x64xf32, #tpu.memory_space<vmem_shared>> -> memref<10016x64xf32, #tpu.memory_space<vmem_shared>>
          tpu.enqueue_indirect_dma source(%dma_start3A_781 : memref<10016x64xf32, #tpu.memory_space<vmem_shared>>) target(%dma_start3A_777 : memref<128x64xf32, #tpu.memory_space<vmem>>) offsets(%dma_start3A_778 : memref<128xi32, #tpu.memory_space<vmem>>) semaphore(%arg13 : memref<!tpu.dma_semaphore, #tpu.memory_space<semaphore_mem>>)
        } else {
        }
        %dma_wait3A_685 = arith.constant 128 : i32
        %dma_wait3A_686 = arith.constant 0 : i32
        %dma_wait3A_687 = tpu.memref_slice %arg9[%dma_wait3A_685, %dma_wait3A_686] : memref<640x64xf32, #tpu.memory_space<vmem>> -> memref<128x64xf32, #tpu.memory_space<vmem>>
        %dma_wait3A_688 = arith.constant 0 : i32
        %dma_wait3A_689 = arith.constant 0 : i32
        %dma_wait3A_690 = tpu.memref_slice %arg2[%dma_wait3A_688, %dma_wait3A_689] : memref<10000x64xf32, #tpu.memory_space<hbm>> -> memref<128x64xf32, #tpu.memory_space<hbm>>
        %dma_wait3A_691 = arith.constant 128 : i32
        %dma_wait3A_692 = arith.constant 0 : i32
        %dma_wait3A_693 = tpu.memref_slice %arg9[%dma_wait3A_691, %dma_wait3A_692] : memref<640x64xf32, #tpu.memory_space<vmem>> -> memref<128x64xf32, #tpu.memory_space<vmem>>
        %dma_wait3A_694 = arith.constant 0 : i32
        %dma_wait3A_695 = arith.constant 0 : i32
        %dma_wait3A_696 = tpu.memref_slice %arg2[%dma_wait3A_694, %dma_wait3A_695] : memref<10000x64xf32, #tpu.memory_space<hbm>> -> memref<128x64xf32, #tpu.memory_space<hbm>>
        tpu.wait_dma2 semaphore(%arg19 : memref<!tpu.dma_semaphore, #tpu.memory_space<semaphore_mem>>) src(%dma_wait3A_696 : memref<128x64xf32, #tpu.memory_space<hbm>>) dst(%dma_wait3A_693 : memref<128x64xf32, #tpu.memory_space<vmem>>)
        %add3A_697 = arith.constant 1 : i32
        %add3A_698 = arith.addi %mul3A_549, %add3A_697 : i32
        %add3A_699 = arith.constant 5 : i32
        %add3A_700 = arith.addi %add3A_698, %add3A_699 : i32
        %lt3A_701 = arith.constant 20 : i32
        %lt3A_702 = arith.cmpi slt, %add3A_700, %lt3A_701 : i32
        %convert_element_type3A_703 = arith.extui %lt3A_702 : i1 to i32
        %cond3A_704 = arith.constant 0 : i32
        %cond3A_705 = arith.cmpi ne, %convert_element_type3A_703, %cond3A_704 : i32
        scf.if %cond3A_705 {
          %add3A_769 = arith.constant 1 : i32
          %add3A_770 = arith.addi %mul3A_549, %add3A_769 : i32
          %add3A_771 = arith.constant 5 : i32
          %add3A_772 = arith.addi %add3A_770, %add3A_771 : i32
          %mul3A_773 = arith.constant 128 : i32
          %mul3A_774 = arith.muli %add3A_772, %mul3A_773 : i32
          %dma_start3A_775 = arith.constant 128 : i32
          %dma_start3A_776 = arith.constant 0 : i32
          %dma_start3A_777 = tpu.memref_slice %arg9[%dma_start3A_775, %dma_start3A_776] : memref<640x64xf32, #tpu.memory_space<vmem>> -> memref<128x64xf32, #tpu.memory_space<vmem>>
          %dma_start3A_778 = tpu.memref_slice %arg7[%mul3A_774] : memref<2560xi32, #tpu.memory_space<vmem>> -> memref<128xi32, #tpu.memory_space<vmem>>
          %dma_start3A_779 = arith.constant 0 : i32
          %dma_start3A_780 = arith.constant 0 : i32
          %dma_start3A_781 = tpu.memref_slice %arg11[%dma_start3A_779, %dma_start3A_780] : memref<10016x64xf32, #tpu.memory_space<vmem_shared>> -> memref<10016x64xf32, #tpu.memory_space<vmem_shared>>
          tpu.enqueue_indirect_dma source(%dma_start3A_781 : memref<10016x64xf32, #tpu.memory_space<vmem_shared>>) target(%dma_start3A_777 : memref<128x64xf32, #tpu.memory_space<vmem>>) offsets(%dma_start3A_778 : memref<128xi32, #tpu.memory_space<vmem>>) semaphore(%arg14 : memref<!tpu.dma_semaphore, #tpu.memory_space<semaphore_mem>>)
        } else {
        }
        %dma_wait3A_706 = arith.constant 256 : i32
        %dma_wait3A_707 = arith.constant 0 : i32
        %dma_wait3A_708 = tpu.memref_slice %arg9[%dma_wait3A_706, %dma_wait3A_707] : memref<640x64xf32, #tpu.memory_space<vmem>> -> memref<128x64xf32, #tpu.memory_space<vmem>>
        %dma_wait3A_709 = arith.constant 0 : i32
        %dma_wait3A_710 = arith.constant 0 : i32
        %dma_wait3A_711 = tpu.memref_slice %arg2[%dma_wait3A_709, %dma_wait3A_710] : memref<10000x64xf32, #tpu.memory_space<hbm>> -> memref<128x64xf32, #tpu.memory_space<hbm>>
        %dma_wait3A_712 = arith.constant 256 : i32
        %dma_wait3A_713 = arith.constant 0 : i32
        %dma_wait3A_714 = tpu.memref_slice %arg9[%dma_wait3A_712, %dma_wait3A_713] : memref<640x64xf32, #tpu.memory_space<vmem>> -> memref<128x64xf32, #tpu.memory_space<vmem>>
        %dma_wait3A_715 = arith.constant 0 : i32
        %dma_wait3A_716 = arith.constant 0 : i32
        %dma_wait3A_717 = tpu.memref_slice %arg2[%dma_wait3A_715, %dma_wait3A_716] : memref<10000x64xf32, #tpu.memory_space<hbm>> -> memref<128x64xf32, #tpu.memory_space<hbm>>
        tpu.wait_dma2 semaphore(%arg20 : memref<!tpu.dma_semaphore, #tpu.memory_space<semaphore_mem>>) src(%dma_wait3A_717 : memref<128x64xf32, #tpu.memory_space<hbm>>) dst(%dma_wait3A_714 : memref<128x64xf32, #tpu.memory_space<vmem>>)
        %add3A_718 = arith.constant 2 : i32
        %add3A_719 = arith.addi %mul3A_549, %add3A_718 : i32
        %add3A_720 = arith.constant 5 : i32
        %add3A_721 = arith.addi %add3A_719, %add3A_720 : i32
        %lt3A_722 = arith.constant 20 : i32
        %lt3A_723 = arith.cmpi slt, %add3A_721, %lt3A_722 : i32
        %convert_element_type3A_724 = arith.extui %lt3A_723 : i1 to i32
        %cond3A_725 = arith.constant 0 : i32
        %cond3A_726 = arith.cmpi ne, %convert_element_type3A_724, %cond3A_725 : i32
        scf.if %cond3A_726 {
          %add3A_769 = arith.constant 2 : i32
          %add3A_770 = arith.addi %mul3A_549, %add3A_769 : i32
          %add3A_771 = arith.constant 5 : i32
          %add3A_772 = arith.addi %add3A_770, %add3A_771 : i32
          %mul3A_773 = arith.constant 128 : i32
          %mul3A_774 = arith.muli %add3A_772, %mul3A_773 : i32
          %dma_start3A_775 = arith.constant 256 : i32
          %dma_start3A_776 = arith.constant 0 : i32
          %dma_start3A_777 = tpu.memref_slice %arg9[%dma_start3A_775, %dma_start3A_776] : memref<640x64xf32, #tpu.memory_space<vmem>> -> memref<128x64xf32, #tpu.memory_space<vmem>>
          %dma_start3A_778 = tpu.memref_slice %arg7[%mul3A_774] : memref<2560xi32, #tpu.memory_space<vmem>> -> memref<128xi32, #tpu.memory_space<vmem>>
          %dma_start3A_779 = arith.constant 0 : i32
          %dma_start3A_780 = arith.constant 0 : i32
          %dma_start3A_781 = tpu.memref_slice %arg11[%dma_start3A_779, %dma_start3A_780] : memref<10016x64xf32, #tpu.memory_space<vmem_shared>> -> memref<10016x64xf32, #tpu.memory_space<vmem_shared>>
          tpu.enqueue_indirect_dma source(%dma_start3A_781 : memref<10016x64xf32, #tpu.memory_space<vmem_shared>>) target(%dma_start3A_777 : memref<128x64xf32, #tpu.memory_space<vmem>>) offsets(%dma_start3A_778 : memref<128xi32, #tpu.memory_space<vmem>>) semaphore(%arg15 : memref<!tpu.dma_semaphore, #tpu.memory_space<semaphore_mem>>)
        } else {
        }
        %dma_wait3A_727 = arith.constant 384 : i32
        %dma_wait3A_728 = arith.constant 0 : i32
        %dma_wait3A_729 = tpu.memref_slice %arg9[%dma_wait3A_727, %dma_wait3A_728] : memref<640x64xf32, #tpu.memory_space<vmem>> -> memref<128x64xf32, #tpu.memory_space<vmem>>
        %dma_wait3A_730 = arith.constant 0 : i32
        %dma_wait3A_731 = arith.constant 0 : i32
        %dma_wait3A_732 = tpu.memref_slice %arg2[%dma_wait3A_730, %dma_wait3A_731] : memref<10000x64xf32, #tpu.memory_space<hbm>> -> memref<128x64xf32, #tpu.memory_space<hbm>>
        %dma_wait3A_733 = arith.constant 384 : i32
        %dma_wait3A_734 = arith.constant 0 : i32
        %dma_wait3A_735 = tpu.memref_slice %arg9[%dma_wait3A_733, %dma_wait3A_734] : memref<640x64xf32, #tpu.memory_space<vmem>> -> memref<128x64xf32, #tpu.memory_space<vmem>>
        %dma_wait3A_736 = arith.constant 0 : i32
        %dma_wait3A_737 = arith.constant 0 : i32
        %dma_wait3A_738 = tpu.memref_slice %arg2[%dma_wait3A_736, %dma_wait3A_737] : memref<10000x64xf32, #tpu.memory_space<hbm>> -> memref<128x64xf32, #tpu.memory_space<hbm>>
        tpu.wait_dma2 semaphore(%arg21 : memref<!tpu.dma_semaphore, #tpu.memory_space<semaphore_mem>>) src(%dma_wait3A_738 : memref<128x64xf32, #tpu.memory_space<hbm>>) dst(%dma_wait3A_735 : memref<128x64xf32, #tpu.memory_space<vmem>>)
        %add3A_739 = arith.constant 3 : i32
        %add3A_740 = arith.addi %mul3A_549, %add3A_739 : i32
        %add3A_741 = arith.constant 5 : i32
        %add3A_742 = arith.addi %add3A_740, %add3A_741 : i32
        %lt3A_743 = arith.constant 20 : i32
        %lt3A_744 = arith.cmpi slt, %add3A_742, %lt3A_743 : i32
        %convert_element_type3A_745 = arith.extui %lt3A_744 : i1 to i32
        %cond3A_746 = arith.constant 0 : i32
        %cond3A_747 = arith.cmpi ne, %convert_element_type3A_745, %cond3A_746 : i32
        scf.if %cond3A_747 {
          %add3A_769 = arith.constant 3 : i32
          %add3A_770 = arith.addi %mul3A_549, %add3A_769 : i32
          %add3A_771 = arith.constant 5 : i32
          %add3A_772 = arith.addi %add3A_770, %add3A_771 : i32
          %mul3A_773 = arith.constant 128 : i32
          %mul3A_774 = arith.muli %add3A_772, %mul3A_773 : i32
          %dma_start3A_775 = arith.constant 384 : i32
          %dma_start3A_776 = arith.constant 0 : i32
          %dma_start3A_777 = tpu.memref_slice %arg9[%dma_start3A_775, %dma_start3A_776] : memref<640x64xf32, #tpu.memory_space<vmem>> -> memref<128x64xf32, #tpu.memory_space<vmem>>
          %dma_start3A_778 = tpu.memref_slice %arg7[%mul3A_774] : memref<2560xi32, #tpu.memory_space<vmem>> -> memref<128xi32, #tpu.memory_space<vmem>>
          %dma_start3A_779 = arith.constant 0 : i32
          %dma_start3A_780 = arith.constant 0 : i32
          %dma_start3A_781 = tpu.memref_slice %arg11[%dma_start3A_779, %dma_start3A_780] : memref<10016x64xf32, #tpu.memory_space<vmem_shared>> -> memref<10016x64xf32, #tpu.memory_space<vmem_shared>>
          tpu.enqueue_indirect_dma source(%dma_start3A_781 : memref<10016x64xf32, #tpu.memory_space<vmem_shared>>) target(%dma_start3A_777 : memref<128x64xf32, #tpu.memory_space<vmem>>) offsets(%dma_start3A_778 : memref<128xi32, #tpu.memory_space<vmem>>) semaphore(%arg16 : memref<!tpu.dma_semaphore, #tpu.memory_space<semaphore_mem>>)
        } else {
        }
        %dma_wait3A_748 = arith.constant 512 : i32
        %dma_wait3A_749 = arith.constant 0 : i32
        %dma_wait3A_750 = tpu.memref_slice %arg9[%dma_wait3A_748, %dma_wait3A_749] : memref<640x64xf32, #tpu.memory_space<vmem>> -> memref<128x64xf32, #tpu.memory_space<vmem>>
        %dma_wait3A_751 = arith.constant 0 : i32
        %dma_wait3A_752 = arith.constant 0 : i32
        %dma_wait3A_753 = tpu.memref_slice %arg2[%dma_wait3A_751, %dma_wait3A_752] : memref<10000x64xf32, #tpu.memory_space<hbm>> -> memref<128x64xf32, #tpu.memory_space<hbm>>
        %dma_wait3A_754 = arith.constant 512 : i32
        %dma_wait3A_755 = arith.constant 0 : i32
        %dma_wait3A_756 = tpu.memref_slice %arg9[%dma_wait3A_754, %dma_wait3A_755] : memref<640x64xf32, #tpu.memory_space<vmem>> -> memref<128x64xf32, #tpu.memory_space<vmem>>
        %dma_wait3A_757 = arith.constant 0 : i32
        %dma_wait3A_758 = arith.constant 0 : i32
        %dma_wait3A_759 = tpu.memref_slice %arg2[%dma_wait3A_757, %dma_wait3A_758] : memref<10000x64xf32, #tpu.memory_space<hbm>> -> memref<128x64xf32, #tpu.memory_space<hbm>>
        tpu.wait_dma2 semaphore(%arg22 : memref<!tpu.dma_semaphore, #tpu.memory_space<semaphore_mem>>) src(%dma_wait3A_759 : memref<128x64xf32, #tpu.memory_space<hbm>>) dst(%dma_wait3A_756 : memref<128x64xf32, #tpu.memory_space<vmem>>)
        %add3A_760 = arith.constant 4 : i32
        %add3A_761 = arith.addi %mul3A_549, %add3A_760 : i32
        %add3A_762 = arith.constant 5 : i32
        %add3A_763 = arith.addi %add3A_761, %add3A_762 : i32
        %lt3A_764 = arith.constant 20 : i32
        %lt3A_765 = arith.cmpi slt, %add3A_763, %lt3A_764 : i32
        %convert_element_type3A_766 = arith.extui %lt3A_765 : i1 to i32
        %cond3A_767 = arith.constant 0 : i32
        %cond3A_768 = arith.cmpi ne, %convert_element_type3A_766, %cond3A_767 : i32
        scf.if %cond3A_768 {
          %add3A_769 = arith.constant 4 : i32
          %add3A_770 = arith.addi %mul3A_549, %add3A_769 : i32
          %add3A_771 = arith.constant 5 : i32
          %add3A_772 = arith.addi %add3A_770, %add3A_771 : i32
          %mul3A_773 = arith.constant 128 : i32
          %mul3A_774 = arith.muli %add3A_772, %mul3A_773 : i32
          %dma_start3A_775 = arith.constant 512 : i32
          %dma_start3A_776 = arith.constant 0 : i32
          %dma_start3A_777 = tpu.memref_slice %arg9[%dma_start3A_775, %dma_start3A_776] : memref<640x64xf32, #tpu.memory_space<vmem>> -> memref<128x64xf32, #tpu.memory_space<vmem>>
          %dma_start3A_778 = tpu.memref_slice %arg7[%mul3A_774] : memref<2560xi32, #tpu.memory_space<vmem>> -> memref<128xi32, #tpu.memory_space<vmem>>
          %dma_start3A_779 = arith.constant 0 : i32
          %dma_start3A_780 = arith.constant 0 : i32
          %dma_start3A_781 = tpu.memref_slice %arg11[%dma_start3A_779, %dma_start3A_780] : memref<10016x64xf32, #tpu.memory_space<vmem_shared>> -> memref<10016x64xf32, #tpu.memory_space<vmem_shared>>
          tpu.enqueue_indirect_dma source(%dma_start3A_781 : memref<10016x64xf32, #tpu.memory_space<vmem_shared>>) target(%dma_start3A_777 : memref<128x64xf32, #tpu.memory_space<vmem>>) offsets(%dma_start3A_778 : memref<128xi32, #tpu.memory_space<vmem>>) semaphore(%arg17 : memref<!tpu.dma_semaphore, #tpu.memory_space<semaphore_mem>>)
        } else {
        }
      }
      %scan3A_546 = arith.constant 4 : i32
    }
    %scan3A_462 = arith.constant 8 : i32
    %barrier3A_463 = arith.constant 0 : index
    tpu.barrier barrier_id(%barrier3A_463)
    %mul3A_464 = arith.constant 624 : i32
    %mul3A_465 = arith.muli %arg1, %mul3A_464 : i32
    %ne3A_466 = arith.constant 15 : i32
    %ne3A_467 = arith.cmpi ne, %arg1, %ne3A_466 : i32
    %convert_element_type3A_468 = arith.extui %ne3A_467 : i1 to i32
    %cond3A_469 = arith.constant 0 : i32
    %cond3A_470 = arith.cmpi ne, %convert_element_type3A_468, %cond3A_469 : i32
    scf.if %cond3A_470 {
      "tpu.region"() ({
        %run_scoped3A = tpu.sem_alloc : memref<!tpu.dma_semaphore, #tpu.memory_space<semaphore_mem>>
        %dma_start3A = tpu.memref_slice %arg6[%mul3A_465, %mul3A_0] : memref<10000x128xf32, #tpu.memory_space<hbm>> -> memref<624x64xf32, #tpu.memory_space<hbm>>
        %dma_start3A_476 = arith.constant 0 : i32
        %dma_start3A_477 = tpu.memref_slice %arg12[%mul3A_465, %dma_start3A_476] : memref<10240x64xf32, #tpu.memory_space<vmem_shared>> -> memref<624x64xf32, #tpu.memory_space<vmem_shared>>
        tpu.enqueue_dma source(%dma_start3A_477 : memref<624x64xf32, #tpu.memory_space<vmem_shared>>) target(%dma_start3A : memref<624x64xf32, #tpu.memory_space<hbm>>) target_semaphore(%run_scoped3A : memref<!tpu.dma_semaphore, #tpu.memory_space<semaphore_mem>>)
        %dma_wait3A_478 = tpu.memref_slice %arg6[%mul3A_465, %mul3A_0] : memref<10000x128xf32, #tpu.memory_space<hbm>> -> memref<624x64xf32, #tpu.memory_space<hbm>>
        %dma_wait3A_479 = arith.constant 0 : i32
        %dma_wait3A_480 = tpu.memref_slice %arg12[%mul3A_465, %dma_wait3A_479] : memref<10240x64xf32, #tpu.memory_space<vmem_shared>> -> memref<624x64xf32, #tpu.memory_space<vmem_shared>>
        tpu.wait_dma2 semaphore(%run_scoped3A : memref<!tpu.dma_semaphore, #tpu.memory_space<semaphore_mem>>) src(%dma_wait3A_480 : memref<624x64xf32, #tpu.memory_space<vmem_shared>>) dst(%dma_wait3A_478 : memref<624x64xf32, #tpu.memory_space<hbm>>)
        tpu.yield
      }) : () -> ()
    } else {
    }
    %eq3A_471 = arith.constant 15 : i32
    %eq3A_472 = arith.cmpi eq, %arg1, %eq3A_471 : i32
    %convert_element_type3A_473 = arith.extui %eq3A_472 : i1 to i32
    %cond3A_474 = arith.constant 0 : i32
    %cond3A_475 = arith.cmpi ne, %convert_element_type3A_473, %cond3A_474 : i32
    scf.if %cond3A_475 {
      "tpu.region"() ({
        %run_scoped3A = tpu.sem_alloc : memref<!tpu.dma_semaphore, #tpu.memory_space<semaphore_mem>>
        %dma_start3A = tpu.memref_slice %arg6[%mul3A_465, %mul3A_0] : memref<10000x128xf32, #tpu.memory_space<hbm>> -> memref<640x64xf32, #tpu.memory_space<hbm>>
        %dma_start3A_476 = arith.constant 0 : i32
        %dma_start3A_477 = tpu.memref_slice %arg12[%mul3A_465, %dma_start3A_476] : memref<10240x64xf32, #tpu.memory_space<vmem_shared>> -> memref<640x64xf32, #tpu.memory_space<vmem_shared>>
        tpu.enqueue_dma source(%dma_start3A_477 : memref<640x64xf32, #tpu.memory_space<vmem_shared>>) target(%dma_start3A : memref<640x64xf32, #tpu.memory_space<hbm>>) target_semaphore(%run_scoped3A : memref<!tpu.dma_semaphore, #tpu.memory_space<semaphore_mem>>)
        %dma_wait3A_478 = tpu.memref_slice %arg6[%mul3A_465, %mul3A_0] : memref<10000x128xf32, #tpu.memory_space<hbm>> -> memref<640x64xf32, #tpu.memory_space<hbm>>
        %dma_wait3A_479 = arith.constant 0 : i32
        %dma_wait3A_480 = tpu.memref_slice %arg12[%mul3A_465, %dma_wait3A_479] : memref<10240x64xf32, #tpu.memory_space<vmem_shared>> -> memref<640x64xf32, #tpu.memory_space<vmem_shared>>
        tpu.wait_dma2 semaphore(%run_scoped3A : memref<!tpu.dma_semaphore, #tpu.memory_space<semaphore_mem>>) src(%dma_wait3A_480 : memref<640x64xf32, #tpu.memory_space<vmem_shared>>) dst(%dma_wait3A_478 : memref<640x64xf32, #tpu.memory_space<hbm>>)
        tpu.yield
      }) : () -> ()
    } else {
    }
    return
  }
}

</mosaic_0001>

<sc_bundles>
// kernel: _sc_call.3.cloned.1.call-start
scs
__scs_entry_jumppad:
0x0: {  	(pc) =	sbr.rel $0x88, $3  }
0x1: {  	(tag) =	ssettag $0x0;
	lr =	simm.s32 $0x1  }
0x2: {  	[smem:$0x3F9D] =	sst lr;
	_ =	strace $0xD0000000  }
0x3: {  	_ = 	snop  }
0x4: {  	_ = 	snop  }
0x5: {  	_ = 	snop  }
0x6: {  	_ = 	snop  }
0x7: {  	_ = 	snop  }
__scs_overlays_trampoline_lowered:
0x8: {  	[smem:$0x3FAC] =	sst s0  }
0x9: {  	[smem:$0x3FAD] =	sst s1  }
0xa: {  	[smem:$0x3FAE] =	sst s2  }
0xb: {  	[smem:$0x3FAF] =	sst s3  }
0xc: {  	[smem:$0x3FB0] =	sst s4  }
0xd: {  	[smem:$0x3FB1] =	sst s5  }
0xe: {  	[smem:$0x3FB2] =	sst s6  }
0xf: {  	[smem:$0x3FB3] =	sst s7  }
0x10: {  	[smem:$0x3FB4] =	sst s8  }
0x11: {  	[smem:$0x3FB5] =	sst s9;
	s0 =	simm.s32 @!p0 $0x0  }
0x12: {  	s1 =	sld [smem:$0x3F9B];
	s0 =	simm.s32 @p0 $0x1  }
0x13: {  	[smem:$0x3FB6] =	sst s0;
	s0 =	simm.s32 @!p1 $0x0  }
0x14: {  	s2 =	sld [smem:$0x3F9A];
	s0 =	simm.s32 @p1 $0x1  }
0x15: {  	[smem:$0x3FB7] =	sst s0;
	s0 =	simm.s32 @!p2 $0x0  }
0x16: {  	s3 =	sld [smem:$0x3FDB];
	s0 =	simm.s32 @p2 $0x1  }
0x17: {  	s4 =	simm.s32 $0x1BF5;
	[smem:$0x3FB9] =	sst s0  }
0x18: {  	s0 =	sld [smem:$0x3F9C];
	_ =	swait.ge [sflag:s4], $0x0  }
0x19: {  	s7 =	sld [smem:$0x3F9D]  }
0x1a: {  	s8 =	sadd.s32 $0xFFFFE003, lr  }
0x1b: {  	s9 =	sadd.s32 $0xFFFFFEF7, lr;
	s5 =	simm.s32 $0xFFFFFFFF;
	p2 =	slt.u32 s8, $0xFFFFF086  }
0x1c: {  	p1 =	slt.u32 s9, $0xF7A;
	s5 =	simm.s32 @!p2 $0x0  }
0x1d: {  	s5 =	simm.s32 @p1 $0x1;
	p0 =	seq.s32 s7, s2  }
0x1e: {  	s7 =	smul.u32 @!p0 $0xF7A, s2;
	p2 =	seq.s32 @!p0 s5, $0x0  }
0x1f: {  	s9 =	smul.u32 $0xF7A, s1;
	s8 =	simm.s32 @!p0 $0x1BF5;
	p2 =	por !p2, p0  }
0x20: {  	[sflag:s8] =	ssyncset.s32 @!p0 $0xFFFFF086;
	s6 =	sadd.s32 @!p0 s3, s7;
	s7 =	simm.s32 @!p0 $0x108  }
0x21: {  	s3 =	sadd.s32 s3, s9;
	s6 =	sadd.s32 @!p0 $0x88, s6;
	s7 =	simm.s32 @p2 $0x1082  }
0x22: {  	[simem:s7], [sflag:s8] =	dma.local @!p0 [hbm:s6], $0xF7A  }
0x23: {  	s9 =	sor.u32 $0xD0000000, s2;
	s6 =	simm.s32 $0x108;
	_ =	swait.ge @!p0 [sflag:s8], $0x0  }
0x24: {  	s3 =	sadd.s32 $0x88, s3;
	s6 =	simm.s32 @!p1 $0x1082;
	[sflag:s4] =	ssyncset.s32 $0xFFFFF086  }
0x25: {  	[simem:s6], [sflag:s4] =	dma.local [hbm:s3], $0xF7A  }
0x26: {  	[smem:$0x3F9D] =	sst s1;
	(tag) =	ssettag s2;
	_ =	strace s9  }
0x27: {  	s1 =	sld [smem:$0x3FAD]  }
0x28: {  	s2 =	sld [smem:$0x3FAE]  }
0x29: {  	s4 =	sld [smem:$0x3FB0]  }
0x2a: {  	p0 =	seq.s32 s5, $0x0;
	s5 =	sld [smem:$0x3FB1]  }
0x2b: {  	s6 =	sld [smem:$0x3FB2]  }
0x2c: {  	s7 =	sld [smem:$0x3FB3]  }
0x2d: {  	s3 =	simm.s32 $0x108;
	s8 =	sld [smem:$0x3FB4]  }
0x2e: {  	s3 =	simm.s32 @!p0 $0x1082;
	s9 =	sld [smem:$0x3FB5]  }
0x2f: {  	lr =	sadd.s32 s0, s3;
	s0 =	sld [smem:$0x3FAC]  }
0x30: {  	s3 =	sld [smem:$0x3FAF]  }
0x31: {  	[smem:$0x3FB8] =	sst s10  }
0x32: {  	s10 =	sld [smem:$0x3FB6];
	_ =	sdelay $0x3  }
0x33: {  	p0 =	seq.s32 s10, $0x1;
	s10 =	sld [smem:$0x3FB8];
	_ =	sdelay $0x3  }
0x34: {  	[smem:$0x3FB8] =	sst s10  }
0x35: {  	s10 =	sld [smem:$0x3FB7];
	_ =	sdelay $0x3  }
0x36: {  	p1 =	seq.s32 s10, $0x1;
	s10 =	sld [smem:$0x3FB8];
	_ =	sdelay $0x3  }
0x37: {  	[smem:$0x3FB8] =	sst s10  }
0x38: {  	s10 =	sld [smem:$0x3FB9]  }
0x39: {  	_ = 	snop;
	(pc) =	sbr.ind lr, $3  }
0x3a: {  	_ = 	snop  }
0x3b: {  	_ = 	snop  }
0x3c: {  	p2 =	seq.s32 s10, $0x1;
	s10 =	sld [smem:$0x3FB8]  }
0x3d: {  	_ =	shalt  }
0x3e: {  	_ =	shalt  }
0x3f: {  	_ =	shalt  }
0x40: {  	_ =	shalt  }
0x41: {  	_ =	shalt  }
0x42: {  	_ =	shalt  }
0x43: {  	_ =	shalt  }
0x44: {  	_ =	shalt  }
0x45: {  	_ =	shalt  }
0x46: {  	_ =	shalt  }
0x47: {  	_ =	shalt  }
0x48: {  	_ =	shalt  }
0x49: {  	_ =	shalt  }
0x4a: {  	_ =	shalt  }
0x4b: {  	_ =	shalt  }
0x4c: {  	_ =	shalt  }
0x4d: {  	_ =	shalt  }
0x4e: {  	_ =	shalt  }
0x4f: {  	_ =	shalt  }
0x50: {  	_ =	shalt  }
0x51: {  	_ =	shalt  }
0x52: {  	_ =	shalt  }
0x53: {  	_ =	shalt  }
0x54: {  	_ =	shalt  }
0x55: {  	_ =	shalt  }
0x56: {  	_ =	shalt  }
0x57: {  	_ =	shalt  }
0x58: {  	_ =	shalt  }
0x59: {  	_ =	shalt  }
0x5a: {  	_ =	shalt  }
0x5b: {  	_ =	shalt  }
0x5c: {  	_ =	shalt  }
0x5d: {  	_ =	shalt  }
0x5e: {  	_ =	shalt  }
0x5f: {  	_ =	shalt  }
0x60: {  	_ =	shalt  }
0x61: {  	_ =	shalt  }
0x62: {  	_ =	shalt  }
0x63: {  	_ =	shalt  }
0x64: {  	_ =	shalt  }
0x65: {  	_ =	shalt  }
0x66: {  	_ =	shalt  }
0x67: {  	_ =	shalt  }
0x68: {  	_ =	shalt  }
0x69: {  	_ =	shalt  }
0x6a: {  	_ =	shalt  }
0x6b: {  	_ =	shalt  }
0x6c: {  	_ =	shalt  }
0x6d: {  	_ =	shalt  }
0x6e: {  	_ =	shalt  }
0x6f: {  	_ =	shalt  }
0x70: {  	_ =	shalt  }
0x71: {  	_ =	shalt  }
0x72: {  	_ =	shalt  }
0x73: {  	_ =	shalt  }
0x74: {  	_ =	shalt  }
0x75: {  	_ =	shalt  }
0x76: {  	_ =	shalt  }
0x77: {  	_ =	shalt  }
0x78: {  	_ =	shalt  }
0x79: {  	_ =	shalt  }
0x7a: {  	_ =	shalt  }
0x7b: {  	_ =	shalt  }
0x7c: {  	_ =	shalt  }
0x7d: {  	_ =	shalt  }
0x7e: {  	_ =	shalt  }
0x7f: {  	_ =	shalt  }
0x80: {  	_ =	shalt  }
0x81: {  	_ =	shalt  }
0x82: {  	_ =	shalt  }
0x83: {  	_ =	shalt  }
0x84: {  	_ =	shalt  }
0x85: {  	_ =	shalt  }
0x86: {  	_ =	shalt  }
0x87: {  	_ =	shalt  }
.Lfunc_end0:
.L_simem_size_0:
called_computation_lowered:
.L_overlay_start_0:
0x88: {  	s2 =	sld [smem:$0x3FD9]  }
0x89: {  	s3 =	sld [smem:$0x3FFE];
	_ =	sdelay $0x1  }
0x8a: {  	s1 =	srdreg.scid  }
0x8b: {  	s0 =	sand.u32 $0x1, s1  }
0x8c: {  	s17 =	sshll.u32 s0, $0xA;
	s2 =	sadd.s32 s3, s2  }
0x8d: {  	s2 =	sadd.s32 s2, s17  }
0x8e: {  	[smem:$0x3FC4] =	sst s2  }
0x8f: {  	_ = 	snop  }
0x90: {  	s2 =	sld [smem:$0x3FC7]  }
0x91: {  	s18 =	sld [smem:$0x3FC6]  }
0x92: {  	s4 =	sld [smem:$0x3FD0];
	(tm) =	ssettm $0x1  }
0x93: {  	s5 =	sld [smem:$0x3FFB];
	_ =	sdelay $0x3  }
0x94: {  	_ =	strace s5  }
0x95: {  	s5 =	sld [smem:$0x3FFC];
	_ =	sdelay $0x3  }
0x96: {  	_ =	strace s5  }
0x97: {  	s5 =	sld [smem:$0x3FFD];
	_ =	sdelay $0x3  }
0x98: {  	_ =	strace s5  }
0x99: {  	_ =	strace $0x8FFFFFFF  }
0x9a: {  	s19 =	sld [smem:$0x3FDB];
	_ =	sdelay $0x1  }
0x9b: {  	s6 =	simm.s32 $_scs_section_size  }
0x9c: {  	s7 =	simm.s32 $_size__tile_overlayer_lowered;
	s8 =	simm.s32 $_tile_overlayer_lowered  }
0x9d: {  	s22 =	simm.s32 $0x1BFF;
	s21 =	sshll.u32 s8, $0x1;
	s5 =	sadd.s32 s6, s19  }
0x9e: {  	s9 =	simm.s32 $0x0;
	s20 =	sshll.u32 s7, $0x1;
	s7 =	sadd.s32 s21, s5  }
0x9f: {  	[timem:s9], [sflag:s22] =	dma.local [hbm:s7], s20  }
0xa0: {  	_ =	swait.ge [sflag:s22], s20  }
0xa1: {  	s6 =	ssub.s32 $0x0, s20;
	[sflag:s22] =	ssyncset.done $0x0  }
0xa2: {  	[sflag:s22] =	ssyncadd.s32 s6;
	_ =	sdelay $0x1  }
0xa3: {  	s23 =	simm.s32 $0x1B8B  }
0xa4: {  	_ =	swait.ge [sflag:s23], $0x1  }
0xa5: {  	[sflag:s23] =	ssyncset.done $0x0  }
0xa6: {  	s25 =	simm.s32 $0x1B8E;
	s24 =	sld [smem:$0x3FFE];
	[sflag:s23] =	ssyncadd.s32 $0xFFFFFFFF  }
0xa7: {  	s26 =	simm.s32 $execute0_lowered;
	[smem:$0x3FD2] =	sst s25  }
0xa8: {  	s7 =	sshll.u32 s26, $0x1;
	_ =	strace $0x80000046;
	[dreg:$0x1] =	wrdreg $0xFFFFFFFF  }
0xa9: {  	s28 =	simm.s32 $_size_execute0_lowered;
	s5 =	sadd.s32 s5, s7;
	[dreg:$0x0] =	wrdreg $0x0  }
0xaa: {  	s7 =	sshll.u32 s28, $0x1;
	[dreg:$0x2] =	wrdreg s5  }
0xab: {  	[dreg:$0x3] =	wrdreg s7  }
0xac: {  	[dreg:$0x4] =	wrdreg $0xC0  }
0xad: {  	_ =	task [dreg:s9], $0x5FFFF  }
0xae: {  	[dreg:$0x1] =	wrdreg $0xFFFFFFFF  }
0xaf: {  	[dreg:$0x0] =	wrdreg $0x60  }
0xb0: {  	[dreg:$0x2] =	wrdreg s24  }
0xb1: {  	[dreg:$0x3] =	wrdreg s2  }
0xb2: {  	[dreg:$0x4] =	wrdreg s18  }
0xb3: {  	[dreg:$0x5] =	wrdreg s4  }
0xb4: {  	[dreg:$0x6] =	wrdreg $0xB8000  }
0xb5: {  	[dreg:$0x7] =	wrdreg $0x154800  }
0xb6: {  	[dreg:$0x8] =	wrdreg $0x9  }
0xb7: {  	_ =	task.clear_ibuf [dreg:s9], $0x9FFFF;
	_ =	strace $0x90000046  }
0xb8: {  	s29 =	simm.s32 $0x9;
	_ =	strace $0x80000048  }
0xb9: {  	_ =	swait.ge [sflag:s29], $0x1  }
0xba: {  	[sflag:s29] =	ssyncadd.s32 $0xFFFFFFFF  }
0xbb: {  	_ =	strace $0x90000048  }
0xbc: {  	_ =	sfence  }
0xbd: {  	s30 =	sld [smem:$0x0];
	_ =	sdelay $0x2  }
0xbe: {  	s31 =	sshll.u32 s1, $0xD;
	s1 =	sshrl.u32 s1, $0x2  }
0xbf: {  	s3 =	sand.u32 $0x4000, s31;
	s1 =	sadd.s32 s1, s30  }
0xc0: {  	s0 =	sor.u32 s3, s0;
	s1 =	sshll.u32 s1, $0x11  }
0xc1: {  	s0 =	sor.u32 s1, s0  }
0xc2: {  	s0 =	sadd.s32 $0x8F2B, s0  }
0xc3: {  	[sflag:s0] =	ssyncadd.remote.s32 $0x1  }
0xc4: {  	_ =	sfence.sel $0xFFFF  }
0xc5: {  	[dreg:$0x0] =	wrdreg $0xFFFFFFFF;
	(pc) =	sbr.abs _section_cstart, $3  }
0xc6: {  	[dreg:$0x1] =	wrdreg $0xFFFFFFFF  }
0xc7: {  	_ =	task.clear_ibuf [dreg:s9], $0x2FFFF;
	_ =	strace $0x9FFFFFFF  }
0xc8: {  	(tm) =	ssettm $0x7FFFFFFF  }
0xc9: {  	_ =	shalt  }
tec
execute0_lowered:
.L_overlay_start_1:
0x0: {  	(tag) =	ssettag $0x1  }
0x1: {  	s0 =	rddreg [dreg:$0x0]  }
0x2: {  	s9 =	rddreg [dreg:$0x1]  }
0x3: {  	s11 =	rddreg [dreg:$0x2]  }
0x4: {  	s12 =	rddreg [dreg:$0x3]  }
0x5: {  	s1 =	rddreg [dreg:$0x4]  }
0x6: {  	s2 =	rddreg [dreg:$0x5];
	s3 =	srdreg.scid;
	s4 =	simm.s32 $0x0  }
0x7: {  	s21 =	stileid.u32;
	s23 =	simm.s32 $0x100;
	s24 =	simm.s32 $0x180  }
0x8: {  	s25 =	simm.s32 $0x200;
	[smem:$0x7FF] =	sst s4;
	s7 =	smul.u32 $0x280, s21  }
0x9: {  	s10 =	smul.u32 $0x28000, s21;
	_ =	strace $0x80000047;
	[dreg:$0x9] =	wrdreg s23  }
0xa: {  	s13 =	sand.u32 $0x1, s3;
	s19 =	smul.u32 $0xA00, s21;
	[dreg:$0xa] =	wrdreg s24  }
0xb: {  	s26 =	smul.u32 $0x13800, s21;
	[dreg:$0xb] =	wrdreg s25;
	s24 =	simm.s32 $0xB80  }
0xc: {  	s3 =	ssub.s32 $0x2, s13;
	s25 =	simm.s32 $0xC00;
	[dreg:$0xe] =	wrdreg s24  }
0xd: {  	s15 =	sshll.u32 s13, $0x6;
	s11 =	sadd.s32 s11, s19;
	[dreg:$0xf] =	wrdreg s25  }
0xe: {  	s5 =	sshrl.u32 s3, $0x1;
	s9 =	sadd.s32 s19, s9;
	[dreg:$0x7] =	wrdreg s11  }
0xf: {  	s16 =	sadd.s32 $0x80, s7;
	s19 =	simm.s32 $0xA80;
	[dreg:$0x8] =	wrdreg s9  }
0x10: {  	s10 =	sshrl.u32 s10, $0x2;
	s24 =	simm.s32 $0x480;
	[dreg:$0xc] =	wrdreg s19  }
0x11: {  	s14 =	ssub.s32 s3, s5;
	s22 =	sadd.s32 s10, s1;
	[dreg:$0x14] =	wrdreg s24  }
0x12: {  	s11 =	sor.u32 s15, s26;
	s15 =	simm.s32 $0x300;
	[smem:$0x7B8] =	sst s22  }
0x13: {  	s3 =	sshll.u32 s16, $0x3;
	s19 =	simm.s32 $0x380;
	[dreg:$0x11] =	wrdreg s15  }
0x14: {  	s25 =	sshll.u32 s16, $0x6;
	s16 =	simm.s32 $0xE00;
	[dreg:$0x12] =	wrdreg s19  }
0x15: {  	s24 =	simm.s32 $0x680;
	[dreg:$0x18] =	wrdreg s16  }
0x16: {  	s22 =	sadd.s32 $0x96000, s1;
	[dreg:$0x1c] =	wrdreg s24  }
0x17: {  	s15 =	simm.s32 $0xD80;
	[smem:$0x7B9] =	sst s22  }
0x18: {  	p0 =	seq.s32 s13, $0x0;
	s19 =	simm.s32 $0x500;
	[dreg:$0x17] =	wrdreg s15  }
0x19: {  	s11 =	sshrl.u32 s11, $0x3;
	s16 =	simm.s32 $0x1080;
	[dreg:$0x1a] =	wrdreg s19  }
0x1a: {  	s26 =	smul.u32 $0x27000, s21;
	s11 =	sadd.s32 s12, s11;
	[smem:$0x7C4] =	sst s16  }
0x1b: {  	s13 =	sshll.u32 s13, $0x3;
	s22 =	simm.s32 $0xB00;
	[smem:$0x7BA] =	sst s11  }
0x1c: {  	s23 =	sshrl.u32 s26, $0x2;
	s26 =	simm.s32 $0x280;
	[dreg:$0xd] =	wrdreg s22  }
0x1d: {  	s12 =	sadd.s32 s13, s12;
	s13 =	sadd.s32 s25, s1;
	[dreg:$0x10] =	wrdreg s26  }
0x1e: {  	s25 =	simm.s32 $0x700;
	[smem:$0x7BD] =	sst s13  }
0x1f: {  	s17 =	sadd.s32 $0x100, s7;
	s15 =	simm.s32 $0x1000;
	[dreg:$0x1d] =	wrdreg s25  }
0x20: {  	s18 =	sadd.s32 $0x180, s7;
	s12 =	sadd.s32 $0x24900, s12;
	[smem:$0x7C2] =	sst s15  }
0x21: {  	s9 =	sadd.s32 s23, s2;
	s23 =	smax.u32 s14, $0x1;
	[smem:$0x7BB] =	sst s12  }
0x22: {  	s5 =	sshll.u32 s17, $0x3;
	s22 =	simm.s32 $0x400;
	[smem:$0x7BC] =	sst s23  }
0x23: {  	s6 =	sshll.u32 s18, $0x3;
	s26 =	simm.s32 $0xC80;
	[dreg:$0x13] =	wrdreg s22  }
0x24: {  	s13 =	simm.s32 $0xD00;
	s14 =	sshll.u32 s17, $0x6;
	[dreg:$0x15] =	wrdreg s26  }
0x25: {  	s17 =	sshll.u32 s18, $0x6;
	s18 =	simm.s32 $0xE80;
	[dreg:$0x16] =	wrdreg s13  }
0x26: {  	s25 =	simm.s32 $0x900;
	[dreg:$0x19] =	wrdreg s18  }
0x27: {  	s13 =	sadd.s32 s14, s1;
	[smem:$0x7CE] =	sst s25  }
0x28: {  	s23 =	simm.s32 $0x580;
	[smem:$0x7BE] =	sst s13  }
0x29: {  	s26 =	simm.s32 $0xF00;
	[dreg:$0x1b] =	wrdreg s23  }
0x2a: {  	s20 =	sadd.s32 $0x200, s7;
	s14 =	simm.s32 $0xF80;
	[dreg:$0x1e] =	wrdreg s26  }
0x2b: {  	s7 =	sshll.u32 s20, $0x3;
	s18 =	simm.s32 $0x780;
	[dreg:$0x1f] =	wrdreg s14  }
0x2c: {  	s22 =	sshll.u32 s20, $0x6;
	s20 =	simm.s32 $0x800;
	[smem:$0x7C8] =	sst s18  }
0x2d: {  	s8 =	smul.u32 $0x1400, s21;
	s13 =	sadd.s32 s17, s1;
	[smem:$0x7CA] =	sst s20  }
0x2e: {  	s12 =	simm.s32 $0x600;
	s17 =	simm.s32 $0x1100;
	[smem:$0x7BF] =	sst s13  }
0x2f: {  	s12 =	simm.s32 @!p0 $0x14000;
	s23 =	simm.s32 $0x880;
	[smem:$0x7C6] =	sst s17  }
0x30: {  	s13 =	sadd.s32 s22, s1;
	s0 =	sadd.s32 s12, s0;
	[smem:$0x7CC] =	sst s23  }
0x31: {  	[smem:$0x7C0] =	sst s13;
	s8 =	sadd.s32 s0, s8  }
0x32: {  	s3 =	sadd.s32 s0, s3;
	[smem:$0x7C1] =	sst s8  }
0x33: {  	s5 =	sadd.s32 s0, s5;
	[smem:$0x7C3] =	sst s3  }
0x34: {  	s19 =	sadd.s32 s0, s6;
	[smem:$0x7C5] =	sst s5  }
0x35: {  	s22 =	sadd.s32 s0, s7;
	[smem:$0x7C7] =	sst s19  }
0x36: {  	s24 =	sadd.s32 $0x12C00, s0;
	[smem:$0x7C9] =	sst s22  }
0x37: {  	s26 =	sadd.s32 $0x13000, s0;
	[smem:$0x7CB] =	sst s24  }
0x38: {  	s6 =	sadd.s32 $0x98000, s1;
	[smem:$0x7CD] =	sst s26  }
0x39: {  	s7 =	sadd.s32 $0x9A000, s1;
	[smem:$0x7D3] =	sst s6  }
0x3a: {  	s13 =	sadd.s32 s10, s2;
	[smem:$0x7D4] =	sst s7  }
0x3b: {  	s5 =	sadd.s32 $0x13400, s0;
	[smem:$0x7FC] =	sst s13  }
0x3c: {  	s0 =	sadd.s32 $0x13800, s0;
	[smem:$0x7CF] =	sst s5  }
0x3d: {  	s8 =	sadd.s32 $0x9C000, s1;
	[smem:$0x7D0] =	sst s0  }
0x3e: {  	s10 =	sadd.s32 $0x800, s13;
	[smem:$0x7D5] =	sst s8  }
0x3f: {  	s12 =	sadd.s32 $0x1000, s13;
	[smem:$0x7D7] =	sst s10  }
0x40: {  	s14 =	sadd.s32 $0x1400, s13;
	[smem:$0x7D9] =	sst s12  }
0x41: {  	s15 =	sadd.s32 $0x1800, s13;
	[smem:$0x7DA] =	sst s14  }
0x42: {  	s16 =	sadd.s32 $0x1C00, s13;
	[smem:$0x7DB] =	sst s15  }
0x43: {  	s17 =	sadd.s32 $0x2000, s13;
	[smem:$0x7DC] =	sst s16  }
0x44: {  	s18 =	sadd.s32 $0x2400, s13;
	[smem:$0x7DD] =	sst s17  }
0x45: {  	s19 =	sadd.s32 $0x2800, s13;
	[smem:$0x7DE] =	sst s18  }
0x46: {  	s20 =	sadd.s32 $0x2C00, s13;
	[smem:$0x7DF] =	sst s19  }
0x47: {  	p0 =	seq.s32 s21, $0xF;
	s21 =	sadd.s32 $0x3000, s13;
	[smem:$0x7E0] =	sst s20  }
0x48: {  	s22 =	sadd.s32 $0x3400, s13;
	[smem:$0x7E1] =	sst s21  }
0x49: {  	s23 =	sadd.s32 $0x3800, s13;
	[smem:$0x7E2] =	sst s22  }
0x4a: {  	s24 =	sadd.s32 $0x3C00, s13;
	[smem:$0x7E3] =	sst s23  }
0x4b: {  	s25 =	sadd.s32 $0x4000, s13;
	[smem:$0x7E4] =	sst s24  }
0x4c: {  	s26 =	sadd.s32 $0x4400, s13;
	[smem:$0x7E5] =	sst s25  }
0x4d: {  	s3 =	sadd.s32 $0x4800, s13;
	[smem:$0x7E6] =	sst s26  }
0x4e: {  	s6 =	sadd.s32 $0x5000, s13;
	[smem:$0x7E7] =	sst s3  }
0x4f: {  	s11 =	sadd.s32 $0x92400, s2;
	s7 =	sadd.s32 $0x5400, s13;
	[smem:$0x7E9] =	sst s6  }
0x50: {  	s0 =	sshrl.u32 @p0 s11, $0x3;
	[smem:$0x7EA] =	sst s7  }
0x51: {  	s11 =	sadd.s32 $0xC00, s13;
	[smem:$0x7D1] =	sst s0  }
0x52: {  	s5 =	sadd.s32 $0x4C00, s13;
	[smem:$0x7D8] =	sst s11  }
0x53: {  	s8 =	sadd.s32 $0x5800, s13;
	[smem:$0x7E8] =	sst s5  }
0x54: {  	s10 =	sadd.s32 $0x6000, s13;
	[smem:$0x7EB] =	sst s8  }
0x55: {  	s12 =	sadd.s32 $0x6800, s13;
	[smem:$0x7ED] =	sst s10  }
0x56: {  	s14 =	sadd.s32 $0x6C00, s13;
	[smem:$0x7EF] =	sst s12  }
0x57: {  	s15 =	sadd.s32 $0x7000, s13;
	[smem:$0x7F0] =	sst s14  }
0x58: {  	s16 =	sadd.s32 $0x7400, s13;
	[smem:$0x7F1] =	sst s15  }
0x59: {  	s17 =	sadd.s32 $0x7800, s13;
	[smem:$0x7F2] =	sst s16  }
0x5a: {  	s28 =	simm.s32 $0x5400;
	s18 =	sadd.s32 $0x7C00, s13;
	[smem:$0x7F3] =	sst s17  }
0x5b: {  	s29 =	simm.s32 $0x7400;
	s19 =	sadd.s32 $0x8000, s13;
	[smem:$0x7F4] =	sst s18  }
0x5c: {  	s30 =	simm.s32 $0x9400;
	s20 =	sadd.s32 $0x8400, s13;
	[smem:$0x7F5] =	sst s19  }
0x5d: {  	s31 =	simm.s32 $0x3;
	s21 =	sadd.s32 $0x8800, s13;
	[smem:$0x7F6] =	sst s20  }
0x5e: {  	s22 =	sadd.s32 $0x8C00, s13;
	s23 =	sadd.s32 $0x9000, s13;
	[smem:$0x7F7] =	sst s21  }
0x5f: {  	s24 =	sadd.s32 $0x9400, s13;
	s25 =	sadd.s32 $0x9800, s13;
	[smem:$0x7F8] =	sst s22  }
0x60: {  	s26 =	sadd.s32 $0x9C00, s13;
	s3 =	simm.s32 $0x5;
	[smem:$0x7F9] =	sst s23  }
0x61: {  	s6 =	simm.s32 $0x1180;
	s7 =	simm.s32 $0x1200;
	[smem:$0x7FA] =	sst s24  }
0x62: {  	s0 =	sshrl.u32 @!p0 s9, $0x3;
	s9 =	sadd.s32 $0x400, s13;
	[smem:$0x7FB] =	sst s25  }
0x63: {  	s11 =	sadd.s32 $0x6400, s13;
	[smem:$0x7FD] =	sst s26;
	s16 =	simm.s32 $0x6  }
0x64: {  	s17 =	simm.s32 $0x7;
	s18 =	simm.s32 $0x8;
	s19 =	simm.s32 $0x9  }
0x65: {  	s20 =	simm.s32 $0xA;
	s21 =	simm.s32 $0xA00;
	s22 =	simm.s32 $0x1  }
0x66: {  	s23 =	simm.s32 $0x2;
	s24 =	simm.s32 $0x80;
	s25 =	simm.s32 $0x1400  }
0x67: {  	s26 =	simm.s32 $0x3400;
	s5 =	simm.s32 $0x980;
	[smem:$0x7D2] =	sst s0  }
0x68: {  	s8 =	simm.s32 $0x1280;
	s10 =	simm.s32 $0x1380;
	[smem:$0x7D6] =	sst s9  }
0x69: {  	s9 =	sadd.s32 $0x5C00, s13;
	[smem:$0x7EE] =	sst s11;
	s0 =	simm.s32 $0x4  }
0x6a: {  	v0 =	vimm.f32 $0.0e+00;
	s13 =	simm.s32 $0x0;
	[smem:$0x7EC] =	sst s9;
	s9 =	simm.s32 $0x1300  }
.LBB2_1:
0x6b: {  	[smem:$0x7B7] =	sst s13  }
0x6c: {  	s13 =	sld [smem:$0x7CB];
	_ =	sdelay $0x1  }
0x6d: {  	s11 =	simm.s32 @p0 $0x0;
	s12 =	simm.s32 @p0 $0x1400  }
0x6e: {  	[tilespmem:s12], [sflag:$0x1] =	stream.linear.gather @p0 [hbm4b:s13+s11], $0x2000, $0x38;
	[tilespmem:$0x1F480] =	vst v63  }
0x6f: {  	s13 =	sld [smem:$0x7CD];
	_ =	sdelay $0x1  }
0x70: {  	s15 =	simm.s32 @p0 $0x3400  }
0x71: {  	[tilespmem:s15], [sflag:$0x2] =	stream.linear.gather @p0 [hbm4b:s13+s11], $0x2000, $0x38;
	[tilespmem:$0x1F480] =	vst v63  }
0x72: {  	s13 =	sld [smem:$0x7CF];
	_ =	sdelay $0x1  }
0x73: {  	s14 =	simm.s32 @p0 $0x5400  }
0x74: {  	[tilespmem:s14], [sflag:$0x3] =	stream.linear.gather @p0 [hbm4b:s13+s11], $0x2000, $0x38;
	[tilespmem:$0x1F480] =	vst v63  }
0x75: {  	s13 =	sld [smem:$0x7D0];
	_ =	sdelay $0x1  }
0x76: {  	s14 =	simm.s32 @p0 $0x7400  }
0x77: {  	[tilespmem:s14], [sflag:$0x4] =	stream.linear.gather @p0 [hbm4b:s13+s11], $0x400, $0x38;
	[tilespmem:$0x1F480] =	vst v63  }
0x78: {  	s11 =	simm.s32 @p0 $0x1  }
0x79: {  	_ =	swait.ge @p0 [sflag:s11], $0x2000  }
0x7a: {  	[sflag:s11] =	ssyncset.done @p0 $0x0  }
0x7b: {  	[sflag:s11] =	ssyncadd.s32 @p0 $0xFFFFE000;
	s11 =	sld [smem:$0x7B9];
	_ =	sdelay $0x2  }
0x7c: {  	[spmem:s11] =	stream.linear.scatter @p0 [tilespmem:s12], [sflag:$0x6], $0x2000, $0x38;
	[tilespmem:$0x1F480] =	vst v63  }
0x7d: {  	s11 =	simm.s32 @p0 $0x2  }
0x7e: {  	_ =	swait.ge @p0 [sflag:s11], $0x2000  }
0x7f: {  	[sflag:s11] =	ssyncset.done @p0 $0x0  }
0x80: {  	[sflag:s11] =	ssyncadd.s32 @p0 $0xFFFFE000;
	s11 =	sld [smem:$0x7D3];
	_ =	sdelay $0x2  }
0x81: {  	[spmem:s11] =	stream.linear.scatter @p0 [tilespmem:s15], [sflag:$0x7], $0x2000, $0x38;
	[tilespmem:$0x1F480] =	vst v63  }
0x82: {  	s11 =	simm.s32 @p0 $0x3  }
0x83: {  	_ =	swait.ge @p0 [sflag:s11], $0x2000  }
0x84: {  	[sflag:s11] =	ssyncset.done @p0 $0x0  }
0x85: {  	[sflag:s11] =	ssyncadd.s32 @p0 $0xFFFFE000;
	s11 =	sld [smem:$0x7D4];
	_ =	sdelay $0x1  }
0x86: {  	s12 =	simm.s32 @p0 $0x5400  }
0x87: {  	[spmem:s11] =	stream.linear.scatter @p0 [tilespmem:s12], [sflag:$0x8], $0x2000, $0x38;
	[tilespmem:$0x1F480] =	vst v63  }
0x88: {  	s11 =	simm.s32 @p0 $0x4  }
0x89: {  	_ =	swait.ge @p0 [sflag:s11], $0x400  }
0x8a: {  	[sflag:s11] =	ssyncset.done @p0 $0x0  }
0x8b: {  	[sflag:s11] =	ssyncadd.s32 @p0 $0xFFFFFC00;
	s11 =	sld [smem:$0x7D5];
	_ =	sdelay $0x1  }
0x8c: {  	s13 =	simm.s32 @p0 $0x7400  }
0x8d: {  	[spmem:s11] =	stream.linear.scatter @p0 [tilespmem:s13], [sflag:$0x9], $0x400, $0x38;
	[tilespmem:$0x1F480] =	vst v63  }
0x8e: {  	s11 =	simm.s32 @p0 $0x6  }
0x8f: {  	_ =	swait.ge @p0 [sflag:s11], $0x2000  }
0x90: {  	[sflag:s11] =	ssyncset.done @p0 $0x0  }
0x91: {  	[sflag:s11] =	ssyncadd.s32 @p0 $0xFFFFE000;
	s11 =	simm.s32 @p0 $0x7  }
0x92: {  	_ =	swait.ge @p0 [sflag:s11], $0x2000  }
0x93: {  	[sflag:s11] =	ssyncset.done @p0 $0x0  }
0x94: {  	[sflag:s11] =	ssyncadd.s32 @p0 $0xFFFFE000;
	s11 =	simm.s32 @p0 $0x8  }
0x95: {  	_ =	swait.ge @p0 [sflag:s11], $0x2000  }
0x96: {  	[sflag:s11] =	ssyncset.done @p0 $0x0  }
0x97: {  	[sflag:s11] =	ssyncadd.s32 @p0 $0xFFFFE000;
	s11 =	simm.s32 @p0 $0x9  }
0x98: {  	_ =	swait.ge @p0 [sflag:s11], $0x400  }
0x99: {  	s13 =	sld [smem:$0x7C1]  }
0x9a: {  	[sflag:s11] =	ssyncset.done @p0 $0x0  }
0x9b: {  	s12 =	simm.s32 @!p0 $0x1400;
	[sflag:s11] =	ssyncadd.s32 @p0 $0xFFFFFC00;
	s11 =	simm.s32 @!p0 $0x0  }
0x9c: {  	[tilespmem:s12], [sflag:$0x1] =	stream.linear.gather @!p0 [hbm4b:s13+s11], $0x2000, $0x38;
	[tilespmem:$0x1F480] =	vst v63  }
0x9d: {  	s13 =	sld [smem:$0x7C3];
	_ =	sdelay $0x1  }
0x9e: {  	s15 =	simm.s32 @!p0 $0x3400  }
0x9f: {  	[tilespmem:s15], [sflag:$0x2] =	stream.linear.gather @!p0 [hbm4b:s13+s11], $0x2000, $0x38;
	[tilespmem:$0x1F480] =	vst v63  }
0xa0: {  	s13 =	sld [smem:$0x7C5];
	_ =	sdelay $0x1  }
0xa1: {  	s14 =	simm.s32 @!p0 $0x5400  }
0xa2: {  	[tilespmem:s14], [sflag:$0x3] =	stream.linear.gather @!p0 [hbm4b:s13+s11], $0x2000, $0x38;
	[tilespmem:$0x1F480] =	vst v63  }
0xa3: {  	s13 =	sld [smem:$0x7C7];
	_ =	sdelay $0x1  }
0xa4: {  	s14 =	simm.s32 @!p0 $0x7400  }
0xa5: {  	[tilespmem:s14], [sflag:$0x4] =	stream.linear.gather @!p0 [hbm4b:s13+s11], $0x2000, $0x38;
	[tilespmem:$0x1F480] =	vst v63  }
0xa6: {  	s13 =	sld [smem:$0x7C9];
	_ =	sdelay $0x1  }
0xa7: {  	s14 =	simm.s32 @!p0 $0x9400  }
0xa8: {  	[tilespmem:s14], [sflag:$0x5] =	stream.linear.gather @!p0 [hbm4b:s13+s11], $0x2000, $0x38;
	[tilespmem:$0x1F480] =	vst v63  }
0xa9: {  	s11 =	simm.s32 @!p0 $0x1  }
0xaa: {  	_ =	swait.ge @!p0 [sflag:s11], $0x2000  }
0xab: {  	[sflag:s11] =	ssyncset.done @!p0 $0x0  }
0xac: {  	[sflag:s11] =	ssyncadd.s32 @!p0 $0xFFFFE000;
	s11 =	sld [smem:$0x7B8];
	_ =	sdelay $0x2  }
0xad: {  	[spmem:s11] =	stream.linear.scatter @!p0 [tilespmem:s12], [sflag:$0x6], $0x2000, $0x38;
	[tilespmem:$0x1F480] =	vst v63  }
0xae: {  	s11 =	simm.s32 @!p0 $0x2  }
0xaf: {  	_ =	swait.ge @!p0 [sflag:s11], $0x2000  }
0xb0: {  	[sflag:s11] =	ssyncset.done @!p0 $0x0  }
0xb1: {  	[sflag:s11] =	ssyncadd.s32 @!p0 $0xFFFFE000;
	s11 =	sld [smem:$0x7BD];
	_ =	sdelay $0x2  }
0xb2: {  	[spmem:s11] =	stream.linear.scatter @!p0 [tilespmem:s15], [sflag:$0x7], $0x2000, $0x38;
	[tilespmem:$0x1F480] =	vst v63  }
0xb3: {  	s11 =	simm.s32 @!p0 $0x3  }
0xb4: {  	_ =	swait.ge @!p0 [sflag:s11], $0x2000  }
0xb5: {  	[sflag:s11] =	ssyncset.done @!p0 $0x0  }
0xb6: {  	[sflag:s11] =	ssyncadd.s32 @!p0 $0xFFFFE000;
	s11 =	sld [smem:$0x7BE];
	_ =	sdelay $0x1  }
0xb7: {  	s12 =	simm.s32 @!p0 $0x5400  }
0xb8: {  	[spmem:s11] =	stream.linear.scatter @!p0 [tilespmem:s12], [sflag:$0x8], $0x2000, $0x38;
	[tilespmem:$0x1F480] =	vst v63  }
0xb9: {  	s11 =	simm.s32 @!p0 $0x4  }
0xba: {  	_ =	swait.ge @!p0 [sflag:s11], $0x2000  }
0xbb: {  	[sflag:s11] =	ssyncset.done @!p0 $0x0  }
0xbc: {  	[sflag:s11] =	ssyncadd.s32 @!p0 $0xFFFFE000;
	s11 =	sld [smem:$0x7BF];
	_ =	sdelay $0x1  }
0xbd: {  	s12 =	simm.s32 @!p0 $0x7400  }
0xbe: {  	[spmem:s11] =	stream.linear.scatter @!p0 [tilespmem:s12], [sflag:$0x9], $0x2000, $0x38;
	[tilespmem:$0x1F480] =	vst v63  }
0xbf: {  	s11 =	simm.s32 @!p0 $0x5  }
0xc0: {  	_ =	swait.ge @!p0 [sflag:s11], $0x2000  }
0xc1: {  	[sflag:s11] =	ssyncset.done @!p0 $0x0  }
0xc2: {  	[sflag:s11] =	ssyncadd.s32 @!p0 $0xFFFFE000;
	s11 =	sld [smem:$0x7C0];
	_ =	sdelay $0x1  }
0xc3: {  	s13 =	simm.s32 @!p0 $0x9400  }
0xc4: {  	[spmem:s11] =	stream.linear.scatter @!p0 [tilespmem:s13], [sflag:$0xA], $0x2000, $0x38;
	[tilespmem:$0x1F480] =	vst v63  }
0xc5: {  	s11 =	simm.s32 @!p0 $0x6  }
0xc6: {  	_ =	swait.ge @!p0 [sflag:s11], $0x2000  }
0xc7: {  	[sflag:s11] =	ssyncset.done @!p0 $0x0  }
0xc8: {  	[sflag:s11] =	ssyncadd.s32 @!p0 $0xFFFFE000;
	s11 =	simm.s32 @!p0 $0x7  }
0xc9: {  	_ =	swait.ge @!p0 [sflag:s11], $0x2000  }
0xca: {  	[sflag:s11] =	ssyncset.done @!p0 $0x0  }
0xcb: {  	[sflag:s11] =	ssyncadd.s32 @!p0 $0xFFFFE000;
	s11 =	simm.s32 @!p0 $0x8  }
0xcc: {  	_ =	swait.ge @!p0 [sflag:s11], $0x2000  }
0xcd: {  	[sflag:s11] =	ssyncset.done @!p0 $0x0  }
0xce: {  	[sflag:s11] =	ssyncadd.s32 @!p0 $0xFFFFE000;
	s11 =	simm.s32 @!p0 $0x9  }
0xcf: {  	_ =	swait.ge @!p0 [sflag:s11], $0x2000  }
0xd0: {  	[sflag:s11] =	ssyncset.done @!p0 $0x0  }
0xd1: {  	[sflag:s11] =	ssyncadd.s32 @!p0 $0xFFFFE000;
	s11 =	simm.s32 @!p0 $0xA  }
0xd2: {  	_ =	swait.ge @!p0 [sflag:s11], $0x2000  }
0xd3: {  	[sflag:s11] =	ssyncset.done @!p0 $0x0  }
0xd4: {  	[sflag:s11] =	ssyncadd.s32 @!p0 $0xFFFFE000  }
0xd5: {  	[tilespmem:$0xB400] =	vst v0  }
0xd6: {  	[tilespmem:$0xB410] =	vst v0  }
0xd7: {  	[tilespmem:$0xB420] =	vst v0  }
0xd8: {  	[tilespmem:$0xB430] =	vst v0  }
0xd9: {  	[tilespmem:$0xB440] =	vst v0  }
0xda: {  	[tilespmem:$0xB450] =	vst v0  }
0xdb: {  	[tilespmem:$0xB460] =	vst v0  }
0xdc: {  	[tilespmem:$0xB470] =	vst v0  }
0xdd: {  	[tilespmem:$0xB480] =	vst v0  }
0xde: {  	[tilespmem:$0xB490] =	vst v0  }
0xdf: {  	[tilespmem:$0xB4A0] =	vst v0  }
0xe0: {  	[tilespmem:$0xB4B0] =	vst v0  }
0xe1: {  	[tilespmem:$0xB4C0] =	vst v0  }
0xe2: {  	[tilespmem:$0xB4D0] =	vst v0  }
0xe3: {  	[tilespmem:$0xB4E0] =	vst v0  }
0xe4: {  	[tilespmem:$0xB4F0] =	vst v0  }
0xe5: {  	[tilespmem:$0xB500] =	vst v0  }
0xe6: {  	[tilespmem:$0xB510] =	vst v0  }
0xe7: {  	[tilespmem:$0xB520] =	vst v0  }
0xe8: {  	[tilespmem:$0xB530] =	vst v0  }
0xe9: {  	[tilespmem:$0xB540] =	vst v0  }
0xea: {  	[tilespmem:$0xB550] =	vst v0  }
0xeb: {  	[tilespmem:$0xB560] =	vst v0  }
0xec: {  	[tilespmem:$0xB570] =	vst v0  }
0xed: {  	[tilespmem:$0xB580] =	vst v0  }
0xee: {  	[tilespmem:$0xB590] =	vst v0  }
0xef: {  	[tilespmem:$0xB5A0] =	vst v0  }
0xf0: {  	[tilespmem:$0xB5B0] =	vst v0  }
0xf1: {  	[tilespmem:$0xB5C0] =	vst v0  }
0xf2: {  	[tilespmem:$0xB5D0] =	vst v0  }
0xf3: {  	[tilespmem:$0xB5E0] =	vst v0  }
0xf4: {  	[tilespmem:$0xB5F0] =	vst v0  }
0xf5: {  	[tilespmem:$0xB600] =	vst v0  }
0xf6: {  	[tilespmem:$0xB610] =	vst v0  }
0xf7: {  	[tilespmem:$0xB620] =	vst v0  }
0xf8: {  	[tilespmem:$0xB630] =	vst v0  }
0xf9: {  	[tilespmem:$0xB640] =	vst v0  }
0xfa: {  	[tilespmem:$0xB650] =	vst v0  }
0xfb: {  	[tilespmem:$0xB660] =	vst v0  }
0xfc: {  	[tilespmem:$0xB670] =	vst v0  }
0xfd: {  	[tilespmem:$0xB680] =	vst v0  }
0xfe: {  	[tilespmem:$0xB690] =	vst v0  }
0xff: {  	[tilespmem:$0xB6A0] =	vst v0  }
0x100: {  	[tilespmem:$0xB6B0] =	vst v0  }
0x101: {  	[tilespmem:$0xB6C0] =	vst v0  }
0x102: {  	[tilespmem:$0xB6D0] =	vst v0  }
0x103: {  	[tilespmem:$0xB6E0] =	vst v0  }
0x104: {  	[tilespmem:$0xB6F0] =	vst v0  }
0x105: {  	[tilespmem:$0xB700] =	vst v0  }
0x106: {  	[tilespmem:$0xB710] =	vst v0  }
0x107: {  	[tilespmem:$0xB720] =	vst v0  }
0x108: {  	[tilespmem:$0xB730] =	vst v0  }
0x109: {  	[tilespmem:$0xB740] =	vst v0  }
0x10a: {  	[tilespmem:$0xB750] =	vst v0  }
0x10b: {  	[tilespmem:$0xB760] =	vst v0  }
0x10c: {  	[tilespmem:$0xB770] =	vst v0  }
0x10d: {  	[tilespmem:$0xB780] =	vst v0  }
0x10e: {  	[tilespmem:$0xB790] =	vst v0  }
0x10f: {  	[tilespmem:$0xB7A0] =	vst v0  }
0x110: {  	[tilespmem:$0xB7B0] =	vst v0  }
0x111: {  	[tilespmem:$0xB7C0] =	vst v0  }
0x112: {  	s13 =	sld [smem:$0x7FC];
	[tilespmem:$0xB7D0] =	vst v0  }
0x113: {  	[tilespmem:$0xB7E0] =	vst v0  }
0x114: {  	s12 =	simm.s32 $0xB400;
	s14 =	sld [smem:$0x7D6];
	[tilespmem:$0xB7F0] =	vst v0  }
0x115: {  	[spmem:s13] =	stream.linear.scatter [tilespmem:s12], [sflag:$0x6], $0x400, $0x38;
	[tilespmem:$0x1F480] =	vst v63  }
0x116: {  	s15 =	sld [smem:$0x7D7]  }
0x117: {  	[spmem:s14] =	stream.linear.scatter [tilespmem:s12], [sflag:$0x7], $0x400, $0x38;
	[tilespmem:$0x1F480] =	vst v63  }
0x118: {  	s13 =	sld [smem:$0x7D8]  }
0x119: {  	[spmem:s15] =	stream.linear.scatter [tilespmem:s12], [sflag:$0x8], $0x400, $0x38;
	[tilespmem:$0x1F480] =	vst v63  }
0x11a: {  	s14 =	sld [smem:$0x7D9]  }
0x11b: {  	[spmem:s13] =	stream.linear.scatter [tilespmem:s12], [sflag:$0x9], $0x400, $0x38;
	[tilespmem:$0x1F480] =	vst v63  }
0x11c: {  	s15 =	sld [smem:$0x7DA]  }
0x11d: {  	[spmem:s14] =	stream.linear.scatter [tilespmem:s12], [sflag:$0xA], $0x400, $0x38;
	[tilespmem:$0x1F480] =	vst v63  }
0x11e: {  	s13 =	sld [smem:$0x7DB]  }
0x11f: {  	[spmem:s15] =	stream.linear.scatter [tilespmem:s12], [sflag:$0x6], $0x400, $0x38;
	[tilespmem:$0x1F480] =	vst v63  }
0x120: {  	s14 =	sld [smem:$0x7DC]  }
0x121: {  	[spmem:s13] =	stream.linear.scatter [tilespmem:s12], [sflag:$0x7], $0x400, $0x38;
	[tilespmem:$0x1F480] =	vst v63  }
0x122: {  	s15 =	sld [smem:$0x7DD]  }
0x123: {  	[spmem:s14] =	stream.linear.scatter [tilespmem:s12], [sflag:$0x8], $0x400, $0x38;
	[tilespmem:$0x1F480] =	vst v63  }
0x124: {  	s13 =	sld [smem:$0x7DE]  }
0x125: {  	[spmem:s15] =	stream.linear.scatter [tilespmem:s12], [sflag:$0x9], $0x400, $0x38;
	[tilespmem:$0x1F480] =	vst v63  }
0x126: {  	s14 =	sld [smem:$0x7DF]  }
0x127: {  	[spmem:s13] =	stream.linear.scatter [tilespmem:s12], [sflag:$0xA], $0x400, $0x38;
	[tilespmem:$0x1F480] =	vst v63  }
0x128: {  	s15 =	sld [smem:$0x7E0]  }
0x129: {  	[spmem:s14] =	stream.linear.scatter [tilespmem:s12], [sflag:$0x6], $0x400, $0x38;
	[tilespmem:$0x1F480] =	vst v63  }
0x12a: {  	s13 =	sld [smem:$0x7E1]  }
0x12b: {  	[spmem:s15] =	stream.linear.scatter [tilespmem:s12], [sflag:$0x7], $0x400, $0x38;
	[tilespmem:$0x1F480] =	vst v63  }
0x12c: {  	s14 =	sld [smem:$0x7E2]  }
0x12d: {  	[spmem:s13] =	stream.linear.scatter [tilespmem:s12], [sflag:$0x8], $0x400, $0x38;
	[tilespmem:$0x1F480] =	vst v63  }
0x12e: {  	s15 =	sld [smem:$0x7E3]  }
0x12f: {  	[spmem:s14] =	stream.linear.scatter [tilespmem:s12], [sflag:$0x9], $0x400, $0x38;
	[tilespmem:$0x1F480] =	vst v63  }
0x130: {  	s13 =	sld [smem:$0x7E4]  }
0x131: {  	[spmem:s15] =	stream.linear.scatter [tilespmem:s12], [sflag:$0xA], $0x400, $0x38;
	[tilespmem:$0x1F480] =	vst v63  }
0x132: {  	s14 =	sld [smem:$0x7E5]  }
0x133: {  	[spmem:s13] =	stream.linear.scatter [tilespmem:s12], [sflag:$0x6], $0x400, $0x38;
	[tilespmem:$0x1F480] =	vst v63  }
0x134: {  	s15 =	sld [smem:$0x7E6]  }
0x135: {  	[spmem:s14] =	stream.linear.scatter [tilespmem:s12], [sflag:$0x7], $0x400, $0x38;
	[tilespmem:$0x1F480] =	vst v63  }
0x136: {  	s13 =	sld [smem:$0x7E7]  }
0x137: {  	[spmem:s15] =	stream.linear.scatter [tilespmem:s12], [sflag:$0x8], $0x400, $0x38;
	[tilespmem:$0x1F480] =	vst v63  }
0x138: {  	s14 =	sld [smem:$0x7E8]  }
0x139: {  	[spmem:s13] =	stream.linear.scatter [tilespmem:s12], [sflag:$0x9], $0x400, $0x38;
	[tilespmem:$0x1F480] =	vst v63  }
0x13a: {  	s15 =	sld [smem:$0x7E9]  }
0x13b: {  	[spmem:s14] =	stream.linear.scatter [tilespmem:s12], [sflag:$0xA], $0x400, $0x38;
	[tilespmem:$0x1F480] =	vst v63  }
0x13c: {  	s13 =	sld [smem:$0x7EA]  }
0x13d: {  	[spmem:s15] =	stream.linear.scatter [tilespmem:s12], [sflag:$0x6], $0x400, $0x38;
	[tilespmem:$0x1F480] =	vst v63  }
0x13e: {  	s14 =	sld [smem:$0x7EB]  }
0x13f: {  	[spmem:s13] =	stream.linear.scatter [tilespmem:s12], [sflag:$0x7], $0x400, $0x38;
	[tilespmem:$0x1F480] =	vst v63  }
0x140: {  	s15 =	sld [smem:$0x7EC]  }
0x141: {  	[spmem:s14] =	stream.linear.scatter [tilespmem:s12], [sflag:$0x8], $0x400, $0x38;
	[tilespmem:$0x1F480] =	vst v63  }
0x142: {  	s13 =	sld [smem:$0x7ED]  }
0x143: {  	[spmem:s15] =	stream.linear.scatter [tilespmem:s12], [sflag:$0x9], $0x400, $0x38;
	[tilespmem:$0x1F480] =	vst v63  }
0x144: {  	s14 =	sld [smem:$0x7EE]  }
0x145: {  	[spmem:s13] =	stream.linear.scatter [tilespmem:s12], [sflag:$0xA], $0x400, $0x38;
	[tilespmem:$0x1F480] =	vst v63  }
0x146: {  	s15 =	sld [smem:$0x7EF]  }
0x147: {  	[spmem:s14] =	stream.linear.scatter [tilespmem:s12], [sflag:$0x6], $0x400, $0x38;
	[tilespmem:$0x1F480] =	vst v63  }
0x148: {  	s13 =	sld [smem:$0x7F0]  }
0x149: {  	[spmem:s15] =	stream.linear.scatter [tilespmem:s12], [sflag:$0x7], $0x400, $0x38;
	[tilespmem:$0x1F480] =	vst v63  }
0x14a: {  	s14 =	sld [smem:$0x7F1]  }
0x14b: {  	[spmem:s13] =	stream.linear.scatter [tilespmem:s12], [sflag:$0x8], $0x400, $0x38;
	[tilespmem:$0x1F480] =	vst v63  }
0x14c: {  	s15 =	sld [smem:$0x7F2]  }
0x14d: {  	[spmem:s14] =	stream.linear.scatter [tilespmem:s12], [sflag:$0x9], $0x400, $0x38;
	[tilespmem:$0x1F480] =	vst v63  }
0x14e: {  	s13 =	sld [smem:$0x7F3]  }
0x14f: {  	[spmem:s15] =	stream.linear.scatter [tilespmem:s12], [sflag:$0xA], $0x400, $0x38;
	[tilespmem:$0x1F480] =	vst v63  }
0x150: {  	s14 =	sld [smem:$0x7F4]  }
0x151: {  	[spmem:s13] =	stream.linear.scatter [tilespmem:s12], [sflag:$0x6], $0x400, $0x38;
	[tilespmem:$0x1F480] =	vst v63  }
0x152: {  	s15 =	sld [smem:$0x7F5]  }
0x153: {  	[spmem:s14] =	stream.linear.scatter [tilespmem:s12], [sflag:$0x7], $0x400, $0x38;
	[tilespmem:$0x1F480] =	vst v63  }
0x154: {  	s13 =	sld [smem:$0x7F6]  }
0x155: {  	[spmem:s15] =	stream.linear.scatter [tilespmem:s12], [sflag:$0x8], $0x400, $0x38;
	[tilespmem:$0x1F480] =	vst v63  }
0x156: {  	s14 =	sld [smem:$0x7F7]  }
0x157: {  	[spmem:s13] =	stream.linear.scatter [tilespmem:s12], [sflag:$0x9], $0x400, $0x38;
	[tilespmem:$0x1F480] =	vst v63  }
0x158: {  	s15 =	sld [smem:$0x7F8]  }
0x159: {  	[spmem:s14] =	stream.linear.scatter [tilespmem:s12], [sflag:$0xA], $0x400, $0x38;
	[tilespmem:$0x1F480] =	vst v63  }
0x15a: {  	s13 =	sld [smem:$0x7F9]  }
0x15b: {  	[spmem:s15] =	stream.linear.scatter [tilespmem:s12], [sflag:$0x6], $0x400, $0x38;
	[tilespmem:$0x1F480] =	vst v63  }
0x15c: {  	s14 =	sld [smem:$0x7FA]  }
0x15d: {  	[spmem:s13] =	stream.linear.scatter [tilespmem:s12], [sflag:$0x7], $0x400, $0x38;
	[tilespmem:$0x1F480] =	vst v63  }
0x15e: {  	s15 =	sld [smem:$0x7FB]  }
0x15f: {  	[spmem:s14] =	stream.linear.scatter [tilespmem:s12], [sflag:$0x8], $0x400, $0x38;
	[tilespmem:$0x1F480] =	vst v63  }
0x160: {  	s13 =	sld [smem:$0x7FD]  }
0x161: {  	[spmem:s15] =	stream.linear.scatter [tilespmem:s12], [sflag:$0x9], $0x400, $0x38;
	[tilespmem:$0x1F480] =	vst v63  }
0x162: {  	_ = 	snop  }
0x163: {  	[spmem:s13] =	stream.linear.scatter [tilespmem:s12], [sflag:$0xA], $0x400, $0x38;
	[tilespmem:$0x1F480] =	vst v63  }
0x164: {  	_ =	swait.ge [sflag:s16], $0x2000  }
0x165: {  	[sflag:s16] =	ssyncset.done $0x0  }
0x166: {  	[sflag:s16] =	ssyncadd.s32 $0xFFFFE000  }
0x167: {  	_ =	swait.ge [sflag:s17], $0x2000  }
0x168: {  	[sflag:s17] =	ssyncset.done $0x0  }
0x169: {  	[sflag:s17] =	ssyncadd.s32 $0xFFFFE000  }
0x16a: {  	_ =	swait.ge [sflag:s18], $0x2000  }
0x16b: {  	[sflag:s18] =	ssyncset.done $0x0  }
0x16c: {  	[sflag:s18] =	ssyncadd.s32 $0xFFFFE000  }
0x16d: {  	_ =	swait.ge [sflag:s19], $0x2000  }
0x16e: {  	[sflag:s19] =	ssyncset.done $0x0  }
0x16f: {  	[sflag:s19] =	ssyncadd.s32 $0xFFFFE000  }
0x170: {  	_ =	swait.ge [sflag:s20], $0x2000  }
0x171: {  	[sflag:s20] =	ssyncset.done $0x0  }
0x172: {  	[sflag:s20] =	ssyncadd.s32 $0xFFFFE000  }
0x173: {  	[bflag:$0x0] =	sbarrier.arrive $0xFFFF  }
0x174: {  	s14 =	rddreg [dreg:$0x8]  }
0x175: {  	s15 =	rddreg [dreg:$0x7];
	s11 =	sadd.s32 $0x0, s14  }
0x176: {  	[tilespmem:s4], [sflag:$0x1] =	stream.linear.gather [hbm4b:s11+s4], $0xA00, $0x38;
	[tilespmem:$0x1F480] =	vst v63  }
0x177: {  	s12 =	sadd.s32 $0x0, s15  }
0x178: {  	[tilespmem:s21], [sflag:$0x2] =	stream.linear.gather [hbm4b:s12+s4], $0xA00, $0x38;
	[tilespmem:$0x1F480] =	vst v63  }
0x179: {  	_ =	swait.ge [sflag:s22], $0xA00  }
0x17a: {  	[sflag:s22] =	ssyncset.done $0x0  }
0x17b: {  	[sflag:s22] =	ssyncadd.s32 $0xFFFFF600  }
0x17c: {  	_ =	swait.ge [sflag:s23], $0xA00  }
0x17d: {  	[sflag:s23] =	ssyncset.done $0x0  }
0x17e: {  	[sflag:s23] =	ssyncadd.s32 $0xFFFFF600  }
0x17f: {  	[tilespmem:s25], [sflag:$0x1] =	stream.indirect.gather [spmem:s1], $0x40, s4, s24, $0xb8;
	[tilespmem:$0x1F480] =	vst v63  }
0x180: {  	_ = 	snop  }
0x181: {  	[tilespmem:s26], [sflag:$0x2] =	stream.indirect.gather [spmem:s1], $0x40, s24, s24, $0xb8;
	[tilespmem:$0x1F480] =	vst v63  }
0x182: {  	s13 =	rddreg [dreg:$0x9]  }
0x183: {  	[tilespmem:s28], [sflag:$0x3] =	stream.indirect.gather [spmem:s1], $0x40, s13, s24, $0xb8;
	[tilespmem:$0x1F480] =	vst v63  }
0x184: {  	s14 =	rddreg [dreg:$0xa]  }
0x185: {  	[tilespmem:s29], [sflag:$0x4] =	stream.indirect.gather [spmem:s1], $0x40, s14, s24, $0xb8;
	[tilespmem:$0x1F480] =	vst v63  }
0x186: {  	s15 =	rddreg [dreg:$0xb]  }
0x187: {  	[tilespmem:s30], [sflag:$0x5] =	stream.indirect.gather [spmem:s1], $0x40, s15, s24, $0xb8;
	[tilespmem:$0x1F480] =	vst v63  }
0x188: {  	_ =	swait.ge [sflag:s22], $0x2000  }
0x189: {  	[sflag:s22] =	ssyncset.done $0x0  }
0x18a: {  	[sflag:s22] =	ssyncadd.s32 $0xFFFFE000  }
0x18b: {  	[spmem:s2] =	stream.indirect.scatter.add.f32 [tilespmem:s25], [sflag:$0x6], $0x40, s21, s24, $0xb8;
	[tilespmem:$0x1F480] =	vst v63  }
0x18c: {  	_ =	swait.ge [sflag:s23], $0x2000  }
0x18d: {  	[sflag:s23] =	ssyncset.done $0x0  }
0x18e: {  	s12 =	rddreg [dreg:$0xc];
	[sflag:s23] =	ssyncadd.s32 $0xFFFFE000  }
0x18f: {  	[spmem:s2] =	stream.indirect.scatter.add.f32 [tilespmem:s26], [sflag:$0x7], $0x40, s12, s24, $0xb8;
	[tilespmem:$0x1F480] =	vst v63  }
0x190: {  	_ =	swait.ge [sflag:s31], $0x2000  }
0x191: {  	[sflag:s31] =	ssyncset.done $0x0  }
0x192: {  	s13 =	rddreg [dreg:$0xd];
	[sflag:s31] =	ssyncadd.s32 $0xFFFFE000  }
0x193: {  	[spmem:s2] =	stream.indirect.scatter.add.f32 [tilespmem:s28], [sflag:$0x8], $0x40, s13, s24, $0xb8;
	[tilespmem:$0x1F480] =	vst v63  }
0x194: {  	_ =	swait.ge [sflag:s0], $0x2000  }
0x195: {  	[sflag:s0] =	ssyncset.done $0x0  }
0x196: {  	s14 =	rddreg [dreg:$0xe];
	[sflag:s0] =	ssyncadd.s32 $0xFFFFE000  }
0x197: {  	[spmem:s2] =	stream.indirect.scatter.add.f32 [tilespmem:s29], [sflag:$0x9], $0x40, s14, s24, $0xb8;
	[tilespmem:$0x1F480] =	vst v63  }
0x198: {  	_ =	swait.ge [sflag:s3], $0x2000  }
0x199: {  	[sflag:s3] =	ssyncset.done $0x0  }
0x19a: {  	s15 =	rddreg [dreg:$0xf];
	[sflag:s3] =	ssyncadd.s32 $0xFFFFE000  }
0x19b: {  	[spmem:s2] =	stream.indirect.scatter.add.f32 [tilespmem:s30], [sflag:$0xA], $0x40, s15, s24, $0xb8;
	[tilespmem:$0x1F480] =	vst v63  }
0x19c: {  	_ =	swait.ge [sflag:s16], $0x2000  }
0x19d: {  	[sflag:s16] =	ssyncset.done $0x0  }
0x19e: {  	s12 =	rddreg [dreg:$0x10];
	[sflag:s16] =	ssyncadd.s32 $0xFFFFE000  }
0x19f: {  	[tilespmem:s25], [sflag:$0x1] =	stream.indirect.gather [spmem:s1], $0x40, s12, s24, $0xb8;
	[tilespmem:$0x1F480] =	vst v63  }
0x1a0: {  	_ =	swait.ge [sflag:s17], $0x2000  }
0x1a1: {  	[sflag:s17] =	ssyncset.done $0x0  }
0x1a2: {  	s13 =	rddreg [dreg:$0x11];
	[sflag:s17] =	ssyncadd.s32 $0xFFFFE000  }
0x1a3: {  	[tilespmem:s26], [sflag:$0x2] =	stream.indirect.gather [spmem:s1], $0x40, s13, s24, $0xb8;
	[tilespmem:$0x1F480] =	vst v63  }
0x1a4: {  	_ =	swait.ge [sflag:s18], $0x2000  }
0x1a5: {  	[sflag:s18] =	ssyncset.done $0x0  }
0x1a6: {  	s14 =	rddreg [dreg:$0x12];
	[sflag:s18] =	ssyncadd.s32 $0xFFFFE000  }
0x1a7: {  	[tilespmem:s28], [sflag:$0x3] =	stream.indirect.gather [spmem:s1], $0x40, s14, s24, $0xb8;
	[tilespmem:$0x1F480] =	vst v63  }
0x1a8: {  	_ =	swait.ge [sflag:s19], $0x2000  }
0x1a9: {  	[sflag:s19] =	ssyncset.done $0x0  }
0x1aa: {  	s15 =	rddreg [dreg:$0x13];
	[sflag:s19] =	ssyncadd.s32 $0xFFFFE000  }
0x1ab: {  	[tilespmem:s29], [sflag:$0x4] =	stream.indirect.gather [spmem:s1], $0x40, s15, s24, $0xb8;
	[tilespmem:$0x1F480] =	vst v63  }
0x1ac: {  	_ =	swait.ge [sflag:s20], $0x2000  }
0x1ad: {  	[sflag:s20] =	ssyncset.done $0x0  }
0x1ae: {  	s12 =	rddreg [dreg:$0x14];
	[sflag:s20] =	ssyncadd.s32 $0xFFFFE000  }
0x1af: {  	[tilespmem:s30], [sflag:$0x5] =	stream.indirect.gather [spmem:s1], $0x40, s12, s24, $0xb8;
	[tilespmem:$0x1F480] =	vst v63  }
0x1b0: {  	_ =	swait.ge [sflag:s22], $0x2000  }
0x1b1: {  	[sflag:s22] =	ssyncset.done $0x0  }
0x1b2: {  	s13 =	rddreg [dreg:$0x15];
	[sflag:s22] =	ssyncadd.s32 $0xFFFFE000  }
0x1b3: {  	[spmem:s2] =	stream.indirect.scatter.add.f32 [tilespmem:s25], [sflag:$0x6], $0x40, s13, s24, $0xb8;
	[tilespmem:$0x1F480] =	vst v63  }
0x1b4: {  	_ =	swait.ge [sflag:s23], $0x2000  }
0x1b5: {  	[sflag:s23] =	ssyncset.done $0x0  }
0x1b6: {  	s14 =	rddreg [dreg:$0x16];
	[sflag:s23] =	ssyncadd.s32 $0xFFFFE000  }
0x1b7: {  	[spmem:s2] =	stream.indirect.scatter.add.f32 [tilespmem:s26], [sflag:$0x7], $0x40, s14, s24, $0xb8;
	[tilespmem:$0x1F480] =	vst v63  }
0x1b8: {  	_ =	swait.ge [sflag:s31], $0x2000  }
0x1b9: {  	[sflag:s31] =	ssyncset.done $0x0  }
0x1ba: {  	s15 =	rddreg [dreg:$0x17];
	[sflag:s31] =	ssyncadd.s32 $0xFFFFE000  }
0x1bb: {  	[spmem:s2] =	stream.indirect.scatter.add.f32 [tilespmem:s28], [sflag:$0x8], $0x40, s15, s24, $0xb8;
	[tilespmem:$0x1F480] =	vst v63  }
0x1bc: {  	_ =	swait.ge [sflag:s0], $0x2000  }
0x1bd: {  	[sflag:s0] =	ssyncset.done $0x0  }
0x1be: {  	s12 =	rddreg [dreg:$0x18];
	[sflag:s0] =	ssyncadd.s32 $0xFFFFE000  }
0x1bf: {  	[spmem:s2] =	stream.indirect.scatter.add.f32 [tilespmem:s29], [sflag:$0x9], $0x40, s12, s24, $0xb8;
	[tilespmem:$0x1F480] =	vst v63  }
0x1c0: {  	_ =	swait.ge [sflag:s3], $0x2000  }
0x1c1: {  	[sflag:s3] =	ssyncset.done $0x0  }
0x1c2: {  	s13 =	rddreg [dreg:$0x19];
	[sflag:s3] =	ssyncadd.s32 $0xFFFFE000  }
0x1c3: {  	[spmem:s2] =	stream.indirect.scatter.add.f32 [tilespmem:s30], [sflag:$0xA], $0x40, s13, s24, $0xb8;
	[tilespmem:$0x1F480] =	vst v63  }
0x1c4: {  	_ =	swait.ge [sflag:s16], $0x2000  }
0x1c5: {  	[sflag:s16] =	ssyncset.done $0x0  }
0x1c6: {  	s14 =	rddreg [dreg:$0x1a];
	[sflag:s16] =	ssyncadd.s32 $0xFFFFE000  }
0x1c7: {  	[tilespmem:s25], [sflag:$0x1] =	stream.indirect.gather [spmem:s1], $0x40, s14, s24, $0xb8;
	[tilespmem:$0x1F480] =	vst v63  }
0x1c8: {  	_ =	swait.ge [sflag:s17], $0x2000  }
0x1c9: {  	[sflag:s17] =	ssyncset.done $0x0  }
0x1ca: {  	s15 =	rddreg [dreg:$0x1b];
	[sflag:s17] =	ssyncadd.s32 $0xFFFFE000  }
0x1cb: {  	[tilespmem:s26], [sflag:$0x2] =	stream.indirect.gather [spmem:s1], $0x40, s15, s24, $0xb8;
	[tilespmem:$0x1F480] =	vst v63  }
0x1cc: {  	_ =	swait.ge [sflag:s18], $0x2000  }
0x1cd: {  	[sflag:s18] =	ssyncset.done $0x0  }
0x1ce: {  	s12 =	simm.s32 $0x600;
	[sflag:s18] =	ssyncadd.s32 $0xFFFFE000  }
0x1cf: {  	[tilespmem:s28], [sflag:$0x3] =	stream.indirect.gather [spmem:s1], $0x40, s12, s24, $0xb8;
	[tilespmem:$0x1F480] =	vst v63  }
0x1d0: {  	_ =	swait.ge [sflag:s19], $0x2000  }
0x1d1: {  	[sflag:s19] =	ssyncset.done $0x0  }
0x1d2: {  	s13 =	rddreg [dreg:$0x1c];
	[sflag:s19] =	ssyncadd.s32 $0xFFFFE000  }
0x1d3: {  	[tilespmem:s29], [sflag:$0x4] =	stream.indirect.gather [spmem:s1], $0x40, s13, s24, $0xb8;
	[tilespmem:$0x1F480] =	vst v63  }
0x1d4: {  	_ =	swait.ge [sflag:s20], $0x2000  }
0x1d5: {  	[sflag:s20] =	ssyncset.done $0x0  }
0x1d6: {  	s14 =	rddreg [dreg:$0x1d];
	[sflag:s20] =	ssyncadd.s32 $0xFFFFE000  }
0x1d7: {  	[tilespmem:s30], [sflag:$0x5] =	stream.indirect.gather [spmem:s1], $0x40, s14, s24, $0xb8;
	[tilespmem:$0x1F480] =	vst v63  }
0x1d8: {  	_ =	swait.ge [sflag:s22], $0x2000  }
0x1d9: {  	[sflag:s22] =	ssyncset.done $0x0  }
0x1da: {  	s15 =	rddreg [dreg:$0x1e];
	[sflag:s22] =	ssyncadd.s32 $0xFFFFE000  }
0x1db: {  	[spmem:s2] =	stream.indirect.scatter.add.f32 [tilespmem:s25], [sflag:$0x6], $0x40, s15, s24, $0xb8;
	[tilespmem:$0x1F480] =	vst v63  }
0x1dc: {  	_ =	swait.ge [sflag:s23], $0x2000  }
0x1dd: {  	[sflag:s23] =	ssyncset.done $0x0  }
0x1de: {  	s12 =	rddreg [dreg:$0x1f];
	[sflag:s23] =	ssyncadd.s32 $0xFFFFE000  }
0x1df: {  	[spmem:s2] =	stream.indirect.scatter.add.f32 [tilespmem:s26], [sflag:$0x7], $0x40, s12, s24, $0xb8;
	[tilespmem:$0x1F480] =	vst v63  }
0x1e0: {  	_ =	swait.ge [sflag:s31], $0x2000  }
0x1e1: {  	s13 =	sld [smem:$0x7C2]  }
0x1e2: {  	[sflag:s31] =	ssyncset.done $0x0  }
0x1e3: {  	[sflag:s31] =	ssyncadd.s32 $0xFFFFE000  }
0x1e4: {  	[spmem:s2] =	stream.indirect.scatter.add.f32 [tilespmem:s28], [sflag:$0x8], $0x40, s13, s24, $0xb8;
	[tilespmem:$0x1F480] =	vst v63  }
0x1e5: {  	_ =	swait.ge [sflag:s0], $0x2000  }
0x1e6: {  	s14 =	sld [smem:$0x7C4]  }
0x1e7: {  	[sflag:s0] =	ssyncset.done $0x0  }
0x1e8: {  	[sflag:s0] =	ssyncadd.s32 $0xFFFFE000  }
0x1e9: {  	[spmem:s2] =	stream.indirect.scatter.add.f32 [tilespmem:s29], [sflag:$0x9], $0x40, s14, s24, $0xb8;
	[tilespmem:$0x1F480] =	vst v63  }
0x1ea: {  	_ =	swait.ge [sflag:s3], $0x2000  }
0x1eb: {  	s15 =	sld [smem:$0x7C6]  }
0x1ec: {  	[sflag:s3] =	ssyncset.done $0x0  }
0x1ed: {  	[sflag:s3] =	ssyncadd.s32 $0xFFFFE000  }
0x1ee: {  	[spmem:s2] =	stream.indirect.scatter.add.f32 [tilespmem:s30], [sflag:$0xA], $0x40, s15, s24, $0xb8;
	[tilespmem:$0x1F480] =	vst v63  }
0x1ef: {  	_ =	swait.ge [sflag:s16], $0x2000  }
0x1f0: {  	s12 =	sld [smem:$0x7C8]  }
0x1f1: {  	[sflag:s16] =	ssyncset.done $0x0  }
0x1f2: {  	[sflag:s16] =	ssyncadd.s32 $0xFFFFE000  }
0x1f3: {  	[tilespmem:s25], [sflag:$0x1] =	stream.indirect.gather [spmem:s1], $0x40, s12, s24, $0xb8;
	[tilespmem:$0x1F480] =	vst v63  }
0x1f4: {  	_ =	swait.ge [sflag:s17], $0x2000  }
0x1f5: {  	s13 =	sld [smem:$0x7CA]  }
0x1f6: {  	[sflag:s17] =	ssyncset.done $0x0  }
0x1f7: {  	[sflag:s17] =	ssyncadd.s32 $0xFFFFE000  }
0x1f8: {  	[tilespmem:s26], [sflag:$0x2] =	stream.indirect.gather [spmem:s1], $0x40, s13, s24, $0xb8;
	[tilespmem:$0x1F480] =	vst v63  }
0x1f9: {  	_ =	swait.ge [sflag:s18], $0x2000  }
0x1fa: {  	s14 =	sld [smem:$0x7CC]  }
0x1fb: {  	[sflag:s18] =	ssyncset.done $0x0  }
0x1fc: {  	[sflag:s18] =	ssyncadd.s32 $0xFFFFE000  }
0x1fd: {  	[tilespmem:s28], [sflag:$0x3] =	stream.indirect.gather [spmem:s1], $0x40, s14, s24, $0xb8;
	[tilespmem:$0x1F480] =	vst v63  }
0x1fe: {  	_ =	swait.ge [sflag:s19], $0x2000  }
0x1ff: {  	s15 =	sld [smem:$0x7CE]  }
0x200: {  	[sflag:s19] =	ssyncset.done $0x0  }
0x201: {  	[sflag:s19] =	ssyncadd.s32 $0xFFFFE000  }
0x202: {  	[tilespmem:s29], [sflag:$0x4] =	stream.indirect.gather [spmem:s1], $0x40, s15, s24, $0xb8;
	[tilespmem:$0x1F480] =	vst v63  }
0x203: {  	_ =	swait.ge [sflag:s20], $0x2000  }
0x204: {  	[sflag:s20] =	ssyncset.done $0x0  }
0x205: {  	[sflag:s20] =	ssyncadd.s32 $0xFFFFE000  }
0x206: {  	[tilespmem:s30], [sflag:$0x5] =	stream.indirect.gather [spmem:s1], $0x40, s5, s24, $0xb8;
	[tilespmem:$0x1F480] =	vst v63  }
0x207: {  	_ =	swait.ge [sflag:s22], $0x2000  }
0x208: {  	[sflag:s22] =	ssyncset.done $0x0  }
0x209: {  	[sflag:s22] =	ssyncadd.s32 $0xFFFFE000  }
0x20a: {  	[spmem:s2] =	stream.indirect.scatter.add.f32 [tilespmem:s25], [sflag:$0x6], $0x40, s6, s24, $0xb8;
	[tilespmem:$0x1F480] =	vst v63  }
0x20b: {  	_ =	swait.ge [sflag:s23], $0x2000  }
0x20c: {  	[sflag:s23] =	ssyncset.done $0x0  }
0x20d: {  	[sflag:s23] =	ssyncadd.s32 $0xFFFFE000  }
0x20e: {  	[spmem:s2] =	stream.indirect.scatter.add.f32 [tilespmem:s26], [sflag:$0x7], $0x40, s7, s24, $0xb8;
	[tilespmem:$0x1F480] =	vst v63  }
0x20f: {  	_ =	swait.ge [sflag:s31], $0x2000  }
0x210: {  	[sflag:s31] =	ssyncset.done $0x0  }
0x211: {  	[sflag:s31] =	ssyncadd.s32 $0xFFFFE000  }
0x212: {  	[spmem:s2] =	stream.indirect.scatter.add.f32 [tilespmem:s28], [sflag:$0x8], $0x40, s8, s24, $0xb8;
	[tilespmem:$0x1F480] =	vst v63  }
0x213: {  	_ =	swait.ge [sflag:s0], $0x2000  }
0x214: {  	[sflag:s0] =	ssyncset.done $0x0  }
0x215: {  	[sflag:s0] =	ssyncadd.s32 $0xFFFFE000  }
0x216: {  	[spmem:s2] =	stream.indirect.scatter.add.f32 [tilespmem:s29], [sflag:$0x9], $0x40, s9, s24, $0xb8;
	[tilespmem:$0x1F480] =	vst v63  }
0x217: {  	_ =	swait.ge [sflag:s3], $0x2000  }
0x218: {  	[sflag:s3] =	ssyncset.done $0x0  }
0x219: {  	[sflag:s3] =	ssyncadd.s32 $0xFFFFE000  }
0x21a: {  	[spmem:s2] =	stream.indirect.scatter.add.f32 [tilespmem:s30], [sflag:$0xA], $0x40, s10, s24, $0xb8;
	[tilespmem:$0x1F480] =	vst v63  }
0x21b: {  	_ =	swait.ge [sflag:s16], $0x2000  }
0x21c: {  	[sflag:s16] =	ssyncset.done $0x0  }
0x21d: {  	[sflag:s16] =	ssyncadd.s32 $0xFFFFE000  }
0x21e: {  	_ =	swait.ge [sflag:s17], $0x2000  }
0x21f: {  	[sflag:s17] =	ssyncset.done $0x0  }
0x220: {  	[sflag:s17] =	ssyncadd.s32 $0xFFFFE000  }
0x221: {  	_ =	swait.ge [sflag:s18], $0x2000  }
0x222: {  	[sflag:s18] =	ssyncset.done $0x0  }
0x223: {  	[sflag:s18] =	ssyncadd.s32 $0xFFFFE000  }
0x224: {  	_ =	swait.ge [sflag:s19], $0x2000  }
0x225: {  	[sflag:s19] =	ssyncset.done $0x0  }
0x226: {  	[sflag:s19] =	ssyncadd.s32 $0xFFFFE000  }
0x227: {  	s12 =	simm.s32 $0x140;
	_ =	swait.ge [sflag:s20], $0x2000  }
0x228: {  	s14 =	simm.s32 $0x280;
	s11 =	rddreg [dreg:$0x8];
	[sflag:s20] =	ssyncset.done $0x0  }
.LBB2_2:
0x229: {  	[sflag:s20] =	ssyncadd.s32 $0xFFFFE000;
	s13 =	rddreg [dreg:$0x7];
	s11 =	sadd.s32 s12, s11  }
0x22a: {  	[tilespmem:s4], [sflag:$0x1] =	stream.linear.gather [hbm4b:s11+s4], $0xA00, $0x38;
	[tilespmem:$0x1F480] =	vst v63  }
0x22b: {  	s13 =	sadd.s32 s12, s13  }
0x22c: {  	[tilespmem:s21], [sflag:$0x2] =	stream.linear.gather [hbm4b:s13+s4], $0xA00, $0x38;
	[tilespmem:$0x1F480] =	vst v63  }
0x22d: {  	_ =	swait.ge [sflag:s22], $0xA00  }
0x22e: {  	[sflag:s22] =	ssyncset.done $0x0  }
0x22f: {  	[sflag:s22] =	ssyncadd.s32 $0xFFFFF600  }
0x230: {  	_ =	swait.ge [sflag:s23], $0xA00  }
0x231: {  	[sflag:s23] =	ssyncset.done $0x0  }
0x232: {  	[sflag:s23] =	ssyncadd.s32 $0xFFFFF600  }
0x233: {  	[tilespmem:s25], [sflag:$0x1] =	stream.indirect.gather [spmem:s1], $0x40, s4, s24, $0xb8;
	[tilespmem:$0x1F480] =	vst v63  }
0x234: {  	s15 =	smov.u32 s14  }
0x235: {  	[tilespmem:s26], [sflag:$0x2] =	stream.indirect.gather [spmem:s1], $0x40, s24, s24, $0xb8;
	[tilespmem:$0x1F480] =	vst v63  }
0x236: {  	s12 =	smov.u32 s15;
	s15 =	rddreg [dreg:$0x9]  }
0x237: {  	[tilespmem:s28], [sflag:$0x3] =	stream.indirect.gather [spmem:s1], $0x40, s15, s24, $0xb8;
	[tilespmem:$0x1F480] =	vst v63  }
0x238: {  	s13 =	rddreg [dreg:$0xa]  }
0x239: {  	[tilespmem:s29], [sflag:$0x4] =	stream.indirect.gather [spmem:s1], $0x40, s13, s24, $0xb8;
	[tilespmem:$0x1F480] =	vst v63  }
0x23a: {  	s15 =	rddreg [dreg:$0xb]  }
0x23b: {  	[tilespmem:s30], [sflag:$0x5] =	stream.indirect.gather [spmem:s1], $0x40, s15, s24, $0xb8;
	[tilespmem:$0x1F480] =	vst v63  }
0x23c: {  	_ =	swait.ge [sflag:s22], $0x2000  }
0x23d: {  	[sflag:s22] =	ssyncset.done $0x0  }
0x23e: {  	[sflag:s22] =	ssyncadd.s32 $0xFFFFE000  }
0x23f: {  	[spmem:s2] =	stream.indirect.scatter.add.f32 [tilespmem:s25], [sflag:$0x6], $0x40, s21, s24, $0xb8;
	[tilespmem:$0x1F480] =	vst v63  }
0x240: {  	_ =	swait.ge [sflag:s23], $0x2000  }
0x241: {  	[sflag:s23] =	ssyncset.done $0x0  }
0x242: {  	s13 =	rddreg [dreg:$0xc];
	[sflag:s23] =	ssyncadd.s32 $0xFFFFE000  }
0x243: {  	[spmem:s2] =	stream.indirect.scatter.add.f32 [tilespmem:s26], [sflag:$0x7], $0x40, s13, s24, $0xb8;
	[tilespmem:$0x1F480] =	vst v63  }
0x244: {  	_ =	swait.ge [sflag:s31], $0x2000  }
0x245: {  	[sflag:s31] =	ssyncset.done $0x0  }
0x246: {  	s15 =	rddreg [dreg:$0xd];
	[sflag:s31] =	ssyncadd.s32 $0xFFFFE000  }
0x247: {  	[spmem:s2] =	stream.indirect.scatter.add.f32 [tilespmem:s28], [sflag:$0x8], $0x40, s15, s24, $0xb8;
	[tilespmem:$0x1F480] =	vst v63  }
0x248: {  	_ =	swait.ge [sflag:s0], $0x2000  }
0x249: {  	[sflag:s0] =	ssyncset.done $0x0  }
0x24a: {  	s13 =	rddreg [dreg:$0xe];
	[sflag:s0] =	ssyncadd.s32 $0xFFFFE000  }
0x24b: {  	[spmem:s2] =	stream.indirect.scatter.add.f32 [tilespmem:s29], [sflag:$0x9], $0x40, s13, s24, $0xb8;
	[tilespmem:$0x1F480] =	vst v63  }
0x24c: {  	_ =	swait.ge [sflag:s3], $0x2000  }
0x24d: {  	[sflag:s3] =	ssyncset.done $0x0  }
0x24e: {  	s15 =	rddreg [dreg:$0xf];
	[sflag:s3] =	ssyncadd.s32 $0xFFFFE000  }
0x24f: {  	[spmem:s2] =	stream.indirect.scatter.add.f32 [tilespmem:s30], [sflag:$0xA], $0x40, s15, s24, $0xb8;
	[tilespmem:$0x1F480] =	vst v63  }
0x250: {  	_ =	swait.ge [sflag:s16], $0x2000  }
0x251: {  	[sflag:s16] =	ssyncset.done $0x0  }
0x252: {  	s13 =	rddreg [dreg:$0x10];
	[sflag:s16] =	ssyncadd.s32 $0xFFFFE000  }
0x253: {  	[tilespmem:s25], [sflag:$0x1] =	stream.indirect.gather [spmem:s1], $0x40, s13, s24, $0xb8;
	[tilespmem:$0x1F480] =	vst v63  }
0x254: {  	_ =	swait.ge [sflag:s17], $0x2000  }
0x255: {  	[sflag:s17] =	ssyncset.done $0x0  }
0x256: {  	s15 =	rddreg [dreg:$0x11];
	[sflag:s17] =	ssyncadd.s32 $0xFFFFE000  }
0x257: {  	[tilespmem:s26], [sflag:$0x2] =	stream.indirect.gather [spmem:s1], $0x40, s15, s24, $0xb8;
	[tilespmem:$0x1F480] =	vst v63  }
0x258: {  	_ =	swait.ge [sflag:s18], $0x2000  }
0x259: {  	[sflag:s18] =	ssyncset.done $0x0  }
0x25a: {  	s13 =	rddreg [dreg:$0x12];
	[sflag:s18] =	ssyncadd.s32 $0xFFFFE000  }
0x25b: {  	[tilespmem:s28], [sflag:$0x3] =	stream.indirect.gather [spmem:s1], $0x40, s13, s24, $0xb8;
	[tilespmem:$0x1F480] =	vst v63  }
0x25c: {  	_ =	swait.ge [sflag:s19], $0x2000  }
0x25d: {  	[sflag:s19] =	ssyncset.done $0x0  }
0x25e: {  	s15 =	rddreg [dreg:$0x13];
	[sflag:s19] =	ssyncadd.s32 $0xFFFFE000  }
0x25f: {  	[tilespmem:s29], [sflag:$0x4] =	stream.indirect.gather [spmem:s1], $0x40, s15, s24, $0xb8;
	[tilespmem:$0x1F480] =	vst v63  }
0x260: {  	_ =	swait.ge [sflag:s20], $0x2000  }
0x261: {  	[sflag:s20] =	ssyncset.done $0x0  }
0x262: {  	s13 =	rddreg [dreg:$0x14];
	[sflag:s20] =	ssyncadd.s32 $0xFFFFE000  }
0x263: {  	[tilespmem:s30], [sflag:$0x5] =	stream.indirect.gather [spmem:s1], $0x40, s13, s24, $0xb8;
	[tilespmem:$0x1F480] =	vst v63  }
0x264: {  	_ =	swait.ge [sflag:s22], $0x2000  }
0x265: {  	[sflag:s22] =	ssyncset.done $0x0  }
0x266: {  	s15 =	rddreg [dreg:$0x15];
	[sflag:s22] =	ssyncadd.s32 $0xFFFFE000  }
0x267: {  	[spmem:s2] =	stream.indirect.scatter.add.f32 [tilespmem:s25], [sflag:$0x6], $0x40, s15, s24, $0xb8;
	[tilespmem:$0x1F480] =	vst v63  }
0x268: {  	_ =	swait.ge [sflag:s23], $0x2000  }
0x269: {  	[sflag:s23] =	ssyncset.done $0x0  }
0x26a: {  	s13 =	rddreg [dreg:$0x16];
	[sflag:s23] =	ssyncadd.s32 $0xFFFFE000  }
0x26b: {  	[spmem:s2] =	stream.indirect.scatter.add.f32 [tilespmem:s26], [sflag:$0x7], $0x40, s13, s24, $0xb8;
	[tilespmem:$0x1F480] =	vst v63  }
0x26c: {  	_ =	swait.ge [sflag:s31], $0x2000  }
0x26d: {  	[sflag:s31] =	ssyncset.done $0x0  }
0x26e: {  	s15 =	rddreg [dreg:$0x17];
	[sflag:s31] =	ssyncadd.s32 $0xFFFFE000  }
0x26f: {  	[spmem:s2] =	stream.indirect.scatter.add.f32 [tilespmem:s28], [sflag:$0x8], $0x40, s15, s24, $0xb8;
	[tilespmem:$0x1F480] =	vst v63  }
0x270: {  	_ =	swait.ge [sflag:s0], $0x2000  }
0x271: {  	[sflag:s0] =	ssyncset.done $0x0  }
0x272: {  	s13 =	rddreg [dreg:$0x18];
	[sflag:s0] =	ssyncadd.s32 $0xFFFFE000  }
0x273: {  	[spmem:s2] =	stream.indirect.scatter.add.f32 [tilespmem:s29], [sflag:$0x9], $0x40, s13, s24, $0xb8;
	[tilespmem:$0x1F480] =	vst v63  }
0x274: {  	_ =	swait.ge [sflag:s3], $0x2000  }
0x275: {  	[sflag:s3] =	ssyncset.done $0x0  }
0x276: {  	s15 =	rddreg [dreg:$0x19];
	[sflag:s3] =	ssyncadd.s32 $0xFFFFE000  }
0x277: {  	[spmem:s2] =	stream.indirect.scatter.add.f32 [tilespmem:s30], [sflag:$0xA], $0x40, s15, s24, $0xb8;
	[tilespmem:$0x1F480] =	vst v63  }
0x278: {  	_ =	swait.ge [sflag:s16], $0x2000  }
0x279: {  	[sflag:s16] =	ssyncset.done $0x0  }
0x27a: {  	s13 =	rddreg [dreg:$0x1a];
	[sflag:s16] =	ssyncadd.s32 $0xFFFFE000  }
0x27b: {  	[tilespmem:s25], [sflag:$0x1] =	stream.indirect.gather [spmem:s1], $0x40, s13, s24, $0xb8;
	[tilespmem:$0x1F480] =	vst v63  }
0x27c: {  	_ =	swait.ge [sflag:s17], $0x2000  }
0x27d: {  	[sflag:s17] =	ssyncset.done $0x0  }
0x27e: {  	s15 =	rddreg [dreg:$0x1b];
	[sflag:s17] =	ssyncadd.s32 $0xFFFFE000  }
0x27f: {  	[tilespmem:s26], [sflag:$0x2] =	stream.indirect.gather [spmem:s1], $0x40, s15, s24, $0xb8;
	[tilespmem:$0x1F480] =	vst v63  }
0x280: {  	_ =	swait.ge [sflag:s18], $0x2000  }
0x281: {  	[sflag:s18] =	ssyncset.done $0x0  }
0x282: {  	s13 =	simm.s32 $0x600;
	[sflag:s18] =	ssyncadd.s32 $0xFFFFE000  }
0x283: {  	[tilespmem:s28], [sflag:$0x3] =	stream.indirect.gather [spmem:s1], $0x40, s13, s24, $0xb8;
	[tilespmem:$0x1F480] =	vst v63  }
0x284: {  	_ =	swait.ge [sflag:s19], $0x2000  }
0x285: {  	[sflag:s19] =	ssyncset.done $0x0  }
0x286: {  	s15 =	rddreg [dreg:$0x1c];
	[sflag:s19] =	ssyncadd.s32 $0xFFFFE000  }
0x287: {  	[tilespmem:s29], [sflag:$0x4] =	stream.indirect.gather [spmem:s1], $0x40, s15, s24, $0xb8;
	[tilespmem:$0x1F480] =	vst v63  }
0x288: {  	_ =	swait.ge [sflag:s20], $0x2000  }
0x289: {  	[sflag:s20] =	ssyncset.done $0x0  }
0x28a: {  	s13 =	rddreg [dreg:$0x1d];
	[sflag:s20] =	ssyncadd.s32 $0xFFFFE000  }
0x28b: {  	[tilespmem:s30], [sflag:$0x5] =	stream.indirect.gather [spmem:s1], $0x40, s13, s24, $0xb8;
	[tilespmem:$0x1F480] =	vst v63  }
0x28c: {  	_ =	swait.ge [sflag:s22], $0x2000  }
0x28d: {  	[sflag:s22] =	ssyncset.done $0x0  }
0x28e: {  	s15 =	rddreg [dreg:$0x1e];
	[sflag:s22] =	ssyncadd.s32 $0xFFFFE000  }
0x28f: {  	[spmem:s2] =	stream.indirect.scatter.add.f32 [tilespmem:s25], [sflag:$0x6], $0x40, s15, s24, $0xb8;
	[tilespmem:$0x1F480] =	vst v63  }
0x290: {  	_ =	swait.ge [sflag:s23], $0x2000  }
0x291: {  	[sflag:s23] =	ssyncset.done $0x0  }
0x292: {  	s13 =	rddreg [dreg:$0x1f];
	[sflag:s23] =	ssyncadd.s32 $0xFFFFE000  }
0x293: {  	[spmem:s2] =	stream.indirect.scatter.add.f32 [tilespmem:s26], [sflag:$0x7], $0x40, s13, s24, $0xb8;
	[tilespmem:$0x1F480] =	vst v63  }
0x294: {  	_ =	swait.ge [sflag:s31], $0x2000  }
0x295: {  	s15 =	sld [smem:$0x7C2]  }
0x296: {  	[sflag:s31] =	ssyncset.done $0x0  }
0x297: {  	[sflag:s31] =	ssyncadd.s32 $0xFFFFE000  }
0x298: {  	[spmem:s2] =	stream.indirect.scatter.add.f32 [tilespmem:s28], [sflag:$0x8], $0x40, s15, s24, $0xb8;
	[tilespmem:$0x1F480] =	vst v63  }
0x299: {  	_ =	swait.ge [sflag:s0], $0x2000  }
0x29a: {  	s13 =	sld [smem:$0x7C4]  }
0x29b: {  	[sflag:s0] =	ssyncset.done $0x0  }
0x29c: {  	[sflag:s0] =	ssyncadd.s32 $0xFFFFE000  }
0x29d: {  	[spmem:s2] =	stream.indirect.scatter.add.f32 [tilespmem:s29], [sflag:$0x9], $0x40, s13, s24, $0xb8;
	[tilespmem:$0x1F480] =	vst v63  }
0x29e: {  	_ =	swait.ge [sflag:s3], $0x2000  }
0x29f: {  	s15 =	sld [smem:$0x7C6]  }
0x2a0: {  	[sflag:s3] =	ssyncset.done $0x0  }
0x2a1: {  	[sflag:s3] =	ssyncadd.s32 $0xFFFFE000  }
0x2a2: {  	[spmem:s2] =	stream.indirect.scatter.add.f32 [tilespmem:s30], [sflag:$0xA], $0x40, s15, s24, $0xb8;
	[tilespmem:$0x1F480] =	vst v63  }
0x2a3: {  	_ =	swait.ge [sflag:s16], $0x2000  }
0x2a4: {  	s13 =	sld [smem:$0x7C8]  }
0x2a5: {  	[sflag:s16] =	ssyncset.done $0x0  }
0x2a6: {  	[sflag:s16] =	ssyncadd.s32 $0xFFFFE000  }
0x2a7: {  	[tilespmem:s25], [sflag:$0x1] =	stream.indirect.gather [spmem:s1], $0x40, s13, s24, $0xb8;
	[tilespmem:$0x1F480] =	vst v63  }
0x2a8: {  	_ =	swait.ge [sflag:s17], $0x2000  }
0x2a9: {  	s15 =	sld [smem:$0x7CA]  }
0x2aa: {  	[sflag:s17] =	ssyncset.done $0x0  }
0x2ab: {  	[sflag:s17] =	ssyncadd.s32 $0xFFFFE000  }
0x2ac: {  	[tilespmem:s26], [sflag:$0x2] =	stream.indirect.gather [spmem:s1], $0x40, s15, s24, $0xb8;
	[tilespmem:$0x1F480] =	vst v63  }
0x2ad: {  	_ =	swait.ge [sflag:s18], $0x2000  }
0x2ae: {  	s13 =	sld [smem:$0x7CC]  }
0x2af: {  	[sflag:s18] =	ssyncset.done $0x0  }
0x2b0: {  	[sflag:s18] =	ssyncadd.s32 $0xFFFFE000  }
0x2b1: {  	[tilespmem:s28], [sflag:$0x3] =	stream.indirect.gather [spmem:s1], $0x40, s13, s24, $0xb8;
	[tilespmem:$0x1F480] =	vst v63  }
0x2b2: {  	_ =	swait.ge [sflag:s19], $0x2000  }
0x2b3: {  	s15 =	sld [smem:$0x7CE]  }
0x2b4: {  	[sflag:s19] =	ssyncset.done $0x0  }
0x2b5: {  	[sflag:s19] =	ssyncadd.s32 $0xFFFFE000  }
0x2b6: {  	[tilespmem:s29], [sflag:$0x4] =	stream.indirect.gather [spmem:s1], $0x40, s15, s24, $0xb8;
	[tilespmem:$0x1F480] =	vst v63  }
0x2b7: {  	_ =	swait.ge [sflag:s20], $0x2000  }
0x2b8: {  	[sflag:s20] =	ssyncset.done $0x0  }
0x2b9: {  	[sflag:s20] =	ssyncadd.s32 $0xFFFFE000  }
0x2ba: {  	[tilespmem:s30], [sflag:$0x5] =	stream.indirect.gather [spmem:s1], $0x40, s5, s24, $0xb8;
	[tilespmem:$0x1F480] =	vst v63  }
0x2bb: {  	_ =	swait.ge [sflag:s22], $0x2000  }
0x2bc: {  	[sflag:s22] =	ssyncset.done $0x0  }
0x2bd: {  	[sflag:s22] =	ssyncadd.s32 $0xFFFFE000  }
0x2be: {  	[spmem:s2] =	stream.indirect.scatter.add.f32 [tilespmem:s25], [sflag:$0x6], $0x40, s6, s24, $0xb8;
	[tilespmem:$0x1F480] =	vst v63  }
0x2bf: {  	_ =	swait.ge [sflag:s23], $0x2000  }
0x2c0: {  	[sflag:s23] =	ssyncset.done $0x0  }
0x2c1: {  	[sflag:s23] =	ssyncadd.s32 $0xFFFFE000  }
0x2c2: {  	[spmem:s2] =	stream.indirect.scatter.add.f32 [tilespmem:s26], [sflag:$0x7], $0x40, s7, s24, $0xb8;
	[tilespmem:$0x1F480] =	vst v63  }
0x2c3: {  	_ =	swait.ge [sflag:s31], $0x2000  }
0x2c4: {  	[sflag:s31] =	ssyncset.done $0x0  }
0x2c5: {  	[sflag:s31] =	ssyncadd.s32 $0xFFFFE000  }
0x2c6: {  	[spmem:s2] =	stream.indirect.scatter.add.f32 [tilespmem:s28], [sflag:$0x8], $0x40, s8, s24, $0xb8;
	[tilespmem:$0x1F480] =	vst v63  }
0x2c7: {  	_ =	swait.ge [sflag:s0], $0x2000  }
0x2c8: {  	[sflag:s0] =	ssyncset.done $0x0  }
0x2c9: {  	[sflag:s0] =	ssyncadd.s32 $0xFFFFE000  }
0x2ca: {  	[spmem:s2] =	stream.indirect.scatter.add.f32 [tilespmem:s29], [sflag:$0x9], $0x40, s9, s24, $0xb8;
	[tilespmem:$0x1F480] =	vst v63  }
0x2cb: {  	_ =	swait.ge [sflag:s3], $0x2000  }
0x2cc: {  	[sflag:s3] =	ssyncset.done $0x0  }
0x2cd: {  	[sflag:s3] =	ssyncadd.s32 $0xFFFFE000  }
0x2ce: {  	[spmem:s2] =	stream.indirect.scatter.add.f32 [tilespmem:s30], [sflag:$0xA], $0x40, s10, s24, $0xb8;
	[tilespmem:$0x1F480] =	vst v63  }
0x2cf: {  	_ =	swait.ge [sflag:s16], $0x2000  }
0x2d0: {  	[sflag:s16] =	ssyncset.done $0x0  }
0x2d1: {  	[sflag:s16] =	ssyncadd.s32 $0xFFFFE000  }
0x2d2: {  	_ =	swait.ge [sflag:s17], $0x2000  }
0x2d3: {  	[sflag:s17] =	ssyncset.done $0x0  }
0x2d4: {  	[sflag:s17] =	ssyncadd.s32 $0xFFFFE000  }
0x2d5: {  	_ =	swait.ge [sflag:s18], $0x2000  }
0x2d6: {  	[sflag:s18] =	ssyncset.done $0x0  }
0x2d7: {  	p1 =	sne.s32 s14, $0x8C0;
	[sflag:s18] =	ssyncadd.s32 $0xFFFFE000  }
.Ltmp0:
0x2d8: {  	_ =	swait.ge [sflag:s19], $0x2000;
	(pc) =	sbr.rel @p1 .LBB2_2-.Ltmp0, $4  }
0x2d9: {  	[sflag:s19] =	ssyncset.done $0x0  }
0x2da: {  	[sflag:s19] =	ssyncadd.s32 $0xFFFFE000  }
0x2db: {  	_ =	swait.ge [sflag:s20], $0x2000  }
0x2dc: {  	s14 =	sadd.s32 $0x140, s14;
	s11 =	rddreg [dreg:$0x8];
	[sflag:s20] =	ssyncset.done $0x0  }
0x2dd: {  	s13 =	rddreg [dreg:$0x7];
	[sflag:s20] =	ssyncadd.s32 $0xFFFFE000;
	s11 =	sadd.s32 s12, s11  }
0x2de: {  	[tilespmem:s4], [sflag:$0x1] =	stream.linear.gather [hbm4b:s11+s4], $0xA00, $0x38;
	[tilespmem:$0x1F480] =	vst v63  }
0x2df: {  	s13 =	sadd.s32 s12, s13  }
0x2e0: {  	[tilespmem:s21], [sflag:$0x2] =	stream.linear.gather [hbm4b:s13+s4], $0xA00, $0x38;
	[tilespmem:$0x1F480] =	vst v63  }
0x2e1: {  	_ =	swait.ge [sflag:s22], $0xA00  }
0x2e2: {  	[sflag:s22] =	ssyncset.done $0x0  }
0x2e3: {  	[sflag:s22] =	ssyncadd.s32 $0xFFFFF600  }
0x2e4: {  	_ =	swait.ge [sflag:s23], $0xA00  }
0x2e5: {  	[sflag:s23] =	ssyncset.done $0x0  }
0x2e6: {  	[sflag:s23] =	ssyncadd.s32 $0xFFFFF600  }
0x2e7: {  	[tilespmem:s25], [sflag:$0x1] =	stream.indirect.gather [spmem:s1], $0x40, s4, s24, $0xb8;
	[tilespmem:$0x1F480] =	vst v63  }
0x2e8: {  	_ = 	snop  }
0x2e9: {  	[tilespmem:s26], [sflag:$0x2] =	stream.indirect.gather [spmem:s1], $0x40, s24, s24, $0xb8;
	[tilespmem:$0x1F480] =	vst v63  }
0x2ea: {  	s14 =	rddreg [dreg:$0x9]  }
0x2eb: {  	[tilespmem:s28], [sflag:$0x3] =	stream.indirect.gather [spmem:s1], $0x40, s14, s24, $0xb8;
	[tilespmem:$0x1F480] =	vst v63  }
0x2ec: {  	s15 =	rddreg [dreg:$0xa]  }
0x2ed: {  	[tilespmem:s29], [sflag:$0x4] =	stream.indirect.gather [spmem:s1], $0x40, s15, s24, $0xb8;
	[tilespmem:$0x1F480] =	vst v63  }
0x2ee: {  	s13 =	rddreg [dreg:$0xb]  }
0x2ef: {  	[tilespmem:s30], [sflag:$0x5] =	stream.indirect.gather [spmem:s1], $0x40, s13, s24, $0xb8;
	[tilespmem:$0x1F480] =	vst v63  }
0x2f0: {  	_ =	swait.ge [sflag:s22], $0x2000  }
0x2f1: {  	[sflag:s22] =	ssyncset.done $0x0  }
0x2f2: {  	[sflag:s22] =	ssyncadd.s32 $0xFFFFE000  }
0x2f3: {  	[spmem:s2] =	stream.indirect.scatter.add.f32 [tilespmem:s25], [sflag:$0x6], $0x40, s21, s24, $0xb8;
	[tilespmem:$0x1F480] =	vst v63  }
0x2f4: {  	_ =	swait.ge [sflag:s23], $0x2000  }
0x2f5: {  	[sflag:s23] =	ssyncset.done $0x0  }
0x2f6: {  	s14 =	rddreg [dreg:$0xc];
	[sflag:s23] =	ssyncadd.s32 $0xFFFFE000  }
0x2f7: {  	[spmem:s2] =	stream.indirect.scatter.add.f32 [tilespmem:s26], [sflag:$0x7], $0x40, s14, s24, $0xb8;
	[tilespmem:$0x1F480] =	vst v63  }
0x2f8: {  	_ =	swait.ge [sflag:s31], $0x2000  }
0x2f9: {  	[sflag:s31] =	ssyncset.done $0x0  }
0x2fa: {  	s15 =	rddreg [dreg:$0xd];
	[sflag:s31] =	ssyncadd.s32 $0xFFFFE000  }
0x2fb: {  	[spmem:s2] =	stream.indirect.scatter.add.f32 [tilespmem:s28], [sflag:$0x8], $0x40, s15, s24, $0xb8;
	[tilespmem:$0x1F480] =	vst v63  }
0x2fc: {  	_ =	swait.ge [sflag:s0], $0x2000  }
0x2fd: {  	[sflag:s0] =	ssyncset.done $0x0  }
0x2fe: {  	s12 =	rddreg [dreg:$0xe];
	[sflag:s0] =	ssyncadd.s32 $0xFFFFE000  }
0x2ff: {  	[spmem:s2] =	stream.indirect.scatter.add.f32 [tilespmem:s29], [sflag:$0x9], $0x40, s12, s24, $0xb8;
	[tilespmem:$0x1F480] =	vst v63  }
0x300: {  	_ =	swait.ge [sflag:s3], $0x2000  }
0x301: {  	[sflag:s3] =	ssyncset.done $0x0  }
0x302: {  	s13 =	rddreg [dreg:$0xf];
	[sflag:s3] =	ssyncadd.s32 $0xFFFFE000  }
0x303: {  	[spmem:s2] =	stream.indirect.scatter.add.f32 [tilespmem:s30], [sflag:$0xA], $0x40, s13, s24, $0xb8;
	[tilespmem:$0x1F480] =	vst v63  }
0x304: {  	_ =	swait.ge [sflag:s16], $0x2000  }
0x305: {  	[sflag:s16] =	ssyncset.done $0x0  }
0x306: {  	s14 =	rddreg [dreg:$0x10];
	[sflag:s16] =	ssyncadd.s32 $0xFFFFE000  }
0x307: {  	[tilespmem:s25], [sflag:$0x1] =	stream.indirect.gather [spmem:s1], $0x40, s14, s24, $0xb8;
	[tilespmem:$0x1F480] =	vst v63  }
0x308: {  	_ =	swait.ge [sflag:s17], $0x2000  }
0x309: {  	[sflag:s17] =	ssyncset.done $0x0  }
0x30a: {  	s15 =	rddreg [dreg:$0x11];
	[sflag:s17] =	ssyncadd.s32 $0xFFFFE000  }
0x30b: {  	[tilespmem:s26], [sflag:$0x2] =	stream.indirect.gather [spmem:s1], $0x40, s15, s24, $0xb8;
	[tilespmem:$0x1F480] =	vst v63  }
0x30c: {  	_ =	swait.ge [sflag:s18], $0x2000  }
0x30d: {  	[sflag:s18] =	ssyncset.done $0x0  }
0x30e: {  	s12 =	rddreg [dreg:$0x12];
	[sflag:s18] =	ssyncadd.s32 $0xFFFFE000  }
0x30f: {  	[tilespmem:s28], [sflag:$0x3] =	stream.indirect.gather [spmem:s1], $0x40, s12, s24, $0xb8;
	[tilespmem:$0x1F480] =	vst v63  }
0x310: {  	_ =	swait.ge [sflag:s19], $0x2000  }
0x311: {  	[sflag:s19] =	ssyncset.done $0x0  }
0x312: {  	s13 =	rddreg [dreg:$0x13];
	[sflag:s19] =	ssyncadd.s32 $0xFFFFE000  }
0x313: {  	[tilespmem:s29], [sflag:$0x4] =	stream.indirect.gather [spmem:s1], $0x40, s13, s24, $0xb8;
	[tilespmem:$0x1F480] =	vst v63  }
0x314: {  	_ =	swait.ge [sflag:s20], $0x2000  }
0x315: {  	[sflag:s20] =	ssyncset.done $0x0  }
0x316: {  	s14 =	rddreg [dreg:$0x14];
	[sflag:s20] =	ssyncadd.s32 $0xFFFFE000  }
0x317: {  	[tilespmem:s30], [sflag:$0x5] =	stream.indirect.gather [spmem:s1], $0x40, s14, s24, $0xb8;
	[tilespmem:$0x1F480] =	vst v63  }
0x318: {  	_ =	swait.ge [sflag:s22], $0x2000  }
0x319: {  	[sflag:s22] =	ssyncset.done $0x0  }
0x31a: {  	s15 =	rddreg [dreg:$0x15];
	[sflag:s22] =	ssyncadd.s32 $0xFFFFE000  }
0x31b: {  	[spmem:s2] =	stream.indirect.scatter.add.f32 [tilespmem:s25], [sflag:$0x6], $0x40, s15, s24, $0xb8;
	[tilespmem:$0x1F480] =	vst v63  }
0x31c: {  	_ =	swait.ge [sflag:s23], $0x2000  }
0x31d: {  	[sflag:s23] =	ssyncset.done $0x0  }
0x31e: {  	s12 =	rddreg [dreg:$0x16];
	[sflag:s23] =	ssyncadd.s32 $0xFFFFE000  }
0x31f: {  	[spmem:s2] =	stream.indirect.scatter.add.f32 [tilespmem:s26], [sflag:$0x7], $0x40, s12, s24, $0xb8;
	[tilespmem:$0x1F480] =	vst v63  }
0x320: {  	_ =	swait.ge [sflag:s31], $0x2000  }
0x321: {  	[sflag:s31] =	ssyncset.done $0x0  }
0x322: {  	s13 =	rddreg [dreg:$0x17];
	[sflag:s31] =	ssyncadd.s32 $0xFFFFE000  }
0x323: {  	[spmem:s2] =	stream.indirect.scatter.add.f32 [tilespmem:s28], [sflag:$0x8], $0x40, s13, s24, $0xb8;
	[tilespmem:$0x1F480] =	vst v63  }
0x324: {  	_ =	swait.ge [sflag:s0], $0x2000  }
0x325: {  	[sflag:s0] =	ssyncset.done $0x0  }
0x326: {  	s14 =	rddreg [dreg:$0x18];
	[sflag:s0] =	ssyncadd.s32 $0xFFFFE000  }
0x327: {  	[spmem:s2] =	stream.indirect.scatter.add.f32 [tilespmem:s29], [sflag:$0x9], $0x40, s14, s24, $0xb8;
	[tilespmem:$0x1F480] =	vst v63  }
0x328: {  	_ =	swait.ge [sflag:s3], $0x2000  }
0x329: {  	[sflag:s3] =	ssyncset.done $0x0  }
0x32a: {  	s15 =	rddreg [dreg:$0x19];
	[sflag:s3] =	ssyncadd.s32 $0xFFFFE000  }
0x32b: {  	[spmem:s2] =	stream.indirect.scatter.add.f32 [tilespmem:s30], [sflag:$0xA], $0x40, s15, s24, $0xb8;
	[tilespmem:$0x1F480] =	vst v63  }
0x32c: {  	_ =	swait.ge [sflag:s16], $0x2000  }
0x32d: {  	[sflag:s16] =	ssyncset.done $0x0  }
0x32e: {  	s12 =	rddreg [dreg:$0x1a];
	[sflag:s16] =	ssyncadd.s32 $0xFFFFE000  }
0x32f: {  	[tilespmem:s25], [sflag:$0x1] =	stream.indirect.gather [spmem:s1], $0x40, s12, s24, $0xb8;
	[tilespmem:$0x1F480] =	vst v63  }
0x330: {  	_ =	swait.ge [sflag:s17], $0x2000  }
0x331: {  	[sflag:s17] =	ssyncset.done $0x0  }
0x332: {  	s13 =	rddreg [dreg:$0x1b];
	[sflag:s17] =	ssyncadd.s32 $0xFFFFE000  }
0x333: {  	[tilespmem:s26], [sflag:$0x2] =	stream.indirect.gather [spmem:s1], $0x40, s13, s24, $0xb8;
	[tilespmem:$0x1F480] =	vst v63  }
0x334: {  	_ =	swait.ge [sflag:s18], $0x2000  }
0x335: {  	[sflag:s18] =	ssyncset.done $0x0  }
0x336: {  	s14 =	simm.s32 $0x600;
	[sflag:s18] =	ssyncadd.s32 $0xFFFFE000  }
0x337: {  	[tilespmem:s28], [sflag:$0x3] =	stream.indirect.gather [spmem:s1], $0x40, s14, s24, $0xb8;
	[tilespmem:$0x1F480] =	vst v63  }
0x338: {  	_ =	swait.ge [sflag:s19], $0x2000  }
0x339: {  	[sflag:s19] =	ssyncset.done $0x0  }
0x33a: {  	s15 =	rddreg [dreg:$0x1c];
	[sflag:s19] =	ssyncadd.s32 $0xFFFFE000  }
0x33b: {  	[tilespmem:s29], [sflag:$0x4] =	stream.indirect.gather [spmem:s1], $0x40, s15, s24, $0xb8;
	[tilespmem:$0x1F480] =	vst v63  }
0x33c: {  	_ =	swait.ge [sflag:s20], $0x2000  }
0x33d: {  	[sflag:s20] =	ssyncset.done $0x0  }
0x33e: {  	s12 =	rddreg [dreg:$0x1d];
	[sflag:s20] =	ssyncadd.s32 $0xFFFFE000  }
0x33f: {  	[tilespmem:s30], [sflag:$0x5] =	stream.indirect.gather [spmem:s1], $0x40, s12, s24, $0xb8;
	[tilespmem:$0x1F480] =	vst v63  }
0x340: {  	_ =	swait.ge [sflag:s22], $0x2000  }
0x341: {  	[sflag:s22] =	ssyncset.done $0x0  }
0x342: {  	s13 =	rddreg [dreg:$0x1e];
	[sflag:s22] =	ssyncadd.s32 $0xFFFFE000  }
0x343: {  	[spmem:s2] =	stream.indirect.scatter.add.f32 [tilespmem:s25], [sflag:$0x6], $0x40, s13, s24, $0xb8;
	[tilespmem:$0x1F480] =	vst v63  }
0x344: {  	_ =	swait.ge [sflag:s23], $0x2000  }
0x345: {  	[sflag:s23] =	ssyncset.done $0x0  }
0x346: {  	s14 =	rddreg [dreg:$0x1f];
	[sflag:s23] =	ssyncadd.s32 $0xFFFFE000  }
0x347: {  	[spmem:s2] =	stream.indirect.scatter.add.f32 [tilespmem:s26], [sflag:$0x7], $0x40, s14, s24, $0xb8;
	[tilespmem:$0x1F480] =	vst v63  }
0x348: {  	_ =	swait.ge [sflag:s31], $0x2000  }
0x349: {  	s15 =	sld [smem:$0x7C2]  }
0x34a: {  	[sflag:s31] =	ssyncset.done $0x0  }
0x34b: {  	[sflag:s31] =	ssyncadd.s32 $0xFFFFE000  }
0x34c: {  	[spmem:s2] =	stream.indirect.scatter.add.f32 [tilespmem:s28], [sflag:$0x8], $0x40, s15, s24, $0xb8;
	[tilespmem:$0x1F480] =	vst v63  }
0x34d: {  	_ =	swait.ge [sflag:s0], $0x2000  }
0x34e: {  	s12 =	sld [smem:$0x7C4]  }
0x34f: {  	[sflag:s0] =	ssyncset.done $0x0  }
0x350: {  	[sflag:s0] =	ssyncadd.s32 $0xFFFFE000  }
0x351: {  	[spmem:s2] =	stream.indirect.scatter.add.f32 [tilespmem:s29], [sflag:$0x9], $0x40, s12, s24, $0xb8;
	[tilespmem:$0x1F480] =	vst v63  }
0x352: {  	_ =	swait.ge [sflag:s3], $0x2000  }
0x353: {  	s13 =	sld [smem:$0x7C6]  }
0x354: {  	[sflag:s3] =	ssyncset.done $0x0  }
0x355: {  	[sflag:s3] =	ssyncadd.s32 $0xFFFFE000  }
0x356: {  	[spmem:s2] =	stream.indirect.scatter.add.f32 [tilespmem:s30], [sflag:$0xA], $0x40, s13, s24, $0xb8;
	[tilespmem:$0x1F480] =	vst v63  }
0x357: {  	_ =	swait.ge [sflag:s16], $0x2000  }
0x358: {  	s14 =	sld [smem:$0x7C8]  }
0x359: {  	[sflag:s16] =	ssyncset.done $0x0  }
0x35a: {  	[sflag:s16] =	ssyncadd.s32 $0xFFFFE000  }
0x35b: {  	[tilespmem:s25], [sflag:$0x1] =	stream.indirect.gather [spmem:s1], $0x40, s14, s24, $0xb8;
	[tilespmem:$0x1F480] =	vst v63  }
0x35c: {  	_ =	swait.ge [sflag:s17], $0x2000  }
0x35d: {  	s15 =	sld [smem:$0x7CA]  }
0x35e: {  	[sflag:s17] =	ssyncset.done $0x0  }
0x35f: {  	[sflag:s17] =	ssyncadd.s32 $0xFFFFE000  }
0x360: {  	[tilespmem:s26], [sflag:$0x2] =	stream.indirect.gather [spmem:s1], $0x40, s15, s24, $0xb8;
	[tilespmem:$0x1F480] =	vst v63  }
0x361: {  	_ =	swait.ge [sflag:s18], $0x2000  }
0x362: {  	s12 =	sld [smem:$0x7CC]  }
0x363: {  	[sflag:s18] =	ssyncset.done $0x0  }
0x364: {  	[sflag:s18] =	ssyncadd.s32 $0xFFFFE000  }
0x365: {  	[tilespmem:s28], [sflag:$0x3] =	stream.indirect.gather [spmem:s1], $0x40, s12, s24, $0xb8;
	[tilespmem:$0x1F480] =	vst v63  }
0x366: {  	_ =	swait.ge [sflag:s19], $0x2000  }
0x367: {  	s13 =	sld [smem:$0x7CE]  }
0x368: {  	[sflag:s19] =	ssyncset.done $0x0  }
0x369: {  	[sflag:s19] =	ssyncadd.s32 $0xFFFFE000  }
0x36a: {  	[tilespmem:s29], [sflag:$0x4] =	stream.indirect.gather [spmem:s1], $0x40, s13, s24, $0xb8;
	[tilespmem:$0x1F480] =	vst v63  }
0x36b: {  	_ =	swait.ge [sflag:s20], $0x2000  }
0x36c: {  	[sflag:s20] =	ssyncset.done $0x0  }
0x36d: {  	[sflag:s20] =	ssyncadd.s32 $0xFFFFE000  }
0x36e: {  	[tilespmem:s30], [sflag:$0x5] =	stream.indirect.gather [spmem:s1], $0x40, s5, s24, $0xb8;
	[tilespmem:$0x1F480] =	vst v63  }
0x36f: {  	_ =	swait.ge [sflag:s22], $0x2000  }
0x370: {  	[sflag:s22] =	ssyncset.done $0x0  }
0x371: {  	[sflag:s22] =	ssyncadd.s32 $0xFFFFE000  }
0x372: {  	[spmem:s2] =	stream.indirect.scatter.add.f32 [tilespmem:s25], [sflag:$0x6], $0x40, s6, s24, $0xb8;
	[tilespmem:$0x1F480] =	vst v63  }
0x373: {  	_ =	swait.ge [sflag:s23], $0x2000  }
0x374: {  	[sflag:s23] =	ssyncset.done $0x0  }
0x375: {  	[sflag:s23] =	ssyncadd.s32 $0xFFFFE000  }
0x376: {  	[spmem:s2] =	stream.indirect.scatter.add.f32 [tilespmem:s26], [sflag:$0x7], $0x40, s7, s24, $0xb8;
	[tilespmem:$0x1F480] =	vst v63  }
0x377: {  	_ =	swait.ge [sflag:s31], $0x2000  }
0x378: {  	[sflag:s31] =	ssyncset.done $0x0  }
0x379: {  	[sflag:s31] =	ssyncadd.s32 $0xFFFFE000  }
0x37a: {  	[spmem:s2] =	stream.indirect.scatter.add.f32 [tilespmem:s28], [sflag:$0x8], $0x40, s8, s24, $0xb8;
	[tilespmem:$0x1F480] =	vst v63  }
0x37b: {  	_ =	swait.ge [sflag:s0], $0x2000  }
0x37c: {  	[sflag:s0] =	ssyncset.done $0x0  }
0x37d: {  	[sflag:s0] =	ssyncadd.s32 $0xFFFFE000  }
0x37e: {  	[spmem:s2] =	stream.indirect.scatter.add.f32 [tilespmem:s29], [sflag:$0x9], $0x40, s9, s24, $0xb8;
	[tilespmem:$0x1F480] =	vst v63  }
0x37f: {  	_ =	swait.ge [sflag:s3], $0x2000  }
0x380: {  	[sflag:s3] =	ssyncset.done $0x0  }
0x381: {  	[sflag:s3] =	ssyncadd.s32 $0xFFFFE000  }
0x382: {  	[spmem:s2] =	stream.indirect.scatter.add.f32 [tilespmem:s30], [sflag:$0xA], $0x40, s10, s24, $0xb8;
	[tilespmem:$0x1F480] =	vst v63  }
0x383: {  	_ =	swait.ge [sflag:s16], $0x2000  }
0x384: {  	[sflag:s16] =	ssyncset.done $0x0  }
0x385: {  	[sflag:s16] =	ssyncadd.s32 $0xFFFFE000  }
0x386: {  	_ =	swait.ge [sflag:s17], $0x2000  }
0x387: {  	[sflag:s17] =	ssyncset.done $0x0  }
0x388: {  	[sflag:s17] =	ssyncadd.s32 $0xFFFFE000  }
0x389: {  	_ =	swait.ge [sflag:s18], $0x2000  }
0x38a: {  	[sflag:s18] =	ssyncset.done $0x0  }
0x38b: {  	[sflag:s18] =	ssyncadd.s32 $0xFFFFE000  }
0x38c: {  	_ =	swait.ge [sflag:s19], $0x2000  }
0x38d: {  	[sflag:s19] =	ssyncset.done $0x0  }
0x38e: {  	[sflag:s19] =	ssyncadd.s32 $0xFFFFE000  }
0x38f: {  	_ =	swait.ge [sflag:s20], $0x2000  }
0x390: {  	[sflag:s20] =	ssyncset.done $0x0  }
0x391: {  	[sflag:s20] =	ssyncadd.s32 $0xFFFFE000  }
0x392: {  	[bflag:$0x0] =	sbarrier.arrive $0xFFFF  }
0x393: {  	s15 =	sld [smem:$0x7BB]  }
0x394: {  	s11 =	sld [smem:$0x7D1]  }
0x395: {  	s14 =	simm.s32 @p0 $0x1FCB  }
0x396: {  	s12 =	simm.s32 @p0 $0x1;
	s13 =	simm.s32 @p0 $0x10;
	s5 =	simm.s32 @p0 $0x8  }
0x397: {  	[hbm:s15@s13], [sflag:s14] =	dma.strided @p0 [spmem:s11@s5], $0x1400, s12, $0x8   }
0x398: {  	s11 =	simm.s32 @p0 $0xB  }
0x399: {  	s12 =	stileid.u32;
	_ =	swait.ge @p0 [sflag:s11], $0x1400  }
0x39a: {  	s12 =	sshll.u32 @!p0 s12, $0x6;
	[sflag:s11] =	ssyncset.done @p0 $0x0;
	s15 =	sld [smem:$0x7BA]  }
0x39b: {  	[sflag:s11] =	ssyncadd.s32 @p0 $0xFFFFEC00;
	s11 =	sor.u32 @!p0 $0x1C0B, s12;
	s12 =	sld [smem:$0x7D2]  }
0x39c: {  	[smem:$0x7B6] =	sst s11  }
0x39d: {  	s5 =	sld [smem:$0x7B6];
	_ =	sdelay $0x1  }
0x39e: {  	s14 =	simm.s32 @!p0 $0x8;
	s13 =	simm.s32 @!p0 $0x1;
	s11 =	simm.s32 @!p0 $0x10  }
0x39f: {  	[hbm:s15@s11], [sflag:s5] =	dma.strided @!p0 [spmem:s12@s14], $0x1380, s13, $0x8   }
0x3a0: {  	s11 =	simm.s32 @!p0 $0xB  }
0x3a1: {  	_ =	swait.ge @!p0 [sflag:s11], $0x1380  }
0x3a2: {  	s14 =	sld [smem:$0x7B7]  }
0x3a3: {  	s15 =	sld [smem:$0x7BC];
	_ =	sdelay $0x1  }
0x3a4: {  	s13 =	sadd.s32 $0x1, s14  }
0x3a5: {  	p1 =	sne.s32 s13, s15  }
.Ltmp1:
0x3a6: {  	_ = 	snop;
	(pc) =	sbr.rel @p1 .LBB2_1-.Ltmp1, $3  }
0x3a7: {  	_ =	sdelay $0x1  }
0x3a8: {  	[sflag:s11] =	ssyncset.done @!p0 $0x0  }
0x3a9: {  	s5 =	simm.s32 $0x980;
	[sflag:s11] =	ssyncadd.s32 @!p0 $0xFFFFEC80  }
0x3aa: {  	_ =	sfence.sel $0x180000  }
0x3ab: {  	[bflag:$0x0] =	sbarrier.arrive $0xFFFF  }
0x3ac: {  	_ =	strace $0x90000047  }
0x3ad: {  	s0 =	stileid.u32;
	[bflag:$0x2] =	sbarrier.arrive $0xFFFF  }
0x3ae: {  	p0 =	sne.s32 s0, $0x0;
	s0 =	rddreg [dreg:$0x6]  }
0x3af: {  	s0 =	sadd.s32 @!p0 $0x100000, s0  }
0x3b0: {  	[sflag:s0] =	ssyncadd.tile.s32 @!p0 $0x1;
	_ =	shalt  }
.Lfunc_end2:
_tile_overlayer_lowered:
.L_overlay_start_2:
0x3b1: {  	(tag) =	ssettag $0x2  }
0x3b2: {  	s0 =	rddreg [dreg:$0x0];
	s2 =	stileid.u32  }
0x3b3: {  	s1 =	rddreg [dreg:$0x1];
	p0 =	sne.s32 s2, $0x0  }
0x3b4: {  	s3 =	rddreg [dreg:$0x2];
	[bflag:$0x3] =	sbarrier.arrive $0xFFFF;
	s2 =	simm.s32 @!p0 $0x1C0B  }
0x3b5: {  	[timem:s3], [sflag:s2] =	dma.local @!p0 [hbm:s0], s1  }
0x3b6: {  	s0 =	simm.s32 @!p0 $0xB  }
0x3b7: {  	_ =	swait.ge @!p0 [sflag:s0], s1  }
0x3b8: {  	s1 =	ssub.s32 @!p0 $0x0, s1;
	[sflag:s0] =	ssyncset.done @!p0 $0x0  }
0x3b9: {  	[sflag:s0] =	ssyncadd.s32 @!p0 s1  }
0x3ba: {  	[bflag:$0x3] =	sbarrier.arrive $0xFFFF  }
0x3bb: {  	_ =	shalt  }

</sc_bundles>
